<compile_context>
chip_gen: v7x
topology: tpu7x:2x2x1
jax: 0.10.2.dev20260603
libtpu: 0.0.44.dev20260713+nightly
codegen_flags: <defaults>
</compile_context>

<pallas_src>
import functools

import jax
import jax.numpy as jnp
from jax import lax
from jax.experimental import pallas as pl
from jax.experimental.pallas import tpu as pltpu
from jax.experimental.pallas import tpu_sc as plsc

L = 16
NW = 32
R = 32
NB = 256 // R
S = 80
SH = S // 2
N_IMG = 24
UNITS = N_IMG * NB
UPW = UNITS // NW


def _sc_resize(x3, rt1b, w2kb, rt2, w3k, rbp, taps):
  mesh = plsc.VectorSubcoreMesh(core_axis_name="c", subcore_axis_name="s")

  @functools.partial(
      pl.kernel,
      mesh=mesh,
      compiler_params=pltpu.CompilerParams(
          use_tc_tiling_on_sc=False, needs_layout_passes=False),
      out_type=jax.ShapeDtypeStruct((N_IMG, 256, 256), jnp.float32),
      scratch_types=[
          pltpu.VMEM((S, 512), jnp.float32),
          pltpu.VMEM((S + 4, 513), jnp.float32),
          pltpu.VMEM((520, 33), jnp.float32),
          pltpu.VMEM((R, 256), jnp.float32),
          pltpu.VMEM((NB, 2, R), jnp.int32),
          pltpu.VMEM((NB, taps, R), jnp.float32),
          pltpu.VMEM((2, 256), jnp.int32),
          pltpu.VMEM((taps, 256), jnp.float32),
          pltpu.VMEM((L,), jnp.int32),
          pltpu.SemaphoreType.DMA,
          pltpu.SemaphoreType.DMA,
      ],
  )
  def k(x_hbm, rt1b_hbm, w2kb_hbm, rt2_hbm, w3k_hbm, rbp_hbm, out_hbm,
        in_raw, in_p, y_v, out_v, rt1_v, w2k_v, rt2_v, w3k_v, rb_v, sem,
        osem):
    wid = lax.axis_index("s") * 2 + lax.axis_index("c")

    d1 = pltpu.async_copy(rt2_hbm, rt2_v, sem)
    d2 = pltpu.async_copy(w3k_hbm, w3k_v, sem)
    d3 = pltpu.async_copy(rbp_hbm, rb_v, sem)
    d4 = pltpu.async_copy(rt1b_hbm, rt1_v, sem)
    d5 = pltpu.async_copy(w2kb_hbm, w2k_v, sem)
    zv = jnp.zeros((L,), jnp.float32)
    for m in range(4):
      for cg in range(512 // L):
        in_p[S + m, pl.ds(cg * L, L)] = zv
    for m in range(8):
      for cg in range(2):
        y_v[512 + m, pl.ds(cg * L, L)] = zv
    d1.wait()
    d2.wait()
    d3.wait()
    d4.wait()
    d5.wait()
    rb_vec = rb_v[...]
    lane = lax.iota(jnp.int32, L)

    def base_row(unit):
      n = unit // NB
      blk = unit % NB
      rb = pl.multiple_of(jnp.sum(jnp.where(lane == blk, rb_vec, 0)), 8)
      return n, blk, rb

    n0, _, rb0 = base_row(wid)
    pltpu.sync_copy(x_hbm.at[n0, pl.ds(rb0, S), :], in_raw)

    def drain_out(n, blk):
      pltpu.make_async_copy(
          out_hbm.at[n, pl.ds(blk * R, R), :], out_v, osem).wait()

    def unit_body(u, _):
      unit = u * NW + wid
      n = unit // NB
      blk = unit % NB

      @plsc.parallel_loop(0, S, unroll=4)
      def permute_body(rl):
        pr = lax.shift_right_logical(rl, 1) + (rl & 1) * SH
        for cg in range(512 // L):
          in_p[pr, pl.ds(cg * L, L)] = in_raw[rl, pl.ds(cg * L, L)]

      nn, _, rbn = base_row(jnp.minimum(unit + NW, UNITS - 1))
      dma = pltpu.async_copy(x_hbm.at[nn, pl.ds(rbn, S), :], in_raw, sem)

      for ig in range(R // L):
        rk = [rt1_v[blk, p, pl.ds(ig * L, L)] for p in range(2)]
        wk = [w2k_v[blk, t, pl.ds(ig * L, L)] for t in range(taps)]

        @plsc.parallel_loop(0, 256, unroll=2)
        def col_body(ce):
          for par in range(2):
            cvec = jnp.full((L,), 2 * ce + par, jnp.int32)
            parts = [
                wk[t] * plsc.load_gather(
                    in_p.at[pl.ds(t // 2, S + 4 - t // 2), :],
                    [rk[t % 2], cvec])
                for t in range(taps)
            ]
            while len(parts) > 1:
              parts = [a + b for a, b in zip(parts[::2], parts[1::2])]
            y_v[ce + par * 256, pl.ds(ig * L, L)] = parts[0]

      def jg_body(jg, _):
        ck = [rt2_v[p, pl.ds(jg * L, L)] for p in range(2)]
        wc = [w3k_v[t, pl.ds(jg * L, L)] for t in range(taps)]

        @plsc.parallel_loop(0, R, unroll=4)
        def row_body(i):
          ivec = jnp.full((L,), i, jnp.int32)
          parts = [
              wc[t] * plsc.load_gather(
                  y_v.at[pl.ds(t // 2, 520 - t // 2), :],
                  [ck[t % 2], ivec])
              for t in range(taps)
          ]
          while len(parts) > 1:
            parts = [a + b for a, b in zip(parts[::2], parts[1::2])]
          out_v[i, pl.ds(jg * L, L)] = parts[0]

        return 0

      @pl.when(u > 0)
      def _():
        drain_out(n, blk)

      lax.fori_loop(0, 256 // L, jg_body, 0)

      pltpu.async_copy(out_v, out_hbm.at[n, pl.ds(blk * R, R), :], osem)
      dma.wait()
      return 0

    lax.fori_loop(0, UPW, unit_body, 0)
    drain_out(0, 0)

  return k(x3, rt1b, w2kb, rt2, w3k, rbp)


def kernel(x, w2, w3, f2, f3):
  taps = f2.shape[0]
  x3 = x.reshape(N_IMG, 512, 512)
  w2m = w2.reshape(taps, 256)
  w3m = w3.reshape(taps, 256)
  f2 = f2.astype(jnp.int32)
  f3 = f3.astype(jnp.int32)
  kk = jnp.arange(taps, dtype=jnp.int32)[:, None]

  f2b = f2.reshape(taps, NB, R)
  rb = jnp.clip((jnp.min(f2b, axis=(0, 2)) // 8) * 8, 0, 512 - S)
  rb = rb.astype(jnp.int32)

  lb = jnp.min(f2, axis=0)
  w2k = jnp.sum(
      jnp.where((f2 - lb[None, :])[None, :, :] == kk[:, :, None], w2m[None], 0.0),
      axis=1)
  rr = (lb - jnp.repeat(rb, R))[None, :] + jnp.arange(2, dtype=jnp.int32)[:, None]
  rt1 = (rr >> 1) + (rr & 1) * SH
  rt1b = rt1.reshape(2, NB, R).transpose(1, 0, 2)
  w2kb = w2k.reshape(taps, NB, R).transpose(1, 0, 2)

  cb = jnp.min(f3, axis=0)
  w3k = jnp.sum(
      jnp.where((f3 - cb[None, :])[None, :, :] == kk[:, :, None], w3m[None], 0.0),
      axis=1)
  cc = cb[None, :] + jnp.arange(2, dtype=jnp.int32)[:, None]
  rt2 = (cc >> 1) + (cc & 1) * 256

  rbp = jnp.zeros((L,), jnp.int32).at[:NB].set(rb)

  out = _sc_resize(x3, rt1b, w2kb, rt2, w3k, rbp, taps)
  return out.reshape(x.shape[0], x.shape[1], 256, 256)

# --- scband reference (transcript-rebuilt; emitter-appended) ---
"""Pipeline reference for scband-resizer-79405355369073 (READ-ONLY COPY).

The authoritative reference and input builder live on the scoring server;
editing this copy changes nothing except your own understanding.
"""

import jax, jax.numpy as jnp
import numpy as np

def _cubic(x):
    absx = np.abs(x)
    absx2 = absx ** 2
    absx3 = absx ** 3
    return (1.5 * absx3 - 2.5 * absx2 + 1) * (absx <= 1) + (-0.5 * absx3 + 2.5 * absx2 - 4 * absx + 2) * ((1 < absx) & (absx <= 2))

def _contributions(in_length, out_length, scale, kernel_width=4.0):
    fixed_kernel = lambda arg: scale * _cubic(scale * arg)
    kw = kernel_width / scale
    out_coords = np.arange(1, out_length + 1)
    shifted = out_coords - (out_length - in_length * scale) / 2
    match_coords = shifted / scale + 0.5 * (1 - 1 / scale)
    left = np.floor(match_coords - kw / 2)
    ew = int(np.ceil(kw) + 2)
    fov = np.squeeze(np.int16(np.expand_dims(left, axis=1) + np.arange(ew) - 1))
    weights = fixed_kernel(np.expand_dims(match_coords, axis=1) - fov - 1)
    weights /= np.sum(weights, axis=1, keepdims=True).clip(min=1.0)
    mirror = np.uint32(np.concatenate([np.arange(in_length), np.arange(in_length - 1, -1, -1)]))
    fov = mirror[np.mod(fov, mirror.shape[0])]
    nz = np.nonzero(np.any(weights, axis=0))
    weights = np.squeeze(weights[:, nz])
    fov = np.squeeze(fov[:, nz])
    return weights, fov

def _prep(in_length, out_length, scale, ndim):
    w, f = _contributions(in_length, out_length, scale)
    w = np.asarray(w.T, dtype=np.float32)
    w = w.reshape(w.shape + (1,) * (ndim - 1))
    f = np.asarray(f.T, dtype=np.int32)
    return jnp.asarray(w), jnp.asarray(f)

def setup_inputs(seed: int = 0):
    key = jax.random.key(seed)
    x = jax.random.normal(key, (8, 3, 512, 512), dtype=jnp.float32)
    w2, f2 = _prep(512, 256, 0.5, 4)
    w3, f3 = _prep(512, 256, 0.5, 4)
    return {"x": x, "w2": w2, "w3": w3, "f2": f2, "f3": f3}

def reference(x, w2, w3, f2, f3):
    # sorted_dims for scale_factor [1,1,0.5,0.5] is [2, 3]
    for dim, fov, w in ((2, f2, w2), (3, f3, w3)):
        x = jnp.swapaxes(x, 0, dim)
        x = jnp.sum(jnp.take(x, fov, axis=0) * w, axis=0)
        x = jnp.swapaxes(x, 0, dim)
    return x

if __name__ == "__main__":
    import jax
    _d = setup_inputs()
    print(jax.jit(kernel)(*tuple(_d.values())))

</pallas_src>

<mosaic_0001>
#map = affine_map<(d0, d1) -> (0, 0, 0)>
#map1 = affine_map<(d0, d1) -> (0, 0)>
#map2 = affine_map<(d0, d1) -> (0)>
module attributes {stable_mosaic.version = 14 : i64} {
  func.func @k(%arg0: i32, %arg1: i32, %arg2: memref<24x512x512xf32, #tpu.memory_space<hbm>>, %arg3: memref<8x2x32xi32, #tpu.memory_space<hbm>>, %arg4: memref<8x8x32xf32, #tpu.memory_space<hbm>>, %arg5: memref<2x256xi32, #tpu.memory_space<hbm>>, %arg6: memref<8x256xf32, #tpu.memory_space<hbm>>, %arg7: memref<16xi32, #tpu.memory_space<hbm>>, %arg8: memref<24x256x256xf32, #tpu.memory_space<hbm>>, %arg9: memref<80x512xf32, #tpu.memory_space<vmem>>, %arg10: memref<84x513xf32, #tpu.memory_space<vmem>>, %arg11: memref<520x33xf32, #tpu.memory_space<vmem>>, %arg12: memref<32x256xf32, #tpu.memory_space<vmem>>, %arg13: memref<8x2x32xi32, #tpu.memory_space<vmem>>, %arg14: memref<8x8x32xf32, #tpu.memory_space<vmem>>, %arg15: memref<2x256xi32, #tpu.memory_space<vmem>>, %arg16: memref<8x256xf32, #tpu.memory_space<vmem>>, %arg17: memref<16xi32, #tpu.memory_space<vmem>>, %arg18: memref<!tpu.dma_semaphore, #tpu.memory_space<semaphore_mem>>, %arg19: memref<!tpu.dma_semaphore, #tpu.memory_space<semaphore_mem>>) attributes {dimension_semantics = [#tpu.dimension_semantics<core_parallel>, #tpu.dimension_semantics<subcore_parallel>], iteration_bounds = array<i64: 2, 16>, scalar_prefetch = 0 : i64, scratch_operands = 11 : i64, tpu.core_type = #tpu.core_type<sc_vector_subcore>, window_params = [{transform_indices = #map}, {transform_indices = #map}, {transform_indices = #map}, {transform_indices = #map1}, {transform_indices = #map1}, {transform_indices = #map2}, {transform_indices = #map}]} {
    %mul3A = arith.constant 2 : i32
    %mul3A_0 = arith.muli %arg1, %mul3A : i32
    %add3A = arith.addi %mul3A_0, %arg0 : i32
    tpu.enqueue_dma source(%arg5 : memref<2x256xi32, #tpu.memory_space<hbm>>) target(%arg15 : memref<2x256xi32, #tpu.memory_space<vmem>>) target_semaphore(%arg18 : memref<!tpu.dma_semaphore, #tpu.memory_space<semaphore_mem>>)
    tpu.enqueue_dma source(%arg6 : memref<8x256xf32, #tpu.memory_space<hbm>>) target(%arg16 : memref<8x256xf32, #tpu.memory_space<vmem>>) target_semaphore(%arg18 : memref<!tpu.dma_semaphore, #tpu.memory_space<semaphore_mem>>)
    tpu.enqueue_dma source(%arg7 : memref<16xi32, #tpu.memory_space<hbm>>) target(%arg17 : memref<16xi32, #tpu.memory_space<vmem>>) target_semaphore(%arg18 : memref<!tpu.dma_semaphore, #tpu.memory_space<semaphore_mem>>)
    tpu.enqueue_dma source(%arg3 : memref<8x2x32xi32, #tpu.memory_space<hbm>>) target(%arg13 : memref<8x2x32xi32, #tpu.memory_space<vmem>>) target_semaphore(%arg18 : memref<!tpu.dma_semaphore, #tpu.memory_space<semaphore_mem>>)
    tpu.enqueue_dma source(%arg4 : memref<8x8x32xf32, #tpu.memory_space<hbm>>) target(%arg14 : memref<8x8x32xf32, #tpu.memory_space<vmem>>) target_semaphore(%arg18 : memref<!tpu.dma_semaphore, #tpu.memory_space<semaphore_mem>>)
    %broadcast_in_dim3A = arith.constant 0.000000e+00 : f32
    %broadcast_in_dim3A_1 = vector.broadcast %broadcast_in_dim3A : f32 to vector<16xf32>
    %swap3A = arith.constant 80 : i32
    %swap3A_2 = arith.index_cast %swap3A : i32 to index
    %swap3A_3 = arith.constant 0 : index
    %swap3A_4 = tpu.vector_load %arg10[%swap3A_2, %swap3A_3] {strides = array<i32>} : memref<84x513xf32, #tpu.memory_space<vmem>>, vector<16xf32>,
    tpu.vector_store %arg10[%swap3A_2, %swap3A_3], %broadcast_in_dim3A_1 {strides = array<i32>} : memref<84x513xf32, #tpu.memory_space<vmem>>, vector<16xf32>,
    %swap3A_5 = arith.constant 80 : i32
    %swap3A_6 = arith.index_cast %swap3A_5 : i32 to index
    %swap3A_7 = arith.constant 16 : index
    %swap3A_8 = tpu.vector_load %arg10[%swap3A_6, %swap3A_7] {strides = array<i32>} : memref<84x513xf32, #tpu.memory_space<vmem>>, vector<16xf32>,
    tpu.vector_store %arg10[%swap3A_6, %swap3A_7], %broadcast_in_dim3A_1 {strides = array<i32>} : memref<84x513xf32, #tpu.memory_space<vmem>>, vector<16xf32>,
    %swap3A_9 = arith.constant 80 : i32
    %swap3A_10 = arith.index_cast %swap3A_9 : i32 to index
    %swap3A_11 = arith.constant 32 : index
    %swap3A_12 = tpu.vector_load %arg10[%swap3A_10, %swap3A_11] {strides = array<i32>} : memref<84x513xf32, #tpu.memory_space<vmem>>, vector<16xf32>,
    tpu.vector_store %arg10[%swap3A_10, %swap3A_11], %broadcast_in_dim3A_1 {strides = array<i32>} : memref<84x513xf32, #tpu.memory_space<vmem>>, vector<16xf32>,
    %swap3A_13 = arith.constant 80 : i32
    %swap3A_14 = arith.index_cast %swap3A_13 : i32 to index
    %swap3A_15 = arith.constant 48 : index
    %swap3A_16 = tpu.vector_load %arg10[%swap3A_14, %swap3A_15] {strides = array<i32>} : memref<84x513xf32, #tpu.memory_space<vmem>>, vector<16xf32>,
    tpu.vector_store %arg10[%swap3A_14, %swap3A_15], %broadcast_in_dim3A_1 {strides = array<i32>} : memref<84x513xf32, #tpu.memory_space<vmem>>, vector<16xf32>,
    %swap3A_17 = arith.constant 80 : i32
    %swap3A_18 = arith.index_cast %swap3A_17 : i32 to index
    %swap3A_19 = arith.constant 64 : index
    %swap3A_20 = tpu.vector_load %arg10[%swap3A_18, %swap3A_19] {strides = array<i32>} : memref<84x513xf32, #tpu.memory_space<vmem>>, vector<16xf32>,
    tpu.vector_store %arg10[%swap3A_18, %swap3A_19], %broadcast_in_dim3A_1 {strides = array<i32>} : memref<84x513xf32, #tpu.memory_space<vmem>>, vector<16xf32>,
    %swap3A_21 = arith.constant 80 : i32
    %swap3A_22 = arith.index_cast %swap3A_21 : i32 to index
    %swap3A_23 = arith.constant 80 : index
    %swap3A_24 = tpu.vector_load %arg10[%swap3A_22, %swap3A_23] {strides = array<i32>} : memref<84x513xf32, #tpu.memory_space<vmem>>, vector<16xf32>,
    tpu.vector_store %arg10[%swap3A_22, %swap3A_23], %broadcast_in_dim3A_1 {strides = array<i32>} : memref<84x513xf32, #tpu.memory_space<vmem>>, vector<16xf32>,
    %swap3A_25 = arith.constant 80 : i32
    %swap3A_26 = arith.index_cast %swap3A_25 : i32 to index
    %swap3A_27 = arith.constant 96 : index
    %swap3A_28 = tpu.vector_load %arg10[%swap3A_26, %swap3A_27] {strides = array<i32>} : memref<84x513xf32, #tpu.memory_space<vmem>>, vector<16xf32>,
    tpu.vector_store %arg10[%swap3A_26, %swap3A_27], %broadcast_in_dim3A_1 {strides = array<i32>} : memref<84x513xf32, #tpu.memory_space<vmem>>, vector<16xf32>,
    %swap3A_29 = arith.constant 80 : i32
    %swap3A_30 = arith.index_cast %swap3A_29 : i32 to index
    %swap3A_31 = arith.constant 112 : index
    %swap3A_32 = tpu.vector_load %arg10[%swap3A_30, %swap3A_31] {strides = array<i32>} : memref<84x513xf32, #tpu.memory_space<vmem>>, vector<16xf32>,
    tpu.vector_store %arg10[%swap3A_30, %swap3A_31], %broadcast_in_dim3A_1 {strides = array<i32>} : memref<84x513xf32, #tpu.memory_space<vmem>>, vector<16xf32>,
    %swap3A_33 = arith.constant 80 : i32
    %swap3A_34 = arith.index_cast %swap3A_33 : i32 to index
    %swap3A_35 = arith.constant 128 : index
    %swap3A_36 = tpu.vector_load %arg10[%swap3A_34, %swap3A_35] {strides = array<i32>} : memref<84x513xf32, #tpu.memory_space<vmem>>, vector<16xf32>,
    tpu.vector_store %arg10[%swap3A_34, %swap3A_35], %broadcast_in_dim3A_1 {strides = array<i32>} : memref<84x513xf32, #tpu.memory_space<vmem>>, vector<16xf32>,
    %swap3A_37 = arith.constant 80 : i32
    %swap3A_38 = arith.index_cast %swap3A_37 : i32 to index
    %swap3A_39 = arith.constant 144 : index
    %swap3A_40 = tpu.vector_load %arg10[%swap3A_38, %swap3A_39] {strides = array<i32>} : memref<84x513xf32, #tpu.memory_space<vmem>>, vector<16xf32>,
    tpu.vector_store %arg10[%swap3A_38, %swap3A_39], %broadcast_in_dim3A_1 {strides = array<i32>} : memref<84x513xf32, #tpu.memory_space<vmem>>, vector<16xf32>,
    %swap3A_41 = arith.constant 80 : i32
    %swap3A_42 = arith.index_cast %swap3A_41 : i32 to index
    %swap3A_43 = arith.constant 160 : index
    %swap3A_44 = tpu.vector_load %arg10[%swap3A_42, %swap3A_43] {strides = array<i32>} : memref<84x513xf32, #tpu.memory_space<vmem>>, vector<16xf32>,
    tpu.vector_store %arg10[%swap3A_42, %swap3A_43], %broadcast_in_dim3A_1 {strides = array<i32>} : memref<84x513xf32, #tpu.memory_space<vmem>>, vector<16xf32>,
    %swap3A_45 = arith.constant 80 : i32
    %swap3A_46 = arith.index_cast %swap3A_45 : i32 to index
    %swap3A_47 = arith.constant 176 : index
    %swap3A_48 = tpu.vector_load %arg10[%swap3A_46, %swap3A_47] {strides = array<i32>} : memref<84x513xf32, #tpu.memory_space<vmem>>, vector<16xf32>,
    tpu.vector_store %arg10[%swap3A_46, %swap3A_47], %broadcast_in_dim3A_1 {strides = array<i32>} : memref<84x513xf32, #tpu.memory_space<vmem>>, vector<16xf32>,
    %swap3A_49 = arith.constant 80 : i32
    %swap3A_50 = arith.index_cast %swap3A_49 : i32 to index
    %swap3A_51 = arith.constant 192 : index
    %swap3A_52 = tpu.vector_load %arg10[%swap3A_50, %swap3A_51] {strides = array<i32>} : memref<84x513xf32, #tpu.memory_space<vmem>>, vector<16xf32>,
    tpu.vector_store %arg10[%swap3A_50, %swap3A_51], %broadcast_in_dim3A_1 {strides = array<i32>} : memref<84x513xf32, #tpu.memory_space<vmem>>, vector<16xf32>,
    %swap3A_53 = arith.constant 80 : i32
    %swap3A_54 = arith.index_cast %swap3A_53 : i32 to index
    %swap3A_55 = arith.constant 208 : index
    %swap3A_56 = tpu.vector_load %arg10[%swap3A_54, %swap3A_55] {strides = array<i32>} : memref<84x513xf32, #tpu.memory_space<vmem>>, vector<16xf32>,
    tpu.vector_store %arg10[%swap3A_54, %swap3A_55], %broadcast_in_dim3A_1 {strides = array<i32>} : memref<84x513xf32, #tpu.memory_space<vmem>>, vector<16xf32>,
    %swap3A_57 = arith.constant 80 : i32
    %swap3A_58 = arith.index_cast %swap3A_57 : i32 to index
    %swap3A_59 = arith.constant 224 : index
    %swap3A_60 = tpu.vector_load %arg10[%swap3A_58, %swap3A_59] {strides = array<i32>} : memref<84x513xf32, #tpu.memory_space<vmem>>, vector<16xf32>,
    tpu.vector_store %arg10[%swap3A_58, %swap3A_59], %broadcast_in_dim3A_1 {strides = array<i32>} : memref<84x513xf32, #tpu.memory_space<vmem>>, vector<16xf32>,
    %swap3A_61 = arith.constant 80 : i32
    %swap3A_62 = arith.index_cast %swap3A_61 : i32 to index
    %swap3A_63 = arith.constant 240 : index
    %swap3A_64 = tpu.vector_load %arg10[%swap3A_62, %swap3A_63] {strides = array<i32>} : memref<84x513xf32, #tpu.memory_space<vmem>>, vector<16xf32>,
    tpu.vector_store %arg10[%swap3A_62, %swap3A_63], %broadcast_in_dim3A_1 {strides = array<i32>} : memref<84x513xf32, #tpu.memory_space<vmem>>, vector<16xf32>,
    %swap3A_65 = arith.constant 80 : i32
    %swap3A_66 = arith.index_cast %swap3A_65 : i32 to index
    %swap3A_67 = arith.constant 256 : index
    %swap3A_68 = tpu.vector_load %arg10[%swap3A_66, %swap3A_67] {strides = array<i32>} : memref<84x513xf32, #tpu.memory_space<vmem>>, vector<16xf32>,
    tpu.vector_store %arg10[%swap3A_66, %swap3A_67], %broadcast_in_dim3A_1 {strides = array<i32>} : memref<84x513xf32, #tpu.memory_space<vmem>>, vector<16xf32>,
    %swap3A_69 = arith.constant 80 : i32
    %swap3A_70 = arith.index_cast %swap3A_69 : i32 to index
    %swap3A_71 = arith.constant 272 : index
    %swap3A_72 = tpu.vector_load %arg10[%swap3A_70, %swap3A_71] {strides = array<i32>} : memref<84x513xf32, #tpu.memory_space<vmem>>, vector<16xf32>,
    tpu.vector_store %arg10[%swap3A_70, %swap3A_71], %broadcast_in_dim3A_1 {strides = array<i32>} : memref<84x513xf32, #tpu.memory_space<vmem>>, vector<16xf32>,
    %swap3A_73 = arith.constant 80 : i32
    %swap3A_74 = arith.index_cast %swap3A_73 : i32 to index
    %swap3A_75 = arith.constant 288 : index
    %swap3A_76 = tpu.vector_load %arg10[%swap3A_74, %swap3A_75] {strides = array<i32>} : memref<84x513xf32, #tpu.memory_space<vmem>>, vector<16xf32>,
    tpu.vector_store %arg10[%swap3A_74, %swap3A_75], %broadcast_in_dim3A_1 {strides = array<i32>} : memref<84x513xf32, #tpu.memory_space<vmem>>, vector<16xf32>,
    %swap3A_77 = arith.constant 80 : i32
    %swap3A_78 = arith.index_cast %swap3A_77 : i32 to index
    %swap3A_79 = arith.constant 304 : index
    %swap3A_80 = tpu.vector_load %arg10[%swap3A_78, %swap3A_79] {strides = array<i32>} : memref<84x513xf32, #tpu.memory_space<vmem>>, vector<16xf32>,
    tpu.vector_store %arg10[%swap3A_78, %swap3A_79], %broadcast_in_dim3A_1 {strides = array<i32>} : memref<84x513xf32, #tpu.memory_space<vmem>>, vector<16xf32>,
    %swap3A_81 = arith.constant 80 : i32
    %swap3A_82 = arith.index_cast %swap3A_81 : i32 to index
    %swap3A_83 = arith.constant 320 : index
    %swap3A_84 = tpu.vector_load %arg10[%swap3A_82, %swap3A_83] {strides = array<i32>} : memref<84x513xf32, #tpu.memory_space<vmem>>, vector<16xf32>,
    tpu.vector_store %arg10[%swap3A_82, %swap3A_83], %broadcast_in_dim3A_1 {strides = array<i32>} : memref<84x513xf32, #tpu.memory_space<vmem>>, vector<16xf32>,
    %swap3A_85 = arith.constant 80 : i32
    %swap3A_86 = arith.index_cast %swap3A_85 : i32 to index
    %swap3A_87 = arith.constant 336 : index
    %swap3A_88 = tpu.vector_load %arg10[%swap3A_86, %swap3A_87] {strides = array<i32>} : memref<84x513xf32, #tpu.memory_space<vmem>>, vector<16xf32>,
    tpu.vector_store %arg10[%swap3A_86, %swap3A_87], %broadcast_in_dim3A_1 {strides = array<i32>} : memref<84x513xf32, #tpu.memory_space<vmem>>, vector<16xf32>,
    %swap3A_89 = arith.constant 80 : i32
    %swap3A_90 = arith.index_cast %swap3A_89 : i32 to index
    %swap3A_91 = arith.constant 352 : index
    %swap3A_92 = tpu.vector_load %arg10[%swap3A_90, %swap3A_91] {strides = array<i32>} : memref<84x513xf32, #tpu.memory_space<vmem>>, vector<16xf32>,
    tpu.vector_store %arg10[%swap3A_90, %swap3A_91], %broadcast_in_dim3A_1 {strides = array<i32>} : memref<84x513xf32, #tpu.memory_space<vmem>>, vector<16xf32>,
    %swap3A_93 = arith.constant 80 : i32
    %swap3A_94 = arith.index_cast %swap3A_93 : i32 to index
    %swap3A_95 = arith.constant 368 : index
    %swap3A_96 = tpu.vector_load %arg10[%swap3A_94, %swap3A_95] {strides = array<i32>} : memref<84x513xf32, #tpu.memory_space<vmem>>, vector<16xf32>,
    tpu.vector_store %arg10[%swap3A_94, %swap3A_95], %broadcast_in_dim3A_1 {strides = array<i32>} : memref<84x513xf32, #tpu.memory_space<vmem>>, vector<16xf32>,
    %swap3A_97 = arith.constant 80 : i32
    %swap3A_98 = arith.index_cast %swap3A_97 : i32 to index
    %swap3A_99 = arith.constant 384 : index
    %swap3A_100 = tpu.vector_load %arg10[%swap3A_98, %swap3A_99] {strides = array<i32>} : memref<84x513xf32, #tpu.memory_space<vmem>>, vector<16xf32>,
    tpu.vector_store %arg10[%swap3A_98, %swap3A_99], %broadcast_in_dim3A_1 {strides = array<i32>} : memref<84x513xf32, #tpu.memory_space<vmem>>, vector<16xf32>,
    %swap3A_101 = arith.constant 80 : i32
    %swap3A_102 = arith.index_cast %swap3A_101 : i32 to index
    %swap3A_103 = arith.constant 400 : index
    %swap3A_104 = tpu.vector_load %arg10[%swap3A_102, %swap3A_103] {strides = array<i32>} : memref<84x513xf32, #tpu.memory_space<vmem>>, vector<16xf32>,
    tpu.vector_store %arg10[%swap3A_102, %swap3A_103], %broadcast_in_dim3A_1 {strides = array<i32>} : memref<84x513xf32, #tpu.memory_space<vmem>>, vector<16xf32>,
    %swap3A_105 = arith.constant 80 : i32
    %swap3A_106 = arith.index_cast %swap3A_105 : i32 to index
    %swap3A_107 = arith.constant 416 : index
    %swap3A_108 = tpu.vector_load %arg10[%swap3A_106, %swap3A_107] {strides = array<i32>} : memref<84x513xf32, #tpu.memory_space<vmem>>, vector<16xf32>,
    tpu.vector_store %arg10[%swap3A_106, %swap3A_107], %broadcast_in_dim3A_1 {strides = array<i32>} : memref<84x513xf32, #tpu.memory_space<vmem>>, vector<16xf32>,
    %swap3A_109 = arith.constant 80 : i32
    %swap3A_110 = arith.index_cast %swap3A_109 : i32 to index
    %swap3A_111 = arith.constant 432 : index
    %swap3A_112 = tpu.vector_load %arg10[%swap3A_110, %swap3A_111] {strides = array<i32>} : memref<84x513xf32, #tpu.memory_space<vmem>>, vector<16xf32>,
    tpu.vector_store %arg10[%swap3A_110, %swap3A_111], %broadcast_in_dim3A_1 {strides = array<i32>} : memref<84x513xf32, #tpu.memory_space<vmem>>, vector<16xf32>,
    %swap3A_113 = arith.constant 80 : i32
    %swap3A_114 = arith.index_cast %swap3A_113 : i32 to index
    %swap3A_115 = arith.constant 448 : index
    %swap3A_116 = tpu.vector_load %arg10[%swap3A_114, %swap3A_115] {strides = array<i32>} : memref<84x513xf32, #tpu.memory_space<vmem>>, vector<16xf32>,
    tpu.vector_store %arg10[%swap3A_114, %swap3A_115], %broadcast_in_dim3A_1 {strides = array<i32>} : memref<84x513xf32, #tpu.memory_space<vmem>>, vector<16xf32>,
    %swap3A_117 = arith.constant 80 : i32
    %swap3A_118 = arith.index_cast %swap3A_117 : i32 to index
    %swap3A_119 = arith.constant 464 : index
    %swap3A_120 = tpu.vector_load %arg10[%swap3A_118, %swap3A_119] {strides = array<i32>} : memref<84x513xf32, #tpu.memory_space<vmem>>, vector<16xf32>,
    tpu.vector_store %arg10[%swap3A_118, %swap3A_119], %broadcast_in_dim3A_1 {strides = array<i32>} : memref<84x513xf32, #tpu.memory_space<vmem>>, vector<16xf32>,
    %swap3A_121 = arith.constant 80 : i32
    %swap3A_122 = arith.index_cast %swap3A_121 : i32 to index
    %swap3A_123 = arith.constant 480 : index
    %swap3A_124 = tpu.vector_load %arg10[%swap3A_122, %swap3A_123] {strides = array<i32>} : memref<84x513xf32, #tpu.memory_space<vmem>>, vector<16xf32>,
    tpu.vector_store %arg10[%swap3A_122, %swap3A_123], %broadcast_in_dim3A_1 {strides = array<i32>} : memref<84x513xf32, #tpu.memory_space<vmem>>, vector<16xf32>,
    %swap3A_125 = arith.constant 80 : i32
    %swap3A_126 = arith.index_cast %swap3A_125 : i32 to index
    %swap3A_127 = arith.constant 496 : index
    %swap3A_128 = tpu.vector_load %arg10[%swap3A_126, %swap3A_127] {strides = array<i32>} : memref<84x513xf32, #tpu.memory_space<vmem>>, vector<16xf32>,
    tpu.vector_store %arg10[%swap3A_126, %swap3A_127], %broadcast_in_dim3A_1 {strides = array<i32>} : memref<84x513xf32, #tpu.memory_space<vmem>>, vector<16xf32>,
    %swap3A_129 = arith.constant 81 : i32
    %swap3A_130 = arith.index_cast %swap3A_129 : i32 to index
    %swap3A_131 = arith.constant 0 : index
    %swap3A_132 = tpu.vector_load %arg10[%swap3A_130, %swap3A_131] {strides = array<i32>} : memref<84x513xf32, #tpu.memory_space<vmem>>, vector<16xf32>,
    tpu.vector_store %arg10[%swap3A_130, %swap3A_131], %broadcast_in_dim3A_1 {strides = array<i32>} : memref<84x513xf32, #tpu.memory_space<vmem>>, vector<16xf32>,
    %swap3A_133 = arith.constant 81 : i32
    %swap3A_134 = arith.index_cast %swap3A_133 : i32 to index
    %swap3A_135 = arith.constant 16 : index
    %swap3A_136 = tpu.vector_load %arg10[%swap3A_134, %swap3A_135] {strides = array<i32>} : memref<84x513xf32, #tpu.memory_space<vmem>>, vector<16xf32>,
    tpu.vector_store %arg10[%swap3A_134, %swap3A_135], %broadcast_in_dim3A_1 {strides = array<i32>} : memref<84x513xf32, #tpu.memory_space<vmem>>, vector<16xf32>,
    %swap3A_137 = arith.constant 81 : i32
    %swap3A_138 = arith.index_cast %swap3A_137 : i32 to index
    %swap3A_139 = arith.constant 32 : index
    %swap3A_140 = tpu.vector_load %arg10[%swap3A_138, %swap3A_139] {strides = array<i32>} : memref<84x513xf32, #tpu.memory_space<vmem>>, vector<16xf32>,
    tpu.vector_store %arg10[%swap3A_138, %swap3A_139], %broadcast_in_dim3A_1 {strides = array<i32>} : memref<84x513xf32, #tpu.memory_space<vmem>>, vector<16xf32>,
    %swap3A_141 = arith.constant 81 : i32
    %swap3A_142 = arith.index_cast %swap3A_141 : i32 to index
    %swap3A_143 = arith.constant 48 : index
    %swap3A_144 = tpu.vector_load %arg10[%swap3A_142, %swap3A_143] {strides = array<i32>} : memref<84x513xf32, #tpu.memory_space<vmem>>, vector<16xf32>,
    tpu.vector_store %arg10[%swap3A_142, %swap3A_143], %broadcast_in_dim3A_1 {strides = array<i32>} : memref<84x513xf32, #tpu.memory_space<vmem>>, vector<16xf32>,
    %swap3A_145 = arith.constant 81 : i32
    %swap3A_146 = arith.index_cast %swap3A_145 : i32 to index
    %swap3A_147 = arith.constant 64 : index
    %swap3A_148 = tpu.vector_load %arg10[%swap3A_146, %swap3A_147] {strides = array<i32>} : memref<84x513xf32, #tpu.memory_space<vmem>>, vector<16xf32>,
    tpu.vector_store %arg10[%swap3A_146, %swap3A_147], %broadcast_in_dim3A_1 {strides = array<i32>} : memref<84x513xf32, #tpu.memory_space<vmem>>, vector<16xf32>,
    %swap3A_149 = arith.constant 81 : i32
    %swap3A_150 = arith.index_cast %swap3A_149 : i32 to index
    %swap3A_151 = arith.constant 80 : index
    %swap3A_152 = tpu.vector_load %arg10[%swap3A_150, %swap3A_151] {strides = array<i32>} : memref<84x513xf32, #tpu.memory_space<vmem>>, vector<16xf32>,
    tpu.vector_store %arg10[%swap3A_150, %swap3A_151], %broadcast_in_dim3A_1 {strides = array<i32>} : memref<84x513xf32, #tpu.memory_space<vmem>>, vector<16xf32>,
    %swap3A_153 = arith.constant 81 : i32
    %swap3A_154 = arith.index_cast %swap3A_153 : i32 to index
    %swap3A_155 = arith.constant 96 : index
    %swap3A_156 = tpu.vector_load %arg10[%swap3A_154, %swap3A_155] {strides = array<i32>} : memref<84x513xf32, #tpu.memory_space<vmem>>, vector<16xf32>,
    tpu.vector_store %arg10[%swap3A_154, %swap3A_155], %broadcast_in_dim3A_1 {strides = array<i32>} : memref<84x513xf32, #tpu.memory_space<vmem>>, vector<16xf32>,
    %swap3A_157 = arith.constant 81 : i32
    %swap3A_158 = arith.index_cast %swap3A_157 : i32 to index
    %swap3A_159 = arith.constant 112 : index
    %swap3A_160 = tpu.vector_load %arg10[%swap3A_158, %swap3A_159] {strides = array<i32>} : memref<84x513xf32, #tpu.memory_space<vmem>>, vector<16xf32>,
    tpu.vector_store %arg10[%swap3A_158, %swap3A_159], %broadcast_in_dim3A_1 {strides = array<i32>} : memref<84x513xf32, #tpu.memory_space<vmem>>, vector<16xf32>,
    %swap3A_161 = arith.constant 81 : i32
    %swap3A_162 = arith.index_cast %swap3A_161 : i32 to index
    %swap3A_163 = arith.constant 128 : index
    %swap3A_164 = tpu.vector_load %arg10[%swap3A_162, %swap3A_163] {strides = array<i32>} : memref<84x513xf32, #tpu.memory_space<vmem>>, vector<16xf32>,
    tpu.vector_store %arg10[%swap3A_162, %swap3A_163], %broadcast_in_dim3A_1 {strides = array<i32>} : memref<84x513xf32, #tpu.memory_space<vmem>>, vector<16xf32>,
    %swap3A_165 = arith.constant 81 : i32
    %swap3A_166 = arith.index_cast %swap3A_165 : i32 to index
    %swap3A_167 = arith.constant 144 : index
    %swap3A_168 = tpu.vector_load %arg10[%swap3A_166, %swap3A_167] {strides = array<i32>} : memref<84x513xf32, #tpu.memory_space<vmem>>, vector<16xf32>,
    tpu.vector_store %arg10[%swap3A_166, %swap3A_167], %broadcast_in_dim3A_1 {strides = array<i32>} : memref<84x513xf32, #tpu.memory_space<vmem>>, vector<16xf32>,
    %swap3A_169 = arith.constant 81 : i32
    %swap3A_170 = arith.index_cast %swap3A_169 : i32 to index
    %swap3A_171 = arith.constant 160 : index
    %swap3A_172 = tpu.vector_load %arg10[%swap3A_170, %swap3A_171] {strides = array<i32>} : memref<84x513xf32, #tpu.memory_space<vmem>>, vector<16xf32>,
    tpu.vector_store %arg10[%swap3A_170, %swap3A_171], %broadcast_in_dim3A_1 {strides = array<i32>} : memref<84x513xf32, #tpu.memory_space<vmem>>, vector<16xf32>,
    %swap3A_173 = arith.constant 81 : i32
    %swap3A_174 = arith.index_cast %swap3A_173 : i32 to index
    %swap3A_175 = arith.constant 176 : index
    %swap3A_176 = tpu.vector_load %arg10[%swap3A_174, %swap3A_175] {strides = array<i32>} : memref<84x513xf32, #tpu.memory_space<vmem>>, vector<16xf32>,
    tpu.vector_store %arg10[%swap3A_174, %swap3A_175], %broadcast_in_dim3A_1 {strides = array<i32>} : memref<84x513xf32, #tpu.memory_space<vmem>>, vector<16xf32>,
    %swap3A_177 = arith.constant 81 : i32
    %swap3A_178 = arith.index_cast %swap3A_177 : i32 to index
    %swap3A_179 = arith.constant 192 : index
    %swap3A_180 = tpu.vector_load %arg10[%swap3A_178, %swap3A_179] {strides = array<i32>} : memref<84x513xf32, #tpu.memory_space<vmem>>, vector<16xf32>,
    tpu.vector_store %arg10[%swap3A_178, %swap3A_179], %broadcast_in_dim3A_1 {strides = array<i32>} : memref<84x513xf32, #tpu.memory_space<vmem>>, vector<16xf32>,
    %swap3A_181 = arith.constant 81 : i32
    %swap3A_182 = arith.index_cast %swap3A_181 : i32 to index
    %swap3A_183 = arith.constant 208 : index
    %swap3A_184 = tpu.vector_load %arg10[%swap3A_182, %swap3A_183] {strides = array<i32>} : memref<84x513xf32, #tpu.memory_space<vmem>>, vector<16xf32>,
    tpu.vector_store %arg10[%swap3A_182, %swap3A_183], %broadcast_in_dim3A_1 {strides = array<i32>} : memref<84x513xf32, #tpu.memory_space<vmem>>, vector<16xf32>,
    %swap3A_185 = arith.constant 81 : i32
    %swap3A_186 = arith.index_cast %swap3A_185 : i32 to index
    %swap3A_187 = arith.constant 224 : index
    %swap3A_188 = tpu.vector_load %arg10[%swap3A_186, %swap3A_187] {strides = array<i32>} : memref<84x513xf32, #tpu.memory_space<vmem>>, vector<16xf32>,
    tpu.vector_store %arg10[%swap3A_186, %swap3A_187], %broadcast_in_dim3A_1 {strides = array<i32>} : memref<84x513xf32, #tpu.memory_space<vmem>>, vector<16xf32>,
    %swap3A_189 = arith.constant 81 : i32
    %swap3A_190 = arith.index_cast %swap3A_189 : i32 to index
    %swap3A_191 = arith.constant 240 : index
    %swap3A_192 = tpu.vector_load %arg10[%swap3A_190, %swap3A_191] {strides = array<i32>} : memref<84x513xf32, #tpu.memory_space<vmem>>, vector<16xf32>,
    tpu.vector_store %arg10[%swap3A_190, %swap3A_191], %broadcast_in_dim3A_1 {strides = array<i32>} : memref<84x513xf32, #tpu.memory_space<vmem>>, vector<16xf32>,
    %swap3A_193 = arith.constant 81 : i32
    %swap3A_194 = arith.index_cast %swap3A_193 : i32 to index
    %swap3A_195 = arith.constant 256 : index
    %swap3A_196 = tpu.vector_load %arg10[%swap3A_194, %swap3A_195] {strides = array<i32>} : memref<84x513xf32, #tpu.memory_space<vmem>>, vector<16xf32>,
    tpu.vector_store %arg10[%swap3A_194, %swap3A_195], %broadcast_in_dim3A_1 {strides = array<i32>} : memref<84x513xf32, #tpu.memory_space<vmem>>, vector<16xf32>,
    %swap3A_197 = arith.constant 81 : i32
    %swap3A_198 = arith.index_cast %swap3A_197 : i32 to index
    %swap3A_199 = arith.constant 272 : index
    %swap3A_200 = tpu.vector_load %arg10[%swap3A_198, %swap3A_199] {strides = array<i32>} : memref<84x513xf32, #tpu.memory_space<vmem>>, vector<16xf32>,
    tpu.vector_store %arg10[%swap3A_198, %swap3A_199], %broadcast_in_dim3A_1 {strides = array<i32>} : memref<84x513xf32, #tpu.memory_space<vmem>>, vector<16xf32>,
    %swap3A_201 = arith.constant 81 : i32
    %swap3A_202 = arith.index_cast %swap3A_201 : i32 to index
    %swap3A_203 = arith.constant 288 : index
    %swap3A_204 = tpu.vector_load %arg10[%swap3A_202, %swap3A_203] {strides = array<i32>} : memref<84x513xf32, #tpu.memory_space<vmem>>, vector<16xf32>,
    tpu.vector_store %arg10[%swap3A_202, %swap3A_203], %broadcast_in_dim3A_1 {strides = array<i32>} : memref<84x513xf32, #tpu.memory_space<vmem>>, vector<16xf32>,
    %swap3A_205 = arith.constant 81 : i32
    %swap3A_206 = arith.index_cast %swap3A_205 : i32 to index
    %swap3A_207 = arith.constant 304 : index
    %swap3A_208 = tpu.vector_load %arg10[%swap3A_206, %swap3A_207] {strides = array<i32>} : memref<84x513xf32, #tpu.memory_space<vmem>>, vector<16xf32>,
    tpu.vector_store %arg10[%swap3A_206, %swap3A_207], %broadcast_in_dim3A_1 {strides = array<i32>} : memref<84x513xf32, #tpu.memory_space<vmem>>, vector<16xf32>,
    %swap3A_209 = arith.constant 81 : i32
    %swap3A_210 = arith.index_cast %swap3A_209 : i32 to index
    %swap3A_211 = arith.constant 320 : index
    %swap3A_212 = tpu.vector_load %arg10[%swap3A_210, %swap3A_211] {strides = array<i32>} : memref<84x513xf32, #tpu.memory_space<vmem>>, vector<16xf32>,
    tpu.vector_store %arg10[%swap3A_210, %swap3A_211], %broadcast_in_dim3A_1 {strides = array<i32>} : memref<84x513xf32, #tpu.memory_space<vmem>>, vector<16xf32>,
    %swap3A_213 = arith.constant 81 : i32
    %swap3A_214 = arith.index_cast %swap3A_213 : i32 to index
    %swap3A_215 = arith.constant 336 : index
    %swap3A_216 = tpu.vector_load %arg10[%swap3A_214, %swap3A_215] {strides = array<i32>} : memref<84x513xf32, #tpu.memory_space<vmem>>, vector<16xf32>,
    tpu.vector_store %arg10[%swap3A_214, %swap3A_215], %broadcast_in_dim3A_1 {strides = array<i32>} : memref<84x513xf32, #tpu.memory_space<vmem>>, vector<16xf32>,
    %swap3A_217 = arith.constant 81 : i32
    %swap3A_218 = arith.index_cast %swap3A_217 : i32 to index
    %swap3A_219 = arith.constant 352 : index
    %swap3A_220 = tpu.vector_load %arg10[%swap3A_218, %swap3A_219] {strides = array<i32>} : memref<84x513xf32, #tpu.memory_space<vmem>>, vector<16xf32>,
    tpu.vector_store %arg10[%swap3A_218, %swap3A_219], %broadcast_in_dim3A_1 {strides = array<i32>} : memref<84x513xf32, #tpu.memory_space<vmem>>, vector<16xf32>,
    %swap3A_221 = arith.constant 81 : i32
    %swap3A_222 = arith.index_cast %swap3A_221 : i32 to index
    %swap3A_223 = arith.constant 368 : index
    %swap3A_224 = tpu.vector_load %arg10[%swap3A_222, %swap3A_223] {strides = array<i32>} : memref<84x513xf32, #tpu.memory_space<vmem>>, vector<16xf32>,
    tpu.vector_store %arg10[%swap3A_222, %swap3A_223], %broadcast_in_dim3A_1 {strides = array<i32>} : memref<84x513xf32, #tpu.memory_space<vmem>>, vector<16xf32>,
    %swap3A_225 = arith.constant 81 : i32
    %swap3A_226 = arith.index_cast %swap3A_225 : i32 to index
    %swap3A_227 = arith.constant 384 : index
    %swap3A_228 = tpu.vector_load %arg10[%swap3A_226, %swap3A_227] {strides = array<i32>} : memref<84x513xf32, #tpu.memory_space<vmem>>, vector<16xf32>,
    tpu.vector_store %arg10[%swap3A_226, %swap3A_227], %broadcast_in_dim3A_1 {strides = array<i32>} : memref<84x513xf32, #tpu.memory_space<vmem>>, vector<16xf32>,
    %swap3A_229 = arith.constant 81 : i32
    %swap3A_230 = arith.index_cast %swap3A_229 : i32 to index
    %swap3A_231 = arith.constant 400 : index
    %swap3A_232 = tpu.vector_load %arg10[%swap3A_230, %swap3A_231] {strides = array<i32>} : memref<84x513xf32, #tpu.memory_space<vmem>>, vector<16xf32>,
    tpu.vector_store %arg10[%swap3A_230, %swap3A_231], %broadcast_in_dim3A_1 {strides = array<i32>} : memref<84x513xf32, #tpu.memory_space<vmem>>, vector<16xf32>,
    %swap3A_233 = arith.constant 81 : i32
    %swap3A_234 = arith.index_cast %swap3A_233 : i32 to index
    %swap3A_235 = arith.constant 416 : index
    %swap3A_236 = tpu.vector_load %arg10[%swap3A_234, %swap3A_235] {strides = array<i32>} : memref<84x513xf32, #tpu.memory_space<vmem>>, vector<16xf32>,
    tpu.vector_store %arg10[%swap3A_234, %swap3A_235], %broadcast_in_dim3A_1 {strides = array<i32>} : memref<84x513xf32, #tpu.memory_space<vmem>>, vector<16xf32>,
    %swap3A_237 = arith.constant 81 : i32
    %swap3A_238 = arith.index_cast %swap3A_237 : i32 to index
    %swap3A_239 = arith.constant 432 : index
    %swap3A_240 = tpu.vector_load %arg10[%swap3A_238, %swap3A_239] {strides = array<i32>} : memref<84x513xf32, #tpu.memory_space<vmem>>, vector<16xf32>,
    tpu.vector_store %arg10[%swap3A_238, %swap3A_239], %broadcast_in_dim3A_1 {strides = array<i32>} : memref<84x513xf32, #tpu.memory_space<vmem>>, vector<16xf32>,
    %swap3A_241 = arith.constant 81 : i32
    %swap3A_242 = arith.index_cast %swap3A_241 : i32 to index
    %swap3A_243 = arith.constant 448 : index
    %swap3A_244 = tpu.vector_load %arg10[%swap3A_242, %swap3A_243] {strides = array<i32>} : memref<84x513xf32, #tpu.memory_space<vmem>>, vector<16xf32>,
    tpu.vector_store %arg10[%swap3A_242, %swap3A_243], %broadcast_in_dim3A_1 {strides = array<i32>} : memref<84x513xf32, #tpu.memory_space<vmem>>, vector<16xf32>,
    %swap3A_245 = arith.constant 81 : i32
    %swap3A_246 = arith.index_cast %swap3A_245 : i32 to index
    %swap3A_247 = arith.constant 464 : index
    %swap3A_248 = tpu.vector_load %arg10[%swap3A_246, %swap3A_247] {strides = array<i32>} : memref<84x513xf32, #tpu.memory_space<vmem>>, vector<16xf32>,
    tpu.vector_store %arg10[%swap3A_246, %swap3A_247], %broadcast_in_dim3A_1 {strides = array<i32>} : memref<84x513xf32, #tpu.memory_space<vmem>>, vector<16xf32>,
    %swap3A_249 = arith.constant 81 : i32
    %swap3A_250 = arith.index_cast %swap3A_249 : i32 to index
    %swap3A_251 = arith.constant 480 : index
    %swap3A_252 = tpu.vector_load %arg10[%swap3A_250, %swap3A_251] {strides = array<i32>} : memref<84x513xf32, #tpu.memory_space<vmem>>, vector<16xf32>,
    tpu.vector_store %arg10[%swap3A_250, %swap3A_251], %broadcast_in_dim3A_1 {strides = array<i32>} : memref<84x513xf32, #tpu.memory_space<vmem>>, vector<16xf32>,
    %swap3A_253 = arith.constant 81 : i32
    %swap3A_254 = arith.index_cast %swap3A_253 : i32 to index
    %swap3A_255 = arith.constant 496 : index
    %swap3A_256 = tpu.vector_load %arg10[%swap3A_254, %swap3A_255] {strides = array<i32>} : memref<84x513xf32, #tpu.memory_space<vmem>>, vector<16xf32>,
    tpu.vector_store %arg10[%swap3A_254, %swap3A_255], %broadcast_in_dim3A_1 {strides = array<i32>} : memref<84x513xf32, #tpu.memory_space<vmem>>, vector<16xf32>,
    %swap3A_257 = arith.constant 82 : i32
    %swap3A_258 = arith.index_cast %swap3A_257 : i32 to index
    %swap3A_259 = arith.constant 0 : index
    %swap3A_260 = tpu.vector_load %arg10[%swap3A_258, %swap3A_259] {strides = array<i32>} : memref<84x513xf32, #tpu.memory_space<vmem>>, vector<16xf32>,
    tpu.vector_store %arg10[%swap3A_258, %swap3A_259], %broadcast_in_dim3A_1 {strides = array<i32>} : memref<84x513xf32, #tpu.memory_space<vmem>>, vector<16xf32>,
    %swap3A_261 = arith.constant 82 : i32
    %swap3A_262 = arith.index_cast %swap3A_261 : i32 to index
    %swap3A_263 = arith.constant 16 : index
    %swap3A_264 = tpu.vector_load %arg10[%swap3A_262, %swap3A_263] {strides = array<i32>} : memref<84x513xf32, #tpu.memory_space<vmem>>, vector<16xf32>,
    tpu.vector_store %arg10[%swap3A_262, %swap3A_263], %broadcast_in_dim3A_1 {strides = array<i32>} : memref<84x513xf32, #tpu.memory_space<vmem>>, vector<16xf32>,
    %swap3A_265 = arith.constant 82 : i32
    %swap3A_266 = arith.index_cast %swap3A_265 : i32 to index
    %swap3A_267 = arith.constant 32 : index
    %swap3A_268 = tpu.vector_load %arg10[%swap3A_266, %swap3A_267] {strides = array<i32>} : memref<84x513xf32, #tpu.memory_space<vmem>>, vector<16xf32>,
    tpu.vector_store %arg10[%swap3A_266, %swap3A_267], %broadcast_in_dim3A_1 {strides = array<i32>} : memref<84x513xf32, #tpu.memory_space<vmem>>, vector<16xf32>,
    %swap3A_269 = arith.constant 82 : i32
    %swap3A_270 = arith.index_cast %swap3A_269 : i32 to index
    %swap3A_271 = arith.constant 48 : index
    %swap3A_272 = tpu.vector_load %arg10[%swap3A_270, %swap3A_271] {strides = array<i32>} : memref<84x513xf32, #tpu.memory_space<vmem>>, vector<16xf32>,
    tpu.vector_store %arg10[%swap3A_270, %swap3A_271], %broadcast_in_dim3A_1 {strides = array<i32>} : memref<84x513xf32, #tpu.memory_space<vmem>>, vector<16xf32>,
    %swap3A_273 = arith.constant 82 : i32
    %swap3A_274 = arith.index_cast %swap3A_273 : i32 to index
    %swap3A_275 = arith.constant 64 : index
    %swap3A_276 = tpu.vector_load %arg10[%swap3A_274, %swap3A_275] {strides = array<i32>} : memref<84x513xf32, #tpu.memory_space<vmem>>, vector<16xf32>,
    tpu.vector_store %arg10[%swap3A_274, %swap3A_275], %broadcast_in_dim3A_1 {strides = array<i32>} : memref<84x513xf32, #tpu.memory_space<vmem>>, vector<16xf32>,
    %swap3A_277 = arith.constant 82 : i32
    %swap3A_278 = arith.index_cast %swap3A_277 : i32 to index
    %swap3A_279 = arith.constant 80 : index
    %swap3A_280 = tpu.vector_load %arg10[%swap3A_278, %swap3A_279] {strides = array<i32>} : memref<84x513xf32, #tpu.memory_space<vmem>>, vector<16xf32>,
    tpu.vector_store %arg10[%swap3A_278, %swap3A_279], %broadcast_in_dim3A_1 {strides = array<i32>} : memref<84x513xf32, #tpu.memory_space<vmem>>, vector<16xf32>,
    %swap3A_281 = arith.constant 82 : i32
    %swap3A_282 = arith.index_cast %swap3A_281 : i32 to index
    %swap3A_283 = arith.constant 96 : index
    %swap3A_284 = tpu.vector_load %arg10[%swap3A_282, %swap3A_283] {strides = array<i32>} : memref<84x513xf32, #tpu.memory_space<vmem>>, vector<16xf32>,
    tpu.vector_store %arg10[%swap3A_282, %swap3A_283], %broadcast_in_dim3A_1 {strides = array<i32>} : memref<84x513xf32, #tpu.memory_space<vmem>>, vector<16xf32>,
    %swap3A_285 = arith.constant 82 : i32
    %swap3A_286 = arith.index_cast %swap3A_285 : i32 to index
    %swap3A_287 = arith.constant 112 : index
    %swap3A_288 = tpu.vector_load %arg10[%swap3A_286, %swap3A_287] {strides = array<i32>} : memref<84x513xf32, #tpu.memory_space<vmem>>, vector<16xf32>,
    tpu.vector_store %arg10[%swap3A_286, %swap3A_287], %broadcast_in_dim3A_1 {strides = array<i32>} : memref<84x513xf32, #tpu.memory_space<vmem>>, vector<16xf32>,
    %swap3A_289 = arith.constant 82 : i32
    %swap3A_290 = arith.index_cast %swap3A_289 : i32 to index
    %swap3A_291 = arith.constant 128 : index
    %swap3A_292 = tpu.vector_load %arg10[%swap3A_290, %swap3A_291] {strides = array<i32>} : memref<84x513xf32, #tpu.memory_space<vmem>>, vector<16xf32>,
    tpu.vector_store %arg10[%swap3A_290, %swap3A_291], %broadcast_in_dim3A_1 {strides = array<i32>} : memref<84x513xf32, #tpu.memory_space<vmem>>, vector<16xf32>,
    %swap3A_293 = arith.constant 82 : i32
    %swap3A_294 = arith.index_cast %swap3A_293 : i32 to index
    %swap3A_295 = arith.constant 144 : index
    %swap3A_296 = tpu.vector_load %arg10[%swap3A_294, %swap3A_295] {strides = array<i32>} : memref<84x513xf32, #tpu.memory_space<vmem>>, vector<16xf32>,
    tpu.vector_store %arg10[%swap3A_294, %swap3A_295], %broadcast_in_dim3A_1 {strides = array<i32>} : memref<84x513xf32, #tpu.memory_space<vmem>>, vector<16xf32>,
    %swap3A_297 = arith.constant 82 : i32
    %swap3A_298 = arith.index_cast %swap3A_297 : i32 to index
    %swap3A_299 = arith.constant 160 : index
    %swap3A_300 = tpu.vector_load %arg10[%swap3A_298, %swap3A_299] {strides = array<i32>} : memref<84x513xf32, #tpu.memory_space<vmem>>, vector<16xf32>,
    tpu.vector_store %arg10[%swap3A_298, %swap3A_299], %broadcast_in_dim3A_1 {strides = array<i32>} : memref<84x513xf32, #tpu.memory_space<vmem>>, vector<16xf32>,
    %swap3A_301 = arith.constant 82 : i32
    %swap3A_302 = arith.index_cast %swap3A_301 : i32 to index
    %swap3A_303 = arith.constant 176 : index
    %swap3A_304 = tpu.vector_load %arg10[%swap3A_302, %swap3A_303] {strides = array<i32>} : memref<84x513xf32, #tpu.memory_space<vmem>>, vector<16xf32>,
    tpu.vector_store %arg10[%swap3A_302, %swap3A_303], %broadcast_in_dim3A_1 {strides = array<i32>} : memref<84x513xf32, #tpu.memory_space<vmem>>, vector<16xf32>,
    %swap3A_305 = arith.constant 82 : i32
    %swap3A_306 = arith.index_cast %swap3A_305 : i32 to index
    %swap3A_307 = arith.constant 192 : index
    %swap3A_308 = tpu.vector_load %arg10[%swap3A_306, %swap3A_307] {strides = array<i32>} : memref<84x513xf32, #tpu.memory_space<vmem>>, vector<16xf32>,
    tpu.vector_store %arg10[%swap3A_306, %swap3A_307], %broadcast_in_dim3A_1 {strides = array<i32>} : memref<84x513xf32, #tpu.memory_space<vmem>>, vector<16xf32>,
    %swap3A_309 = arith.constant 82 : i32
    %swap3A_310 = arith.index_cast %swap3A_309 : i32 to index
    %swap3A_311 = arith.constant 208 : index
    %swap3A_312 = tpu.vector_load %arg10[%swap3A_310, %swap3A_311] {strides = array<i32>} : memref<84x513xf32, #tpu.memory_space<vmem>>, vector<16xf32>,
    tpu.vector_store %arg10[%swap3A_310, %swap3A_311], %broadcast_in_dim3A_1 {strides = array<i32>} : memref<84x513xf32, #tpu.memory_space<vmem>>, vector<16xf32>,
    %swap3A_313 = arith.constant 82 : i32
    %swap3A_314 = arith.index_cast %swap3A_313 : i32 to index
    %swap3A_315 = arith.constant 224 : index
    %swap3A_316 = tpu.vector_load %arg10[%swap3A_314, %swap3A_315] {strides = array<i32>} : memref<84x513xf32, #tpu.memory_space<vmem>>, vector<16xf32>,
    tpu.vector_store %arg10[%swap3A_314, %swap3A_315], %broadcast_in_dim3A_1 {strides = array<i32>} : memref<84x513xf32, #tpu.memory_space<vmem>>, vector<16xf32>,
    %swap3A_317 = arith.constant 82 : i32
    %swap3A_318 = arith.index_cast %swap3A_317 : i32 to index
    %swap3A_319 = arith.constant 240 : index
    %swap3A_320 = tpu.vector_load %arg10[%swap3A_318, %swap3A_319] {strides = array<i32>} : memref<84x513xf32, #tpu.memory_space<vmem>>, vector<16xf32>,
    tpu.vector_store %arg10[%swap3A_318, %swap3A_319], %broadcast_in_dim3A_1 {strides = array<i32>} : memref<84x513xf32, #tpu.memory_space<vmem>>, vector<16xf32>,
    %swap3A_321 = arith.constant 82 : i32
    %swap3A_322 = arith.index_cast %swap3A_321 : i32 to index
    %swap3A_323 = arith.constant 256 : index
    %swap3A_324 = tpu.vector_load %arg10[%swap3A_322, %swap3A_323] {strides = array<i32>} : memref<84x513xf32, #tpu.memory_space<vmem>>, vector<16xf32>,
    tpu.vector_store %arg10[%swap3A_322, %swap3A_323], %broadcast_in_dim3A_1 {strides = array<i32>} : memref<84x513xf32, #tpu.memory_space<vmem>>, vector<16xf32>,
    %swap3A_325 = arith.constant 82 : i32
    %swap3A_326 = arith.index_cast %swap3A_325 : i32 to index
    %swap3A_327 = arith.constant 272 : index
    %swap3A_328 = tpu.vector_load %arg10[%swap3A_326, %swap3A_327] {strides = array<i32>} : memref<84x513xf32, #tpu.memory_space<vmem>>, vector<16xf32>,
    tpu.vector_store %arg10[%swap3A_326, %swap3A_327], %broadcast_in_dim3A_1 {strides = array<i32>} : memref<84x513xf32, #tpu.memory_space<vmem>>, vector<16xf32>,
    %swap3A_329 = arith.constant 82 : i32
    %swap3A_330 = arith.index_cast %swap3A_329 : i32 to index
    %swap3A_331 = arith.constant 288 : index
    %swap3A_332 = tpu.vector_load %arg10[%swap3A_330, %swap3A_331] {strides = array<i32>} : memref<84x513xf32, #tpu.memory_space<vmem>>, vector<16xf32>,
    tpu.vector_store %arg10[%swap3A_330, %swap3A_331], %broadcast_in_dim3A_1 {strides = array<i32>} : memref<84x513xf32, #tpu.memory_space<vmem>>, vector<16xf32>,
    %swap3A_333 = arith.constant 82 : i32
    %swap3A_334 = arith.index_cast %swap3A_333 : i32 to index
    %swap3A_335 = arith.constant 304 : index
    %swap3A_336 = tpu.vector_load %arg10[%swap3A_334, %swap3A_335] {strides = array<i32>} : memref<84x513xf32, #tpu.memory_space<vmem>>, vector<16xf32>,
    tpu.vector_store %arg10[%swap3A_334, %swap3A_335], %broadcast_in_dim3A_1 {strides = array<i32>} : memref<84x513xf32, #tpu.memory_space<vmem>>, vector<16xf32>,
    %swap3A_337 = arith.constant 82 : i32
    %swap3A_338 = arith.index_cast %swap3A_337 : i32 to index
    %swap3A_339 = arith.constant 320 : index
    %swap3A_340 = tpu.vector_load %arg10[%swap3A_338, %swap3A_339] {strides = array<i32>} : memref<84x513xf32, #tpu.memory_space<vmem>>, vector<16xf32>,
    tpu.vector_store %arg10[%swap3A_338, %swap3A_339], %broadcast_in_dim3A_1 {strides = array<i32>} : memref<84x513xf32, #tpu.memory_space<vmem>>, vector<16xf32>,
    %swap3A_341 = arith.constant 82 : i32
    %swap3A_342 = arith.index_cast %swap3A_341 : i32 to index
    %swap3A_343 = arith.constant 336 : index
    %swap3A_344 = tpu.vector_load %arg10[%swap3A_342, %swap3A_343] {strides = array<i32>} : memref<84x513xf32, #tpu.memory_space<vmem>>, vector<16xf32>,
    tpu.vector_store %arg10[%swap3A_342, %swap3A_343], %broadcast_in_dim3A_1 {strides = array<i32>} : memref<84x513xf32, #tpu.memory_space<vmem>>, vector<16xf32>,
    %swap3A_345 = arith.constant 82 : i32
    %swap3A_346 = arith.index_cast %swap3A_345 : i32 to index
    %swap3A_347 = arith.constant 352 : index
    %swap3A_348 = tpu.vector_load %arg10[%swap3A_346, %swap3A_347] {strides = array<i32>} : memref<84x513xf32, #tpu.memory_space<vmem>>, vector<16xf32>,
    tpu.vector_store %arg10[%swap3A_346, %swap3A_347], %broadcast_in_dim3A_1 {strides = array<i32>} : memref<84x513xf32, #tpu.memory_space<vmem>>, vector<16xf32>,
    %swap3A_349 = arith.constant 82 : i32
    %swap3A_350 = arith.index_cast %swap3A_349 : i32 to index
    %swap3A_351 = arith.constant 368 : index
    %swap3A_352 = tpu.vector_load %arg10[%swap3A_350, %swap3A_351] {strides = array<i32>} : memref<84x513xf32, #tpu.memory_space<vmem>>, vector<16xf32>,
    tpu.vector_store %arg10[%swap3A_350, %swap3A_351], %broadcast_in_dim3A_1 {strides = array<i32>} : memref<84x513xf32, #tpu.memory_space<vmem>>, vector<16xf32>,
    %swap3A_353 = arith.constant 82 : i32
    %swap3A_354 = arith.index_cast %swap3A_353 : i32 to index
    %swap3A_355 = arith.constant 384 : index
    %swap3A_356 = tpu.vector_load %arg10[%swap3A_354, %swap3A_355] {strides = array<i32>} : memref<84x513xf32, #tpu.memory_space<vmem>>, vector<16xf32>,
    tpu.vector_store %arg10[%swap3A_354, %swap3A_355], %broadcast_in_dim3A_1 {strides = array<i32>} : memref<84x513xf32, #tpu.memory_space<vmem>>, vector<16xf32>,
    %swap3A_357 = arith.constant 82 : i32
    %swap3A_358 = arith.index_cast %swap3A_357 : i32 to index
    %swap3A_359 = arith.constant 400 : index
    %swap3A_360 = tpu.vector_load %arg10[%swap3A_358, %swap3A_359] {strides = array<i32>} : memref<84x513xf32, #tpu.memory_space<vmem>>, vector<16xf32>,
    tpu.vector_store %arg10[%swap3A_358, %swap3A_359], %broadcast_in_dim3A_1 {strides = array<i32>} : memref<84x513xf32, #tpu.memory_space<vmem>>, vector<16xf32>,
    %swap3A_361 = arith.constant 82 : i32
    %swap3A_362 = arith.index_cast %swap3A_361 : i32 to index
    %swap3A_363 = arith.constant 416 : index
    %swap3A_364 = tpu.vector_load %arg10[%swap3A_362, %swap3A_363] {strides = array<i32>} : memref<84x513xf32, #tpu.memory_space<vmem>>, vector<16xf32>,
    tpu.vector_store %arg10[%swap3A_362, %swap3A_363], %broadcast_in_dim3A_1 {strides = array<i32>} : memref<84x513xf32, #tpu.memory_space<vmem>>, vector<16xf32>,
    %swap3A_365 = arith.constant 82 : i32
    %swap3A_366 = arith.index_cast %swap3A_365 : i32 to index
    %swap3A_367 = arith.constant 432 : index
    %swap3A_368 = tpu.vector_load %arg10[%swap3A_366, %swap3A_367] {strides = array<i32>} : memref<84x513xf32, #tpu.memory_space<vmem>>, vector<16xf32>,
    tpu.vector_store %arg10[%swap3A_366, %swap3A_367], %broadcast_in_dim3A_1 {strides = array<i32>} : memref<84x513xf32, #tpu.memory_space<vmem>>, vector<16xf32>,
    %swap3A_369 = arith.constant 82 : i32
    %swap3A_370 = arith.index_cast %swap3A_369 : i32 to index
    %swap3A_371 = arith.constant 448 : index
    %swap3A_372 = tpu.vector_load %arg10[%swap3A_370, %swap3A_371] {strides = array<i32>} : memref<84x513xf32, #tpu.memory_space<vmem>>, vector<16xf32>,
    tpu.vector_store %arg10[%swap3A_370, %swap3A_371], %broadcast_in_dim3A_1 {strides = array<i32>} : memref<84x513xf32, #tpu.memory_space<vmem>>, vector<16xf32>,
    %swap3A_373 = arith.constant 82 : i32
    %swap3A_374 = arith.index_cast %swap3A_373 : i32 to index
    %swap3A_375 = arith.constant 464 : index
    %swap3A_376 = tpu.vector_load %arg10[%swap3A_374, %swap3A_375] {strides = array<i32>} : memref<84x513xf32, #tpu.memory_space<vmem>>, vector<16xf32>,
    tpu.vector_store %arg10[%swap3A_374, %swap3A_375], %broadcast_in_dim3A_1 {strides = array<i32>} : memref<84x513xf32, #tpu.memory_space<vmem>>, vector<16xf32>,
    %swap3A_377 = arith.constant 82 : i32
    %swap3A_378 = arith.index_cast %swap3A_377 : i32 to index
    %swap3A_379 = arith.constant 480 : index
    %swap3A_380 = tpu.vector_load %arg10[%swap3A_378, %swap3A_379] {strides = array<i32>} : memref<84x513xf32, #tpu.memory_space<vmem>>, vector<16xf32>,
    tpu.vector_store %arg10[%swap3A_378, %swap3A_379], %broadcast_in_dim3A_1 {strides = array<i32>} : memref<84x513xf32, #tpu.memory_space<vmem>>, vector<16xf32>,
    %swap3A_381 = arith.constant 82 : i32
    %swap3A_382 = arith.index_cast %swap3A_381 : i32 to index
    %swap3A_383 = arith.constant 496 : index
    %swap3A_384 = tpu.vector_load %arg10[%swap3A_382, %swap3A_383] {strides = array<i32>} : memref<84x513xf32, #tpu.memory_space<vmem>>, vector<16xf32>,
    tpu.vector_store %arg10[%swap3A_382, %swap3A_383], %broadcast_in_dim3A_1 {strides = array<i32>} : memref<84x513xf32, #tpu.memory_space<vmem>>, vector<16xf32>,
    %swap3A_385 = arith.constant 83 : i32
    %swap3A_386 = arith.index_cast %swap3A_385 : i32 to index
    %swap3A_387 = arith.constant 0 : index
    %swap3A_388 = tpu.vector_load %arg10[%swap3A_386, %swap3A_387] {strides = array<i32>} : memref<84x513xf32, #tpu.memory_space<vmem>>, vector<16xf32>,
    tpu.vector_store %arg10[%swap3A_386, %swap3A_387], %broadcast_in_dim3A_1 {strides = array<i32>} : memref<84x513xf32, #tpu.memory_space<vmem>>, vector<16xf32>,
    %swap3A_389 = arith.constant 83 : i32
    %swap3A_390 = arith.index_cast %swap3A_389 : i32 to index
    %swap3A_391 = arith.constant 16 : index
    %swap3A_392 = tpu.vector_load %arg10[%swap3A_390, %swap3A_391] {strides = array<i32>} : memref<84x513xf32, #tpu.memory_space<vmem>>, vector<16xf32>,
    tpu.vector_store %arg10[%swap3A_390, %swap3A_391], %broadcast_in_dim3A_1 {strides = array<i32>} : memref<84x513xf32, #tpu.memory_space<vmem>>, vector<16xf32>,
    %swap3A_393 = arith.constant 83 : i32
    %swap3A_394 = arith.index_cast %swap3A_393 : i32 to index
    %swap3A_395 = arith.constant 32 : index
    %swap3A_396 = tpu.vector_load %arg10[%swap3A_394, %swap3A_395] {strides = array<i32>} : memref<84x513xf32, #tpu.memory_space<vmem>>, vector<16xf32>,
    tpu.vector_store %arg10[%swap3A_394, %swap3A_395], %broadcast_in_dim3A_1 {strides = array<i32>} : memref<84x513xf32, #tpu.memory_space<vmem>>, vector<16xf32>,
    %swap3A_397 = arith.constant 83 : i32
    %swap3A_398 = arith.index_cast %swap3A_397 : i32 to index
    %swap3A_399 = arith.constant 48 : index
    %swap3A_400 = tpu.vector_load %arg10[%swap3A_398, %swap3A_399] {strides = array<i32>} : memref<84x513xf32, #tpu.memory_space<vmem>>, vector<16xf32>,
    tpu.vector_store %arg10[%swap3A_398, %swap3A_399], %broadcast_in_dim3A_1 {strides = array<i32>} : memref<84x513xf32, #tpu.memory_space<vmem>>, vector<16xf32>,
    %swap3A_401 = arith.constant 83 : i32
    %swap3A_402 = arith.index_cast %swap3A_401 : i32 to index
    %swap3A_403 = arith.constant 64 : index
    %swap3A_404 = tpu.vector_load %arg10[%swap3A_402, %swap3A_403] {strides = array<i32>} : memref<84x513xf32, #tpu.memory_space<vmem>>, vector<16xf32>,
    tpu.vector_store %arg10[%swap3A_402, %swap3A_403], %broadcast_in_dim3A_1 {strides = array<i32>} : memref<84x513xf32, #tpu.memory_space<vmem>>, vector<16xf32>,
    %swap3A_405 = arith.constant 83 : i32
    %swap3A_406 = arith.index_cast %swap3A_405 : i32 to index
    %swap3A_407 = arith.constant 80 : index
    %swap3A_408 = tpu.vector_load %arg10[%swap3A_406, %swap3A_407] {strides = array<i32>} : memref<84x513xf32, #tpu.memory_space<vmem>>, vector<16xf32>,
    tpu.vector_store %arg10[%swap3A_406, %swap3A_407], %broadcast_in_dim3A_1 {strides = array<i32>} : memref<84x513xf32, #tpu.memory_space<vmem>>, vector<16xf32>,
    %swap3A_409 = arith.constant 83 : i32
    %swap3A_410 = arith.index_cast %swap3A_409 : i32 to index
    %swap3A_411 = arith.constant 96 : index
    %swap3A_412 = tpu.vector_load %arg10[%swap3A_410, %swap3A_411] {strides = array<i32>} : memref<84x513xf32, #tpu.memory_space<vmem>>, vector<16xf32>,
    tpu.vector_store %arg10[%swap3A_410, %swap3A_411], %broadcast_in_dim3A_1 {strides = array<i32>} : memref<84x513xf32, #tpu.memory_space<vmem>>, vector<16xf32>,
    %swap3A_413 = arith.constant 83 : i32
    %swap3A_414 = arith.index_cast %swap3A_413 : i32 to index
    %swap3A_415 = arith.constant 112 : index
    %swap3A_416 = tpu.vector_load %arg10[%swap3A_414, %swap3A_415] {strides = array<i32>} : memref<84x513xf32, #tpu.memory_space<vmem>>, vector<16xf32>,
    tpu.vector_store %arg10[%swap3A_414, %swap3A_415], %broadcast_in_dim3A_1 {strides = array<i32>} : memref<84x513xf32, #tpu.memory_space<vmem>>, vector<16xf32>,
    %swap3A_417 = arith.constant 83 : i32
    %swap3A_418 = arith.index_cast %swap3A_417 : i32 to index
    %swap3A_419 = arith.constant 128 : index
    %swap3A_420 = tpu.vector_load %arg10[%swap3A_418, %swap3A_419] {strides = array<i32>} : memref<84x513xf32, #tpu.memory_space<vmem>>, vector<16xf32>,
    tpu.vector_store %arg10[%swap3A_418, %swap3A_419], %broadcast_in_dim3A_1 {strides = array<i32>} : memref<84x513xf32, #tpu.memory_space<vmem>>, vector<16xf32>,
    %swap3A_421 = arith.constant 83 : i32
    %swap3A_422 = arith.index_cast %swap3A_421 : i32 to index
    %swap3A_423 = arith.constant 144 : index
    %swap3A_424 = tpu.vector_load %arg10[%swap3A_422, %swap3A_423] {strides = array<i32>} : memref<84x513xf32, #tpu.memory_space<vmem>>, vector<16xf32>,
    tpu.vector_store %arg10[%swap3A_422, %swap3A_423], %broadcast_in_dim3A_1 {strides = array<i32>} : memref<84x513xf32, #tpu.memory_space<vmem>>, vector<16xf32>,
    %swap3A_425 = arith.constant 83 : i32
    %swap3A_426 = arith.index_cast %swap3A_425 : i32 to index
    %swap3A_427 = arith.constant 160 : index
    %swap3A_428 = tpu.vector_load %arg10[%swap3A_426, %swap3A_427] {strides = array<i32>} : memref<84x513xf32, #tpu.memory_space<vmem>>, vector<16xf32>,
    tpu.vector_store %arg10[%swap3A_426, %swap3A_427], %broadcast_in_dim3A_1 {strides = array<i32>} : memref<84x513xf32, #tpu.memory_space<vmem>>, vector<16xf32>,
    %swap3A_429 = arith.constant 83 : i32
    %swap3A_430 = arith.index_cast %swap3A_429 : i32 to index
    %swap3A_431 = arith.constant 176 : index
    %swap3A_432 = tpu.vector_load %arg10[%swap3A_430, %swap3A_431] {strides = array<i32>} : memref<84x513xf32, #tpu.memory_space<vmem>>, vector<16xf32>,
    tpu.vector_store %arg10[%swap3A_430, %swap3A_431], %broadcast_in_dim3A_1 {strides = array<i32>} : memref<84x513xf32, #tpu.memory_space<vmem>>, vector<16xf32>,
    %swap3A_433 = arith.constant 83 : i32
    %swap3A_434 = arith.index_cast %swap3A_433 : i32 to index
    %swap3A_435 = arith.constant 192 : index
    %swap3A_436 = tpu.vector_load %arg10[%swap3A_434, %swap3A_435] {strides = array<i32>} : memref<84x513xf32, #tpu.memory_space<vmem>>, vector<16xf32>,
    tpu.vector_store %arg10[%swap3A_434, %swap3A_435], %broadcast_in_dim3A_1 {strides = array<i32>} : memref<84x513xf32, #tpu.memory_space<vmem>>, vector<16xf32>,
    %swap3A_437 = arith.constant 83 : i32
    %swap3A_438 = arith.index_cast %swap3A_437 : i32 to index
    %swap3A_439 = arith.constant 208 : index
    %swap3A_440 = tpu.vector_load %arg10[%swap3A_438, %swap3A_439] {strides = array<i32>} : memref<84x513xf32, #tpu.memory_space<vmem>>, vector<16xf32>,
    tpu.vector_store %arg10[%swap3A_438, %swap3A_439], %broadcast_in_dim3A_1 {strides = array<i32>} : memref<84x513xf32, #tpu.memory_space<vmem>>, vector<16xf32>,
    %swap3A_441 = arith.constant 83 : i32
    %swap3A_442 = arith.index_cast %swap3A_441 : i32 to index
    %swap3A_443 = arith.constant 224 : index
    %swap3A_444 = tpu.vector_load %arg10[%swap3A_442, %swap3A_443] {strides = array<i32>} : memref<84x513xf32, #tpu.memory_space<vmem>>, vector<16xf32>,
    tpu.vector_store %arg10[%swap3A_442, %swap3A_443], %broadcast_in_dim3A_1 {strides = array<i32>} : memref<84x513xf32, #tpu.memory_space<vmem>>, vector<16xf32>,
    %swap3A_445 = arith.constant 83 : i32
    %swap3A_446 = arith.index_cast %swap3A_445 : i32 to index
    %swap3A_447 = arith.constant 240 : index
    %swap3A_448 = tpu.vector_load %arg10[%swap3A_446, %swap3A_447] {strides = array<i32>} : memref<84x513xf32, #tpu.memory_space<vmem>>, vector<16xf32>,
    tpu.vector_store %arg10[%swap3A_446, %swap3A_447], %broadcast_in_dim3A_1 {strides = array<i32>} : memref<84x513xf32, #tpu.memory_space<vmem>>, vector<16xf32>,
    %swap3A_449 = arith.constant 83 : i32
    %swap3A_450 = arith.index_cast %swap3A_449 : i32 to index
    %swap3A_451 = arith.constant 256 : index
    %swap3A_452 = tpu.vector_load %arg10[%swap3A_450, %swap3A_451] {strides = array<i32>} : memref<84x513xf32, #tpu.memory_space<vmem>>, vector<16xf32>,
    tpu.vector_store %arg10[%swap3A_450, %swap3A_451], %broadcast_in_dim3A_1 {strides = array<i32>} : memref<84x513xf32, #tpu.memory_space<vmem>>, vector<16xf32>,
    %swap3A_453 = arith.constant 83 : i32
    %swap3A_454 = arith.index_cast %swap3A_453 : i32 to index
    %swap3A_455 = arith.constant 272 : index
    %swap3A_456 = tpu.vector_load %arg10[%swap3A_454, %swap3A_455] {strides = array<i32>} : memref<84x513xf32, #tpu.memory_space<vmem>>, vector<16xf32>,
    tpu.vector_store %arg10[%swap3A_454, %swap3A_455], %broadcast_in_dim3A_1 {strides = array<i32>} : memref<84x513xf32, #tpu.memory_space<vmem>>, vector<16xf32>,
    %swap3A_457 = arith.constant 83 : i32
    %swap3A_458 = arith.index_cast %swap3A_457 : i32 to index
    %swap3A_459 = arith.constant 288 : index
    %swap3A_460 = tpu.vector_load %arg10[%swap3A_458, %swap3A_459] {strides = array<i32>} : memref<84x513xf32, #tpu.memory_space<vmem>>, vector<16xf32>,
    tpu.vector_store %arg10[%swap3A_458, %swap3A_459], %broadcast_in_dim3A_1 {strides = array<i32>} : memref<84x513xf32, #tpu.memory_space<vmem>>, vector<16xf32>,
    %swap3A_461 = arith.constant 83 : i32
    %swap3A_462 = arith.index_cast %swap3A_461 : i32 to index
    %swap3A_463 = arith.constant 304 : index
    %swap3A_464 = tpu.vector_load %arg10[%swap3A_462, %swap3A_463] {strides = array<i32>} : memref<84x513xf32, #tpu.memory_space<vmem>>, vector<16xf32>,
    tpu.vector_store %arg10[%swap3A_462, %swap3A_463], %broadcast_in_dim3A_1 {strides = array<i32>} : memref<84x513xf32, #tpu.memory_space<vmem>>, vector<16xf32>,
    %swap3A_465 = arith.constant 83 : i32
    %swap3A_466 = arith.index_cast %swap3A_465 : i32 to index
    %swap3A_467 = arith.constant 320 : index
    %swap3A_468 = tpu.vector_load %arg10[%swap3A_466, %swap3A_467] {strides = array<i32>} : memref<84x513xf32, #tpu.memory_space<vmem>>, vector<16xf32>,
    tpu.vector_store %arg10[%swap3A_466, %swap3A_467], %broadcast_in_dim3A_1 {strides = array<i32>} : memref<84x513xf32, #tpu.memory_space<vmem>>, vector<16xf32>,
    %swap3A_469 = arith.constant 83 : i32
    %swap3A_470 = arith.index_cast %swap3A_469 : i32 to index
    %swap3A_471 = arith.constant 336 : index
    %swap3A_472 = tpu.vector_load %arg10[%swap3A_470, %swap3A_471] {strides = array<i32>} : memref<84x513xf32, #tpu.memory_space<vmem>>, vector<16xf32>,
    tpu.vector_store %arg10[%swap3A_470, %swap3A_471], %broadcast_in_dim3A_1 {strides = array<i32>} : memref<84x513xf32, #tpu.memory_space<vmem>>, vector<16xf32>,
    %swap3A_473 = arith.constant 83 : i32
    %swap3A_474 = arith.index_cast %swap3A_473 : i32 to index
    %swap3A_475 = arith.constant 352 : index
    %swap3A_476 = tpu.vector_load %arg10[%swap3A_474, %swap3A_475] {strides = array<i32>} : memref<84x513xf32, #tpu.memory_space<vmem>>, vector<16xf32>,
    tpu.vector_store %arg10[%swap3A_474, %swap3A_475], %broadcast_in_dim3A_1 {strides = array<i32>} : memref<84x513xf32, #tpu.memory_space<vmem>>, vector<16xf32>,
    %swap3A_477 = arith.constant 83 : i32
    %swap3A_478 = arith.index_cast %swap3A_477 : i32 to index
    %swap3A_479 = arith.constant 368 : index
    %swap3A_480 = tpu.vector_load %arg10[%swap3A_478, %swap3A_479] {strides = array<i32>} : memref<84x513xf32, #tpu.memory_space<vmem>>, vector<16xf32>,
    tpu.vector_store %arg10[%swap3A_478, %swap3A_479], %broadcast_in_dim3A_1 {strides = array<i32>} : memref<84x513xf32, #tpu.memory_space<vmem>>, vector<16xf32>,
    %swap3A_481 = arith.constant 83 : i32
    %swap3A_482 = arith.index_cast %swap3A_481 : i32 to index
    %swap3A_483 = arith.constant 384 : index
    %swap3A_484 = tpu.vector_load %arg10[%swap3A_482, %swap3A_483] {strides = array<i32>} : memref<84x513xf32, #tpu.memory_space<vmem>>, vector<16xf32>,
    tpu.vector_store %arg10[%swap3A_482, %swap3A_483], %broadcast_in_dim3A_1 {strides = array<i32>} : memref<84x513xf32, #tpu.memory_space<vmem>>, vector<16xf32>,
    %swap3A_485 = arith.constant 83 : i32
    %swap3A_486 = arith.index_cast %swap3A_485 : i32 to index
    %swap3A_487 = arith.constant 400 : index
    %swap3A_488 = tpu.vector_load %arg10[%swap3A_486, %swap3A_487] {strides = array<i32>} : memref<84x513xf32, #tpu.memory_space<vmem>>, vector<16xf32>,
    tpu.vector_store %arg10[%swap3A_486, %swap3A_487], %broadcast_in_dim3A_1 {strides = array<i32>} : memref<84x513xf32, #tpu.memory_space<vmem>>, vector<16xf32>,
    %swap3A_489 = arith.constant 83 : i32
    %swap3A_490 = arith.index_cast %swap3A_489 : i32 to index
    %swap3A_491 = arith.constant 416 : index
    %swap3A_492 = tpu.vector_load %arg10[%swap3A_490, %swap3A_491] {strides = array<i32>} : memref<84x513xf32, #tpu.memory_space<vmem>>, vector<16xf32>,
    tpu.vector_store %arg10[%swap3A_490, %swap3A_491], %broadcast_in_dim3A_1 {strides = array<i32>} : memref<84x513xf32, #tpu.memory_space<vmem>>, vector<16xf32>,
    %swap3A_493 = arith.constant 83 : i32
    %swap3A_494 = arith.index_cast %swap3A_493 : i32 to index
    %swap3A_495 = arith.constant 432 : index
    %swap3A_496 = tpu.vector_load %arg10[%swap3A_494, %swap3A_495] {strides = array<i32>} : memref<84x513xf32, #tpu.memory_space<vmem>>, vector<16xf32>,
    tpu.vector_store %arg10[%swap3A_494, %swap3A_495], %broadcast_in_dim3A_1 {strides = array<i32>} : memref<84x513xf32, #tpu.memory_space<vmem>>, vector<16xf32>,
    %swap3A_497 = arith.constant 83 : i32
    %swap3A_498 = arith.index_cast %swap3A_497 : i32 to index
    %swap3A_499 = arith.constant 448 : index
    %swap3A_500 = tpu.vector_load %arg10[%swap3A_498, %swap3A_499] {strides = array<i32>} : memref<84x513xf32, #tpu.memory_space<vmem>>, vector<16xf32>,
    tpu.vector_store %arg10[%swap3A_498, %swap3A_499], %broadcast_in_dim3A_1 {strides = array<i32>} : memref<84x513xf32, #tpu.memory_space<vmem>>, vector<16xf32>,
    %swap3A_501 = arith.constant 83 : i32
    %swap3A_502 = arith.index_cast %swap3A_501 : i32 to index
    %swap3A_503 = arith.constant 464 : index
    %swap3A_504 = tpu.vector_load %arg10[%swap3A_502, %swap3A_503] {strides = array<i32>} : memref<84x513xf32, #tpu.memory_space<vmem>>, vector<16xf32>,
    tpu.vector_store %arg10[%swap3A_502, %swap3A_503], %broadcast_in_dim3A_1 {strides = array<i32>} : memref<84x513xf32, #tpu.memory_space<vmem>>, vector<16xf32>,
    %swap3A_505 = arith.constant 83 : i32
    %swap3A_506 = arith.index_cast %swap3A_505 : i32 to index
    %swap3A_507 = arith.constant 480 : index
    %swap3A_508 = tpu.vector_load %arg10[%swap3A_506, %swap3A_507] {strides = array<i32>} : memref<84x513xf32, #tpu.memory_space<vmem>>, vector<16xf32>,
    tpu.vector_store %arg10[%swap3A_506, %swap3A_507], %broadcast_in_dim3A_1 {strides = array<i32>} : memref<84x513xf32, #tpu.memory_space<vmem>>, vector<16xf32>,
    %swap3A_509 = arith.constant 83 : i32
    %swap3A_510 = arith.index_cast %swap3A_509 : i32 to index
    %swap3A_511 = arith.constant 496 : index
    %swap3A_512 = tpu.vector_load %arg10[%swap3A_510, %swap3A_511] {strides = array<i32>} : memref<84x513xf32, #tpu.memory_space<vmem>>, vector<16xf32>,
    tpu.vector_store %arg10[%swap3A_510, %swap3A_511], %broadcast_in_dim3A_1 {strides = array<i32>} : memref<84x513xf32, #tpu.memory_space<vmem>>, vector<16xf32>,
    %swap3A_513 = arith.constant 512 : i32
    %swap3A_514 = arith.index_cast %swap3A_513 : i32 to index
    %swap3A_515 = arith.constant 0 : index
    %swap3A_516 = tpu.vector_load %arg11[%swap3A_514, %swap3A_515] {strides = array<i32>} : memref<520x33xf32, #tpu.memory_space<vmem>>, vector<16xf32>,
    tpu.vector_store %arg11[%swap3A_514, %swap3A_515], %broadcast_in_dim3A_1 {strides = array<i32>} : memref<520x33xf32, #tpu.memory_space<vmem>>, vector<16xf32>,
    %swap3A_517 = arith.constant 512 : i32
    %swap3A_518 = arith.index_cast %swap3A_517 : i32 to index
    %swap3A_519 = arith.constant 16 : index
    %swap3A_520 = tpu.vector_load %arg11[%swap3A_518, %swap3A_519] {strides = array<i32>} : memref<520x33xf32, #tpu.memory_space<vmem>>, vector<16xf32>,
    tpu.vector_store %arg11[%swap3A_518, %swap3A_519], %broadcast_in_dim3A_1 {strides = array<i32>} : memref<520x33xf32, #tpu.memory_space<vmem>>, vector<16xf32>,
    %swap3A_521 = arith.constant 513 : i32
    %swap3A_522 = arith.index_cast %swap3A_521 : i32 to index
    %swap3A_523 = arith.constant 0 : index
    %swap3A_524 = tpu.vector_load %arg11[%swap3A_522, %swap3A_523] {strides = array<i32>} : memref<520x33xf32, #tpu.memory_space<vmem>>, vector<16xf32>,
    tpu.vector_store %arg11[%swap3A_522, %swap3A_523], %broadcast_in_dim3A_1 {strides = array<i32>} : memref<520x33xf32, #tpu.memory_space<vmem>>, vector<16xf32>,
    %swap3A_525 = arith.constant 513 : i32
    %swap3A_526 = arith.index_cast %swap3A_525 : i32 to index
    %swap3A_527 = arith.constant 16 : index
    %swap3A_528 = tpu.vector_load %arg11[%swap3A_526, %swap3A_527] {strides = array<i32>} : memref<520x33xf32, #tpu.memory_space<vmem>>, vector<16xf32>,
    tpu.vector_store %arg11[%swap3A_526, %swap3A_527], %broadcast_in_dim3A_1 {strides = array<i32>} : memref<520x33xf32, #tpu.memory_space<vmem>>, vector<16xf32>,
    %swap3A_529 = arith.constant 514 : i32
    %swap3A_530 = arith.index_cast %swap3A_529 : i32 to index
    %swap3A_531 = arith.constant 0 : index
    %swap3A_532 = tpu.vector_load %arg11[%swap3A_530, %swap3A_531] {strides = array<i32>} : memref<520x33xf32, #tpu.memory_space<vmem>>, vector<16xf32>,
    tpu.vector_store %arg11[%swap3A_530, %swap3A_531], %broadcast_in_dim3A_1 {strides = array<i32>} : memref<520x33xf32, #tpu.memory_space<vmem>>, vector<16xf32>,
    %swap3A_533 = arith.constant 514 : i32
    %swap3A_534 = arith.index_cast %swap3A_533 : i32 to index
    %swap3A_535 = arith.constant 16 : index
    %swap3A_536 = tpu.vector_load %arg11[%swap3A_534, %swap3A_535] {strides = array<i32>} : memref<520x33xf32, #tpu.memory_space<vmem>>, vector<16xf32>,
    tpu.vector_store %arg11[%swap3A_534, %swap3A_535], %broadcast_in_dim3A_1 {strides = array<i32>} : memref<520x33xf32, #tpu.memory_space<vmem>>, vector<16xf32>,
    %swap3A_537 = arith.constant 515 : i32
    %swap3A_538 = arith.index_cast %swap3A_537 : i32 to index
    %swap3A_539 = arith.constant 0 : index
    %swap3A_540 = tpu.vector_load %arg11[%swap3A_538, %swap3A_539] {strides = array<i32>} : memref<520x33xf32, #tpu.memory_space<vmem>>, vector<16xf32>,
    tpu.vector_store %arg11[%swap3A_538, %swap3A_539], %broadcast_in_dim3A_1 {strides = array<i32>} : memref<520x33xf32, #tpu.memory_space<vmem>>, vector<16xf32>,
    %swap3A_541 = arith.constant 515 : i32
    %swap3A_542 = arith.index_cast %swap3A_541 : i32 to index
    %swap3A_543 = arith.constant 16 : index
    %swap3A_544 = tpu.vector_load %arg11[%swap3A_542, %swap3A_543] {strides = array<i32>} : memref<520x33xf32, #tpu.memory_space<vmem>>, vector<16xf32>,
    tpu.vector_store %arg11[%swap3A_542, %swap3A_543], %broadcast_in_dim3A_1 {strides = array<i32>} : memref<520x33xf32, #tpu.memory_space<vmem>>, vector<16xf32>,
    %swap3A_545 = arith.constant 516 : i32
    %swap3A_546 = arith.index_cast %swap3A_545 : i32 to index
    %swap3A_547 = arith.constant 0 : index
    %swap3A_548 = tpu.vector_load %arg11[%swap3A_546, %swap3A_547] {strides = array<i32>} : memref<520x33xf32, #tpu.memory_space<vmem>>, vector<16xf32>,
    tpu.vector_store %arg11[%swap3A_546, %swap3A_547], %broadcast_in_dim3A_1 {strides = array<i32>} : memref<520x33xf32, #tpu.memory_space<vmem>>, vector<16xf32>,
    %swap3A_549 = arith.constant 516 : i32
    %swap3A_550 = arith.index_cast %swap3A_549 : i32 to index
    %swap3A_551 = arith.constant 16 : index
    %swap3A_552 = tpu.vector_load %arg11[%swap3A_550, %swap3A_551] {strides = array<i32>} : memref<520x33xf32, #tpu.memory_space<vmem>>, vector<16xf32>,
    tpu.vector_store %arg11[%swap3A_550, %swap3A_551], %broadcast_in_dim3A_1 {strides = array<i32>} : memref<520x33xf32, #tpu.memory_space<vmem>>, vector<16xf32>,
    %swap3A_553 = arith.constant 517 : i32
    %swap3A_554 = arith.index_cast %swap3A_553 : i32 to index
    %swap3A_555 = arith.constant 0 : index
    %swap3A_556 = tpu.vector_load %arg11[%swap3A_554, %swap3A_555] {strides = array<i32>} : memref<520x33xf32, #tpu.memory_space<vmem>>, vector<16xf32>,
    tpu.vector_store %arg11[%swap3A_554, %swap3A_555], %broadcast_in_dim3A_1 {strides = array<i32>} : memref<520x33xf32, #tpu.memory_space<vmem>>, vector<16xf32>,
    %swap3A_557 = arith.constant 517 : i32
    %swap3A_558 = arith.index_cast %swap3A_557 : i32 to index
    %swap3A_559 = arith.constant 16 : index
    %swap3A_560 = tpu.vector_load %arg11[%swap3A_558, %swap3A_559] {strides = array<i32>} : memref<520x33xf32, #tpu.memory_space<vmem>>, vector<16xf32>,
    tpu.vector_store %arg11[%swap3A_558, %swap3A_559], %broadcast_in_dim3A_1 {strides = array<i32>} : memref<520x33xf32, #tpu.memory_space<vmem>>, vector<16xf32>,
    %swap3A_561 = arith.constant 518 : i32
    %swap3A_562 = arith.index_cast %swap3A_561 : i32 to index
    %swap3A_563 = arith.constant 0 : index
    %swap3A_564 = tpu.vector_load %arg11[%swap3A_562, %swap3A_563] {strides = array<i32>} : memref<520x33xf32, #tpu.memory_space<vmem>>, vector<16xf32>,
    tpu.vector_store %arg11[%swap3A_562, %swap3A_563], %broadcast_in_dim3A_1 {strides = array<i32>} : memref<520x33xf32, #tpu.memory_space<vmem>>, vector<16xf32>,
    %swap3A_565 = arith.constant 518 : i32
    %swap3A_566 = arith.index_cast %swap3A_565 : i32 to index
    %swap3A_567 = arith.constant 16 : index
    %swap3A_568 = tpu.vector_load %arg11[%swap3A_566, %swap3A_567] {strides = array<i32>} : memref<520x33xf32, #tpu.memory_space<vmem>>, vector<16xf32>,
    tpu.vector_store %arg11[%swap3A_566, %swap3A_567], %broadcast_in_dim3A_1 {strides = array<i32>} : memref<520x33xf32, #tpu.memory_space<vmem>>, vector<16xf32>,
    %swap3A_569 = arith.constant 519 : i32
    %swap3A_570 = arith.index_cast %swap3A_569 : i32 to index
    %swap3A_571 = arith.constant 0 : index
    %swap3A_572 = tpu.vector_load %arg11[%swap3A_570, %swap3A_571] {strides = array<i32>} : memref<520x33xf32, #tpu.memory_space<vmem>>, vector<16xf32>,
    tpu.vector_store %arg11[%swap3A_570, %swap3A_571], %broadcast_in_dim3A_1 {strides = array<i32>} : memref<520x33xf32, #tpu.memory_space<vmem>>, vector<16xf32>,
    %swap3A_573 = arith.constant 519 : i32
    %swap3A_574 = arith.index_cast %swap3A_573 : i32 to index
    %swap3A_575 = arith.constant 16 : index
    %swap3A_576 = tpu.vector_load %arg11[%swap3A_574, %swap3A_575] {strides = array<i32>} : memref<520x33xf32, #tpu.memory_space<vmem>>, vector<16xf32>,
    tpu.vector_store %arg11[%swap3A_574, %swap3A_575], %broadcast_in_dim3A_1 {strides = array<i32>} : memref<520x33xf32, #tpu.memory_space<vmem>>, vector<16xf32>,
    tpu.wait_dma2 semaphore(%arg18 : memref<!tpu.dma_semaphore, #tpu.memory_space<semaphore_mem>>) src(%arg5 : memref<2x256xi32, #tpu.memory_space<hbm>>) dst(%arg15 : memref<2x256xi32, #tpu.memory_space<vmem>>)
    tpu.wait_dma2 semaphore(%arg18 : memref<!tpu.dma_semaphore, #tpu.memory_space<semaphore_mem>>) src(%arg6 : memref<8x256xf32, #tpu.memory_space<hbm>>) dst(%arg16 : memref<8x256xf32, #tpu.memory_space<vmem>>)
    tpu.wait_dma2 semaphore(%arg18 : memref<!tpu.dma_semaphore, #tpu.memory_space<semaphore_mem>>) src(%arg7 : memref<16xi32, #tpu.memory_space<hbm>>) dst(%arg17 : memref<16xi32, #tpu.memory_space<vmem>>)
    tpu.wait_dma2 semaphore(%arg18 : memref<!tpu.dma_semaphore, #tpu.memory_space<semaphore_mem>>) src(%arg3 : memref<8x2x32xi32, #tpu.memory_space<hbm>>) dst(%arg13 : memref<8x2x32xi32, #tpu.memory_space<vmem>>)
    tpu.wait_dma2 semaphore(%arg18 : memref<!tpu.dma_semaphore, #tpu.memory_space<semaphore_mem>>) src(%arg4 : memref<8x8x32xf32, #tpu.memory_space<hbm>>) dst(%arg14 : memref<8x8x32xf32, #tpu.memory_space<vmem>>)
    %get3A = arith.constant 0 : index
    %get3A_577 = tpu.vector_load %arg17[%get3A] {strides = array<i32>} : memref<16xi32, #tpu.memory_space<vmem>>, vector<16xi32>,
    %iota3A = tpu.iota {dimensions = array<i32: 0>} : vector<16xi32>
    %jit3A = arith.constant 8 : i32
    %div3A = arith.divsi %add3A, %jit3A : i32
    %sign3A = arith.constant 0 : i32
    %sign3A_578 = arith.cmpi sgt, %add3A, %sign3A : i32
    %sign3A_579 = arith.extui %sign3A_578 : i1 to i32
    %sign3A_580 = arith.constant 0 : i32
    %sign3A_581 = arith.cmpi slt, %add3A, %sign3A_580 : i32
    %sign3A_582 = arith.extui %sign3A_581 : i1 to i32
    %sign3A_583 = arith.subi %sign3A_579, %sign3A_582 : i32
    %sign3A_584 = arith.constant 0 : i32
    %sign3A_585 = arith.cmpi sgt, %jit3A, %sign3A_584 : i32
    %sign3A_586 = arith.extui %sign3A_585 : i1 to i32
    %sign3A_587 = arith.constant 0 : i32
    %sign3A_588 = arith.cmpi slt, %jit3A, %sign3A_587 : i32
    %sign3A_589 = arith.extui %sign3A_588 : i1 to i32
    %sign3A_590 = arith.subi %sign3A_586, %sign3A_589 : i32
    %ne3A = arith.cmpi ne, %sign3A_583, %sign3A_590 : i32
    %rem3A = arith.remsi %add3A, %jit3A : i32
    %ne3A_591 = arith.constant 0 : i32
    %ne3A_592 = arith.cmpi ne, %rem3A, %ne3A_591 : i32
    %and3A = arith.andi %ne3A, %ne3A_592 : i1
    %sub3A = arith.constant 1 : i32
    %sub3A_593 = arith.subi %div3A, %sub3A : i32
    %select_n3A = arith.select %and3A, %sub3A_593, %div3A : i32
    %jit3A_594 = arith.constant 8 : i32
    %eq3A = arith.constant 0 : i32
    %eq3A_595 = arith.cmpi eq, %jit3A_594, %eq3A : i32
    %jit3A_596 = arith.constant 1 : i32
    %select_n3A_597 = arith.select %eq3A_595, %jit3A_596, %jit3A_594 : i32
    %rem3A_598 = arith.remsi %add3A, %select_n3A_597 : i32
    %ne3A_599 = arith.constant 0 : i32
    %ne3A_600 = arith.cmpi ne, %rem3A_598, %ne3A_599 : i32
    %lt3A = arith.constant 0 : i32
    %lt3A_601 = arith.cmpi slt, %rem3A_598, %lt3A : i32
    %lt3A_602 = arith.constant 0 : i32
    %lt3A_603 = arith.cmpi slt, %select_n3A_597, %lt3A_602 : i32
    %ne3A_604 = arith.xori %lt3A_601, %lt3A_603 : i1
    %and3A_605 = arith.andi %ne3A_604, %ne3A_600 : i1
    %add3A_606 = arith.addi %rem3A_598, %select_n3A_597 : i32
    %select_n3A_607 = arith.select %and3A_605, %add3A_606, %rem3A_598 : i32
    %eq3A_608 = vector.broadcast %select_n3A_607 : i32 to vector<16xi32>
    %eq3A_609 = arith.cmpi eq, %iota3A, %eq3A_608 : vector<16xi32>
    %jit3A_610 = arith.constant 0 : i32
    %broadcast_in_dim3A_611 = vector.broadcast %jit3A_610 : i32 to vector<16xi32>
    %select_n3A_612 = arith.select %eq3A_609, %get3A_577, %broadcast_in_dim3A_611 : vector<16xi1>, vector<16xi32>
    %reduce_sum3A = arith.constant true
    %reduce_sum3A_613 = vector.broadcast %reduce_sum3A : i1 to vector<16xi1>
    %reduce_sum3A_614 = tpu.scan <sum>, %select_n3A_612 masked %reduce_sum3A_613 : vector<16xi32>, vector<16xi1> -> vector<16xi32>
    %reduce_sum3A_615 = vector.extract %reduce_sum3A_614[15] : i32 from vector<16xi32>
    %multiple_of3A = tpu.assume_multiple %reduce_sum3A_615, 8 : i32
    "tpu.region"() ({
      %run_scoped3A = tpu.sem_alloc : memref<!tpu.dma_semaphore, #tpu.memory_space<semaphore_mem>>
      %dma_start3A = arith.constant 0 : i32
      %dma_start3A_630 = tpu.memref_slice %arg2[%select_n3A, %multiple_of3A, %dma_start3A] : memref<24x512x512xf32, #tpu.memory_space<hbm>> -> memref<1x80x512xf32, #tpu.memory_space<hbm>>
      %dma_start3A_631 = tpu.memref_squeeze %dma_start3A_630 : memref<1x80x512xf32, #tpu.memory_space<hbm>> -> memref<80x512xf32, #tpu.memory_space<hbm>>
      %dma_start3A_632 = arith.constant 0 : i32
      %dma_start3A_633 = tpu.memref_slice %arg2[%select_n3A, %multiple_of3A, %dma_start3A_632] : memref<24x512x512xf32, #tpu.memory_space<hbm>> -> memref<1x80x512xf32, #tpu.memory_space<hbm>>
      %dma_start3A_634 = tpu.memref_squeeze %dma_start3A_633 : memref<1x80x512xf32, #tpu.memory_space<hbm>> -> memref<80x512xf32, #tpu.memory_space<hbm>>
      tpu.enqueue_dma source(%dma_start3A_634 : memref<80x512xf32, #tpu.memory_space<hbm>>) target(%arg9 : memref<80x512xf32, #tpu.memory_space<vmem>>) target_semaphore(%run_scoped3A : memref<!tpu.dma_semaphore, #tpu.memory_space<semaphore_mem>>)
      %dma_wait3A_635 = arith.constant 0 : i32
      %dma_wait3A_636 = tpu.memref_slice %arg2[%select_n3A, %multiple_of3A, %dma_wait3A_635] : memref<24x512x512xf32, #tpu.memory_space<hbm>> -> memref<1x80x512xf32, #tpu.memory_space<hbm>>
      %dma_wait3A_637 = tpu.memref_squeeze %dma_wait3A_636 : memref<1x80x512xf32, #tpu.memory_space<hbm>> -> memref<80x512xf32, #tpu.memory_space<hbm>>
      %dma_wait3A_638 = arith.constant 0 : i32
      %dma_wait3A_639 = tpu.memref_slice %arg2[%select_n3A, %multiple_of3A, %dma_wait3A_638] : memref<24x512x512xf32, #tpu.memory_space<hbm>> -> memref<1x80x512xf32, #tpu.memory_space<hbm>>
      %dma_wait3A_640 = tpu.memref_squeeze %dma_wait3A_639 : memref<1x80x512xf32, #tpu.memory_space<hbm>> -> memref<80x512xf32, #tpu.memory_space<hbm>>
      tpu.wait_dma2 semaphore(%run_scoped3A : memref<!tpu.dma_semaphore, #tpu.memory_space<semaphore_mem>>) src(%dma_wait3A_640 : memref<80x512xf32, #tpu.memory_space<hbm>>) dst(%arg9 : memref<80x512xf32, #tpu.memory_space<vmem>>)
      tpu.yield
    }) : () -> ()
    %scan3A = arith.constant 0 : i32
    %scan3A_616 = arith.constant 0 : i32
    %scan3A_617 = arith.constant 6 : i32
    %scan3A_618 = arith.addi %scan3A_616, %scan3A_617 : i32
    %scan3A_619 = arith.constant 1 : i32
    %scan3A_620 = scf.for %scan3A_630 = %scan3A_616 to %scan3A_618 step %scan3A_619 iter_args(%scan3A_631 = %scan3A) -> (i32)  : i32 {
      %mul3A_632 = arith.constant 32 : i32
      %mul3A_633 = arith.muli %scan3A_630, %mul3A_632 : i32
      %add3A_634 = arith.addi %mul3A_633, %add3A : i32
      %jit3A_635 = arith.constant 8 : i32
      %div3A_636 = arith.divsi %add3A_634, %jit3A_635 : i32
      %sign3A_637 = arith.constant 0 : i32
      %sign3A_638 = arith.cmpi sgt, %add3A_634, %sign3A_637 : i32
      %sign3A_639 = arith.extui %sign3A_638 : i1 to i32
      %sign3A_640 = arith.constant 0 : i32
      %sign3A_641 = arith.cmpi slt, %add3A_634, %sign3A_640 : i32
      %sign3A_642 = arith.extui %sign3A_641 : i1 to i32
      %sign3A_643 = arith.subi %sign3A_639, %sign3A_642 : i32
      %sign3A_644 = arith.constant 0 : i32
      %sign3A_645 = arith.cmpi sgt, %jit3A_635, %sign3A_644 : i32
      %sign3A_646 = arith.extui %sign3A_645 : i1 to i32
      %sign3A_647 = arith.constant 0 : i32
      %sign3A_648 = arith.cmpi slt, %jit3A_635, %sign3A_647 : i32
      %sign3A_649 = arith.extui %sign3A_648 : i1 to i32
      %sign3A_650 = arith.subi %sign3A_646, %sign3A_649 : i32
      %ne3A_651 = arith.cmpi ne, %sign3A_643, %sign3A_650 : i32
      %rem3A_652 = arith.remsi %add3A_634, %jit3A_635 : i32
      %ne3A_653 = arith.constant 0 : i32
      %ne3A_654 = arith.cmpi ne, %rem3A_652, %ne3A_653 : i32
      %and3A_655 = arith.andi %ne3A_651, %ne3A_654 : i1
      %sub3A_656 = arith.constant 1 : i32
      %sub3A_657 = arith.subi %div3A_636, %sub3A_656 : i32
      %select_n3A_658 = arith.select %and3A_655, %sub3A_657, %div3A_636 : i32
      %jit3A_659 = arith.constant 8 : i32
      %eq3A_660 = arith.constant 0 : i32
      %eq3A_661 = arith.cmpi eq, %jit3A_659, %eq3A_660 : i32
      %jit3A_662 = arith.constant 1 : i32
      %select_n3A_663 = arith.select %eq3A_661, %jit3A_662, %jit3A_659 : i32
      %rem3A_664 = arith.remsi %add3A_634, %select_n3A_663 : i32
      %ne3A_665 = arith.constant 0 : i32
      %ne3A_666 = arith.cmpi ne, %rem3A_664, %ne3A_665 : i32
      %lt3A_667 = arith.constant 0 : i32
      %lt3A_668 = arith.cmpi slt, %rem3A_664, %lt3A_667 : i32
      %lt3A_669 = arith.constant 0 : i32
      %lt3A_670 = arith.cmpi slt, %select_n3A_663, %lt3A_669 : i32
      %ne3A_671 = arith.xori %lt3A_668, %lt3A_670 : i1
      %and3A_672 = arith.andi %ne3A_671, %ne3A_666 : i1
      %add3A_673 = arith.addi %rem3A_664, %select_n3A_663 : i32
      %select_n3A_674 = arith.select %and3A_672, %add3A_673, %rem3A_664 : i32
      %parallel_loop3A = arith.constant 0 : i32
      %parallel_loop3A_675 = arith.constant 80 : i32
      %parallel_loop3A_676 = arith.constant 1 : i32
      scf.for %parallel_loop3A_865 = %parallel_loop3A to %parallel_loop3A_675 step %parallel_loop3A_676  : i32 {
        %parallel_loop3A_866 = arith.constant 1 : i32
        %parallel_loop3A_867 = arith.shrui %parallel_loop3A_865, %parallel_loop3A_866 : i32
        %parallel_loop3A_868 = arith.constant 1 : i32
        %parallel_loop3A_869 = arith.andi %parallel_loop3A_865, %parallel_loop3A_868 : i32
        %parallel_loop3A_870 = arith.constant 40 : i32
        %parallel_loop3A_871 = arith.muli %parallel_loop3A_869, %parallel_loop3A_870 : i32
        %parallel_loop3A_872 = arith.addi %parallel_loop3A_867, %parallel_loop3A_871 : i32
        %parallel_loop3A_873 = arith.index_cast %parallel_loop3A_865 : i32 to index
        %parallel_loop3A_874 = arith.constant 0 : index
        %parallel_loop3A_875 = tpu.vector_load %arg9[%parallel_loop3A_873, %parallel_loop3A_874] {strides = array<i32>} : memref<80x512xf32, #tpu.memory_space<vmem>>, vector<16xf32>,
        %parallel_loop3A_876 = arith.index_cast %parallel_loop3A_872 : i32 to index
        %parallel_loop3A_877 = arith.constant 0 : index
        %parallel_loop3A_878 = tpu.vector_load %arg10[%parallel_loop3A_876, %parallel_loop3A_877] {strides = array<i32>} : memref<84x513xf32, #tpu.memory_space<vmem>>, vector<16xf32>,
        tpu.vector_store %arg10[%parallel_loop3A_876, %parallel_loop3A_877], %parallel_loop3A_875 {strides = array<i32>} : memref<84x513xf32, #tpu.memory_space<vmem>>, vector<16xf32>,
        %parallel_loop3A_879 = arith.index_cast %parallel_loop3A_865 : i32 to index
        %parallel_loop3A_880 = arith.constant 16 : index
        %parallel_loop3A_881 = tpu.vector_load %arg9[%parallel_loop3A_879, %parallel_loop3A_880] {strides = array<i32>} : memref<80x512xf32, #tpu.memory_space<vmem>>, vector<16xf32>,
        %parallel_loop3A_882 = arith.index_cast %parallel_loop3A_872 : i32 to index
        %parallel_loop3A_883 = arith.constant 16 : index
        %parallel_loop3A_884 = tpu.vector_load %arg10[%parallel_loop3A_882, %parallel_loop3A_883] {strides = array<i32>} : memref<84x513xf32, #tpu.memory_space<vmem>>, vector<16xf32>,
        tpu.vector_store %arg10[%parallel_loop3A_882, %parallel_loop3A_883], %parallel_loop3A_881 {strides = array<i32>} : memref<84x513xf32, #tpu.memory_space<vmem>>, vector<16xf32>,
        %parallel_loop3A_885 = arith.index_cast %parallel_loop3A_865 : i32 to index
        %parallel_loop3A_886 = arith.constant 32 : index
        %parallel_loop3A_887 = tpu.vector_load %arg9[%parallel_loop3A_885, %parallel_loop3A_886] {strides = array<i32>} : memref<80x512xf32, #tpu.memory_space<vmem>>, vector<16xf32>,
        %parallel_loop3A_888 = arith.index_cast %parallel_loop3A_872 : i32 to index
        %parallel_loop3A_889 = arith.constant 32 : index
        %parallel_loop3A_890 = tpu.vector_load %arg10[%parallel_loop3A_888, %parallel_loop3A_889] {strides = array<i32>} : memref<84x513xf32, #tpu.memory_space<vmem>>, vector<16xf32>,
        tpu.vector_store %arg10[%parallel_loop3A_888, %parallel_loop3A_889], %parallel_loop3A_887 {strides = array<i32>} : memref<84x513xf32, #tpu.memory_space<vmem>>, vector<16xf32>,
        %parallel_loop3A_891 = arith.index_cast %parallel_loop3A_865 : i32 to index
        %parallel_loop3A_892 = arith.constant 48 : index
        %parallel_loop3A_893 = tpu.vector_load %arg9[%parallel_loop3A_891, %parallel_loop3A_892] {strides = array<i32>} : memref<80x512xf32, #tpu.memory_space<vmem>>, vector<16xf32>,
        %parallel_loop3A_894 = arith.index_cast %parallel_loop3A_872 : i32 to index
        %parallel_loop3A_895 = arith.constant 48 : index
        %parallel_loop3A_896 = tpu.vector_load %arg10[%parallel_loop3A_894, %parallel_loop3A_895] {strides = array<i32>} : memref<84x513xf32, #tpu.memory_space<vmem>>, vector<16xf32>,
        tpu.vector_store %arg10[%parallel_loop3A_894, %parallel_loop3A_895], %parallel_loop3A_893 {strides = array<i32>} : memref<84x513xf32, #tpu.memory_space<vmem>>, vector<16xf32>,
        %parallel_loop3A_897 = arith.index_cast %parallel_loop3A_865 : i32 to index
        %parallel_loop3A_898 = arith.constant 64 : index
        %parallel_loop3A_899 = tpu.vector_load %arg9[%parallel_loop3A_897, %parallel_loop3A_898] {strides = array<i32>} : memref<80x512xf32, #tpu.memory_space<vmem>>, vector<16xf32>,
        %parallel_loop3A_900 = arith.index_cast %parallel_loop3A_872 : i32 to index
        %parallel_loop3A_901 = arith.constant 64 : index
        %parallel_loop3A_902 = tpu.vector_load %arg10[%parallel_loop3A_900, %parallel_loop3A_901] {strides = array<i32>} : memref<84x513xf32, #tpu.memory_space<vmem>>, vector<16xf32>,
        tpu.vector_store %arg10[%parallel_loop3A_900, %parallel_loop3A_901], %parallel_loop3A_899 {strides = array<i32>} : memref<84x513xf32, #tpu.memory_space<vmem>>, vector<16xf32>,
        %parallel_loop3A_903 = arith.index_cast %parallel_loop3A_865 : i32 to index
        %parallel_loop3A_904 = arith.constant 80 : index
        %parallel_loop3A_905 = tpu.vector_load %arg9[%parallel_loop3A_903, %parallel_loop3A_904] {strides = array<i32>} : memref<80x512xf32, #tpu.memory_space<vmem>>, vector<16xf32>,
        %parallel_loop3A_906 = arith.index_cast %parallel_loop3A_872 : i32 to index
        %parallel_loop3A_907 = arith.constant 80 : index
        %parallel_loop3A_908 = tpu.vector_load %arg10[%parallel_loop3A_906, %parallel_loop3A_907] {strides = array<i32>} : memref<84x513xf32, #tpu.memory_space<vmem>>, vector<16xf32>,
        tpu.vector_store %arg10[%parallel_loop3A_906, %parallel_loop3A_907], %parallel_loop3A_905 {strides = array<i32>} : memref<84x513xf32, #tpu.memory_space<vmem>>, vector<16xf32>,
        %parallel_loop3A_909 = arith.index_cast %parallel_loop3A_865 : i32 to index
        %parallel_loop3A_910 = arith.constant 96 : index
        %parallel_loop3A_911 = tpu.vector_load %arg9[%parallel_loop3A_909, %parallel_loop3A_910] {strides = array<i32>} : memref<80x512xf32, #tpu.memory_space<vmem>>, vector<16xf32>,
        %parallel_loop3A_912 = arith.index_cast %parallel_loop3A_872 : i32 to index
        %parallel_loop3A_913 = arith.constant 96 : index
        %parallel_loop3A_914 = tpu.vector_load %arg10[%parallel_loop3A_912, %parallel_loop3A_913] {strides = array<i32>} : memref<84x513xf32, #tpu.memory_space<vmem>>, vector<16xf32>,
        tpu.vector_store %arg10[%parallel_loop3A_912, %parallel_loop3A_913], %parallel_loop3A_911 {strides = array<i32>} : memref<84x513xf32, #tpu.memory_space<vmem>>, vector<16xf32>,
        %parallel_loop3A_915 = arith.index_cast %parallel_loop3A_865 : i32 to index
        %parallel_loop3A_916 = arith.constant 112 : index
        %parallel_loop3A_917 = tpu.vector_load %arg9[%parallel_loop3A_915, %parallel_loop3A_916] {strides = array<i32>} : memref<80x512xf32, #tpu.memory_space<vmem>>, vector<16xf32>,
        %parallel_loop3A_918 = arith.index_cast %parallel_loop3A_872 : i32 to index
        %parallel_loop3A_919 = arith.constant 112 : index
        %parallel_loop3A_920 = tpu.vector_load %arg10[%parallel_loop3A_918, %parallel_loop3A_919] {strides = array<i32>} : memref<84x513xf32, #tpu.memory_space<vmem>>, vector<16xf32>,
        tpu.vector_store %arg10[%parallel_loop3A_918, %parallel_loop3A_919], %parallel_loop3A_917 {strides = array<i32>} : memref<84x513xf32, #tpu.memory_space<vmem>>, vector<16xf32>,
        %parallel_loop3A_921 = arith.index_cast %parallel_loop3A_865 : i32 to index
        %parallel_loop3A_922 = arith.constant 128 : index
        %parallel_loop3A_923 = tpu.vector_load %arg9[%parallel_loop3A_921, %parallel_loop3A_922] {strides = array<i32>} : memref<80x512xf32, #tpu.memory_space<vmem>>, vector<16xf32>,
        %parallel_loop3A_924 = arith.index_cast %parallel_loop3A_872 : i32 to index
        %parallel_loop3A_925 = arith.constant 128 : index
        %parallel_loop3A_926 = tpu.vector_load %arg10[%parallel_loop3A_924, %parallel_loop3A_925] {strides = array<i32>} : memref<84x513xf32, #tpu.memory_space<vmem>>, vector<16xf32>,
        tpu.vector_store %arg10[%parallel_loop3A_924, %parallel_loop3A_925], %parallel_loop3A_923 {strides = array<i32>} : memref<84x513xf32, #tpu.memory_space<vmem>>, vector<16xf32>,
        %parallel_loop3A_927 = arith.index_cast %parallel_loop3A_865 : i32 to index
        %parallel_loop3A_928 = arith.constant 144 : index
        %parallel_loop3A_929 = tpu.vector_load %arg9[%parallel_loop3A_927, %parallel_loop3A_928] {strides = array<i32>} : memref<80x512xf32, #tpu.memory_space<vmem>>, vector<16xf32>,
        %parallel_loop3A_930 = arith.index_cast %parallel_loop3A_872 : i32 to index
        %parallel_loop3A_931 = arith.constant 144 : index
        %parallel_loop3A_932 = tpu.vector_load %arg10[%parallel_loop3A_930, %parallel_loop3A_931] {strides = array<i32>} : memref<84x513xf32, #tpu.memory_space<vmem>>, vector<16xf32>,
        tpu.vector_store %arg10[%parallel_loop3A_930, %parallel_loop3A_931], %parallel_loop3A_929 {strides = array<i32>} : memref<84x513xf32, #tpu.memory_space<vmem>>, vector<16xf32>,
        %parallel_loop3A_933 = arith.index_cast %parallel_loop3A_865 : i32 to index
        %parallel_loop3A_934 = arith.constant 160 : index
        %parallel_loop3A_935 = tpu.vector_load %arg9[%parallel_loop3A_933, %parallel_loop3A_934] {strides = array<i32>} : memref<80x512xf32, #tpu.memory_space<vmem>>, vector<16xf32>,
        %parallel_loop3A_936 = arith.index_cast %parallel_loop3A_872 : i32 to index
        %parallel_loop3A_937 = arith.constant 160 : index
        %parallel_loop3A_938 = tpu.vector_load %arg10[%parallel_loop3A_936, %parallel_loop3A_937] {strides = array<i32>} : memref<84x513xf32, #tpu.memory_space<vmem>>, vector<16xf32>,
        tpu.vector_store %arg10[%parallel_loop3A_936, %parallel_loop3A_937], %parallel_loop3A_935 {strides = array<i32>} : memref<84x513xf32, #tpu.memory_space<vmem>>, vector<16xf32>,
        %parallel_loop3A_939 = arith.index_cast %parallel_loop3A_865 : i32 to index
        %parallel_loop3A_940 = arith.constant 176 : index
        %parallel_loop3A_941 = tpu.vector_load %arg9[%parallel_loop3A_939, %parallel_loop3A_940] {strides = array<i32>} : memref<80x512xf32, #tpu.memory_space<vmem>>, vector<16xf32>,
        %parallel_loop3A_942 = arith.index_cast %parallel_loop3A_872 : i32 to index
        %parallel_loop3A_943 = arith.constant 176 : index
        %parallel_loop3A_944 = tpu.vector_load %arg10[%parallel_loop3A_942, %parallel_loop3A_943] {strides = array<i32>} : memref<84x513xf32, #tpu.memory_space<vmem>>, vector<16xf32>,
        tpu.vector_store %arg10[%parallel_loop3A_942, %parallel_loop3A_943], %parallel_loop3A_941 {strides = array<i32>} : memref<84x513xf32, #tpu.memory_space<vmem>>, vector<16xf32>,
        %parallel_loop3A_945 = arith.index_cast %parallel_loop3A_865 : i32 to index
        %parallel_loop3A_946 = arith.constant 192 : index
        %parallel_loop3A_947 = tpu.vector_load %arg9[%parallel_loop3A_945, %parallel_loop3A_946] {strides = array<i32>} : memref<80x512xf32, #tpu.memory_space<vmem>>, vector<16xf32>,
        %parallel_loop3A_948 = arith.index_cast %parallel_loop3A_872 : i32 to index
        %parallel_loop3A_949 = arith.constant 192 : index
        %parallel_loop3A_950 = tpu.vector_load %arg10[%parallel_loop3A_948, %parallel_loop3A_949] {strides = array<i32>} : memref<84x513xf32, #tpu.memory_space<vmem>>, vector<16xf32>,
        tpu.vector_store %arg10[%parallel_loop3A_948, %parallel_loop3A_949], %parallel_loop3A_947 {strides = array<i32>} : memref<84x513xf32, #tpu.memory_space<vmem>>, vector<16xf32>,
        %parallel_loop3A_951 = arith.index_cast %parallel_loop3A_865 : i32 to index
        %parallel_loop3A_952 = arith.constant 208 : index
        %parallel_loop3A_953 = tpu.vector_load %arg9[%parallel_loop3A_951, %parallel_loop3A_952] {strides = array<i32>} : memref<80x512xf32, #tpu.memory_space<vmem>>, vector<16xf32>,
        %parallel_loop3A_954 = arith.index_cast %parallel_loop3A_872 : i32 to index
        %parallel_loop3A_955 = arith.constant 208 : index
        %parallel_loop3A_956 = tpu.vector_load %arg10[%parallel_loop3A_954, %parallel_loop3A_955] {strides = array<i32>} : memref<84x513xf32, #tpu.memory_space<vmem>>, vector<16xf32>,
        tpu.vector_store %arg10[%parallel_loop3A_954, %parallel_loop3A_955], %parallel_loop3A_953 {strides = array<i32>} : memref<84x513xf32, #tpu.memory_space<vmem>>, vector<16xf32>,
        %parallel_loop3A_957 = arith.index_cast %parallel_loop3A_865 : i32 to index
        %parallel_loop3A_958 = arith.constant 224 : index
        %parallel_loop3A_959 = tpu.vector_load %arg9[%parallel_loop3A_957, %parallel_loop3A_958] {strides = array<i32>} : memref<80x512xf32, #tpu.memory_space<vmem>>, vector<16xf32>,
        %parallel_loop3A_960 = arith.index_cast %parallel_loop3A_872 : i32 to index
        %parallel_loop3A_961 = arith.constant 224 : index
        %parallel_loop3A_962 = tpu.vector_load %arg10[%parallel_loop3A_960, %parallel_loop3A_961] {strides = array<i32>} : memref<84x513xf32, #tpu.memory_space<vmem>>, vector<16xf32>,
        tpu.vector_store %arg10[%parallel_loop3A_960, %parallel_loop3A_961], %parallel_loop3A_959 {strides = array<i32>} : memref<84x513xf32, #tpu.memory_space<vmem>>, vector<16xf32>,
        %parallel_loop3A_963 = arith.index_cast %parallel_loop3A_865 : i32 to index
        %parallel_loop3A_964 = arith.constant 240 : index
        %parallel_loop3A_965 = tpu.vector_load %arg9[%parallel_loop3A_963, %parallel_loop3A_964] {strides = array<i32>} : memref<80x512xf32, #tpu.memory_space<vmem>>, vector<16xf32>,
        %parallel_loop3A_966 = arith.index_cast %parallel_loop3A_872 : i32 to index
        %parallel_loop3A_967 = arith.constant 240 : index
        %parallel_loop3A_968 = tpu.vector_load %arg10[%parallel_loop3A_966, %parallel_loop3A_967] {strides = array<i32>} : memref<84x513xf32, #tpu.memory_space<vmem>>, vector<16xf32>,
        tpu.vector_store %arg10[%parallel_loop3A_966, %parallel_loop3A_967], %parallel_loop3A_965 {strides = array<i32>} : memref<84x513xf32, #tpu.memory_space<vmem>>, vector<16xf32>,
        %parallel_loop3A_969 = arith.index_cast %parallel_loop3A_865 : i32 to index
        %parallel_loop3A_970 = arith.constant 256 : index
        %parallel_loop3A_971 = tpu.vector_load %arg9[%parallel_loop3A_969, %parallel_loop3A_970] {strides = array<i32>} : memref<80x512xf32, #tpu.memory_space<vmem>>, vector<16xf32>,
        %parallel_loop3A_972 = arith.index_cast %parallel_loop3A_872 : i32 to index
        %parallel_loop3A_973 = arith.constant 256 : index
        %parallel_loop3A_974 = tpu.vector_load %arg10[%parallel_loop3A_972, %parallel_loop3A_973] {strides = array<i32>} : memref<84x513xf32, #tpu.memory_space<vmem>>, vector<16xf32>,
        tpu.vector_store %arg10[%parallel_loop3A_972, %parallel_loop3A_973], %parallel_loop3A_971 {strides = array<i32>} : memref<84x513xf32, #tpu.memory_space<vmem>>, vector<16xf32>,
        %parallel_loop3A_975 = arith.index_cast %parallel_loop3A_865 : i32 to index
        %parallel_loop3A_976 = arith.constant 272 : index
        %parallel_loop3A_977 = tpu.vector_load %arg9[%parallel_loop3A_975, %parallel_loop3A_976] {strides = array<i32>} : memref<80x512xf32, #tpu.memory_space<vmem>>, vector<16xf32>,
        %parallel_loop3A_978 = arith.index_cast %parallel_loop3A_872 : i32 to index
        %parallel_loop3A_979 = arith.constant 272 : index
        %parallel_loop3A_980 = tpu.vector_load %arg10[%parallel_loop3A_978, %parallel_loop3A_979] {strides = array<i32>} : memref<84x513xf32, #tpu.memory_space<vmem>>, vector<16xf32>,
        tpu.vector_store %arg10[%parallel_loop3A_978, %parallel_loop3A_979], %parallel_loop3A_977 {strides = array<i32>} : memref<84x513xf32, #tpu.memory_space<vmem>>, vector<16xf32>,
        %parallel_loop3A_981 = arith.index_cast %parallel_loop3A_865 : i32 to index
        %parallel_loop3A_982 = arith.constant 288 : index
        %parallel_loop3A_983 = tpu.vector_load %arg9[%parallel_loop3A_981, %parallel_loop3A_982] {strides = array<i32>} : memref<80x512xf32, #tpu.memory_space<vmem>>, vector<16xf32>,
        %parallel_loop3A_984 = arith.index_cast %parallel_loop3A_872 : i32 to index
        %parallel_loop3A_985 = arith.constant 288 : index
        %parallel_loop3A_986 = tpu.vector_load %arg10[%parallel_loop3A_984, %parallel_loop3A_985] {strides = array<i32>} : memref<84x513xf32, #tpu.memory_space<vmem>>, vector<16xf32>,
        tpu.vector_store %arg10[%parallel_loop3A_984, %parallel_loop3A_985], %parallel_loop3A_983 {strides = array<i32>} : memref<84x513xf32, #tpu.memory_space<vmem>>, vector<16xf32>,
        %parallel_loop3A_987 = arith.index_cast %parallel_loop3A_865 : i32 to index
        %parallel_loop3A_988 = arith.constant 304 : index
        %parallel_loop3A_989 = tpu.vector_load %arg9[%parallel_loop3A_987, %parallel_loop3A_988] {strides = array<i32>} : memref<80x512xf32, #tpu.memory_space<vmem>>, vector<16xf32>,
        %parallel_loop3A_990 = arith.index_cast %parallel_loop3A_872 : i32 to index
        %parallel_loop3A_991 = arith.constant 304 : index
        %parallel_loop3A_992 = tpu.vector_load %arg10[%parallel_loop3A_990, %parallel_loop3A_991] {strides = array<i32>} : memref<84x513xf32, #tpu.memory_space<vmem>>, vector<16xf32>,
        tpu.vector_store %arg10[%parallel_loop3A_990, %parallel_loop3A_991], %parallel_loop3A_989 {strides = array<i32>} : memref<84x513xf32, #tpu.memory_space<vmem>>, vector<16xf32>,
        %parallel_loop3A_993 = arith.index_cast %parallel_loop3A_865 : i32 to index
        %parallel_loop3A_994 = arith.constant 320 : index
        %parallel_loop3A_995 = tpu.vector_load %arg9[%parallel_loop3A_993, %parallel_loop3A_994] {strides = array<i32>} : memref<80x512xf32, #tpu.memory_space<vmem>>, vector<16xf32>,
        %parallel_loop3A_996 = arith.index_cast %parallel_loop3A_872 : i32 to index
        %parallel_loop3A_997 = arith.constant 320 : index
        %parallel_loop3A_998 = tpu.vector_load %arg10[%parallel_loop3A_996, %parallel_loop3A_997] {strides = array<i32>} : memref<84x513xf32, #tpu.memory_space<vmem>>, vector<16xf32>,
        tpu.vector_store %arg10[%parallel_loop3A_996, %parallel_loop3A_997], %parallel_loop3A_995 {strides = array<i32>} : memref<84x513xf32, #tpu.memory_space<vmem>>, vector<16xf32>,
        %parallel_loop3A_999 = arith.index_cast %parallel_loop3A_865 : i32 to index
        %parallel_loop3A_1000 = arith.constant 336 : index
        %parallel_loop3A_1001 = tpu.vector_load %arg9[%parallel_loop3A_999, %parallel_loop3A_1000] {strides = array<i32>} : memref<80x512xf32, #tpu.memory_space<vmem>>, vector<16xf32>,
        %parallel_loop3A_1002 = arith.index_cast %parallel_loop3A_872 : i32 to index
        %parallel_loop3A_1003 = arith.constant 336 : index
        %parallel_loop3A_1004 = tpu.vector_load %arg10[%parallel_loop3A_1002, %parallel_loop3A_1003] {strides = array<i32>} : memref<84x513xf32, #tpu.memory_space<vmem>>, vector<16xf32>,
        tpu.vector_store %arg10[%parallel_loop3A_1002, %parallel_loop3A_1003], %parallel_loop3A_1001 {strides = array<i32>} : memref<84x513xf32, #tpu.memory_space<vmem>>, vector<16xf32>,
        %parallel_loop3A_1005 = arith.index_cast %parallel_loop3A_865 : i32 to index
        %parallel_loop3A_1006 = arith.constant 352 : index
        %parallel_loop3A_1007 = tpu.vector_load %arg9[%parallel_loop3A_1005, %parallel_loop3A_1006] {strides = array<i32>} : memref<80x512xf32, #tpu.memory_space<vmem>>, vector<16xf32>,
        %parallel_loop3A_1008 = arith.index_cast %parallel_loop3A_872 : i32 to index
        %parallel_loop3A_1009 = arith.constant 352 : index
        %parallel_loop3A_1010 = tpu.vector_load %arg10[%parallel_loop3A_1008, %parallel_loop3A_1009] {strides = array<i32>} : memref<84x513xf32, #tpu.memory_space<vmem>>, vector<16xf32>,
        tpu.vector_store %arg10[%parallel_loop3A_1008, %parallel_loop3A_1009], %parallel_loop3A_1007 {strides = array<i32>} : memref<84x513xf32, #tpu.memory_space<vmem>>, vector<16xf32>,
        %parallel_loop3A_1011 = arith.index_cast %parallel_loop3A_865 : i32 to index
        %parallel_loop3A_1012 = arith.constant 368 : index
        %parallel_loop3A_1013 = tpu.vector_load %arg9[%parallel_loop3A_1011, %parallel_loop3A_1012] {strides = array<i32>} : memref<80x512xf32, #tpu.memory_space<vmem>>, vector<16xf32>,
        %parallel_loop3A_1014 = arith.index_cast %parallel_loop3A_872 : i32 to index
        %parallel_loop3A_1015 = arith.constant 368 : index
        %parallel_loop3A_1016 = tpu.vector_load %arg10[%parallel_loop3A_1014, %parallel_loop3A_1015] {strides = array<i32>} : memref<84x513xf32, #tpu.memory_space<vmem>>, vector<16xf32>,
        tpu.vector_store %arg10[%parallel_loop3A_1014, %parallel_loop3A_1015], %parallel_loop3A_1013 {strides = array<i32>} : memref<84x513xf32, #tpu.memory_space<vmem>>, vector<16xf32>,
        %parallel_loop3A_1017 = arith.index_cast %parallel_loop3A_865 : i32 to index
        %parallel_loop3A_1018 = arith.constant 384 : index
        %parallel_loop3A_1019 = tpu.vector_load %arg9[%parallel_loop3A_1017, %parallel_loop3A_1018] {strides = array<i32>} : memref<80x512xf32, #tpu.memory_space<vmem>>, vector<16xf32>,
        %parallel_loop3A_1020 = arith.index_cast %parallel_loop3A_872 : i32 to index
        %parallel_loop3A_1021 = arith.constant 384 : index
        %parallel_loop3A_1022 = tpu.vector_load %arg10[%parallel_loop3A_1020, %parallel_loop3A_1021] {strides = array<i32>} : memref<84x513xf32, #tpu.memory_space<vmem>>, vector<16xf32>,
        tpu.vector_store %arg10[%parallel_loop3A_1020, %parallel_loop3A_1021], %parallel_loop3A_1019 {strides = array<i32>} : memref<84x513xf32, #tpu.memory_space<vmem>>, vector<16xf32>,
        %parallel_loop3A_1023 = arith.index_cast %parallel_loop3A_865 : i32 to index
        %parallel_loop3A_1024 = arith.constant 400 : index
        %parallel_loop3A_1025 = tpu.vector_load %arg9[%parallel_loop3A_1023, %parallel_loop3A_1024] {strides = array<i32>} : memref<80x512xf32, #tpu.memory_space<vmem>>, vector<16xf32>,
        %parallel_loop3A_1026 = arith.index_cast %parallel_loop3A_872 : i32 to index
        %parallel_loop3A_1027 = arith.constant 400 : index
        %parallel_loop3A_1028 = tpu.vector_load %arg10[%parallel_loop3A_1026, %parallel_loop3A_1027] {strides = array<i32>} : memref<84x513xf32, #tpu.memory_space<vmem>>, vector<16xf32>,
        tpu.vector_store %arg10[%parallel_loop3A_1026, %parallel_loop3A_1027], %parallel_loop3A_1025 {strides = array<i32>} : memref<84x513xf32, #tpu.memory_space<vmem>>, vector<16xf32>,
        %parallel_loop3A_1029 = arith.index_cast %parallel_loop3A_865 : i32 to index
        %parallel_loop3A_1030 = arith.constant 416 : index
        %parallel_loop3A_1031 = tpu.vector_load %arg9[%parallel_loop3A_1029, %parallel_loop3A_1030] {strides = array<i32>} : memref<80x512xf32, #tpu.memory_space<vmem>>, vector<16xf32>,
        %parallel_loop3A_1032 = arith.index_cast %parallel_loop3A_872 : i32 to index
        %parallel_loop3A_1033 = arith.constant 416 : index
        %parallel_loop3A_1034 = tpu.vector_load %arg10[%parallel_loop3A_1032, %parallel_loop3A_1033] {strides = array<i32>} : memref<84x513xf32, #tpu.memory_space<vmem>>, vector<16xf32>,
        tpu.vector_store %arg10[%parallel_loop3A_1032, %parallel_loop3A_1033], %parallel_loop3A_1031 {strides = array<i32>} : memref<84x513xf32, #tpu.memory_space<vmem>>, vector<16xf32>,
        %parallel_loop3A_1035 = arith.index_cast %parallel_loop3A_865 : i32 to index
        %parallel_loop3A_1036 = arith.constant 432 : index
        %parallel_loop3A_1037 = tpu.vector_load %arg9[%parallel_loop3A_1035, %parallel_loop3A_1036] {strides = array<i32>} : memref<80x512xf32, #tpu.memory_space<vmem>>, vector<16xf32>,
        %parallel_loop3A_1038 = arith.index_cast %parallel_loop3A_872 : i32 to index
        %parallel_loop3A_1039 = arith.constant 432 : index
        %parallel_loop3A_1040 = tpu.vector_load %arg10[%parallel_loop3A_1038, %parallel_loop3A_1039] {strides = array<i32>} : memref<84x513xf32, #tpu.memory_space<vmem>>, vector<16xf32>,
        tpu.vector_store %arg10[%parallel_loop3A_1038, %parallel_loop3A_1039], %parallel_loop3A_1037 {strides = array<i32>} : memref<84x513xf32, #tpu.memory_space<vmem>>, vector<16xf32>,
        %parallel_loop3A_1041 = arith.index_cast %parallel_loop3A_865 : i32 to index
        %parallel_loop3A_1042 = arith.constant 448 : index
        %parallel_loop3A_1043 = tpu.vector_load %arg9[%parallel_loop3A_1041, %parallel_loop3A_1042] {strides = array<i32>} : memref<80x512xf32, #tpu.memory_space<vmem>>, vector<16xf32>,
        %parallel_loop3A_1044 = arith.index_cast %parallel_loop3A_872 : i32 to index
        %parallel_loop3A_1045 = arith.constant 448 : index
        %parallel_loop3A_1046 = tpu.vector_load %arg10[%parallel_loop3A_1044, %parallel_loop3A_1045] {strides = array<i32>} : memref<84x513xf32, #tpu.memory_space<vmem>>, vector<16xf32>,
        tpu.vector_store %arg10[%parallel_loop3A_1044, %parallel_loop3A_1045], %parallel_loop3A_1043 {strides = array<i32>} : memref<84x513xf32, #tpu.memory_space<vmem>>, vector<16xf32>,
        %parallel_loop3A_1047 = arith.index_cast %parallel_loop3A_865 : i32 to index
        %parallel_loop3A_1048 = arith.constant 464 : index
        %parallel_loop3A_1049 = tpu.vector_load %arg9[%parallel_loop3A_1047, %parallel_loop3A_1048] {strides = array<i32>} : memref<80x512xf32, #tpu.memory_space<vmem>>, vector<16xf32>,
        %parallel_loop3A_1050 = arith.index_cast %parallel_loop3A_872 : i32 to index
        %parallel_loop3A_1051 = arith.constant 464 : index
        %parallel_loop3A_1052 = tpu.vector_load %arg10[%parallel_loop3A_1050, %parallel_loop3A_1051] {strides = array<i32>} : memref<84x513xf32, #tpu.memory_space<vmem>>, vector<16xf32>,
        tpu.vector_store %arg10[%parallel_loop3A_1050, %parallel_loop3A_1051], %parallel_loop3A_1049 {strides = array<i32>} : memref<84x513xf32, #tpu.memory_space<vmem>>, vector<16xf32>,
        %parallel_loop3A_1053 = arith.index_cast %parallel_loop3A_865 : i32 to index
        %parallel_loop3A_1054 = arith.constant 480 : index
        %parallel_loop3A_1055 = tpu.vector_load %arg9[%parallel_loop3A_1053, %parallel_loop3A_1054] {strides = array<i32>} : memref<80x512xf32, #tpu.memory_space<vmem>>, vector<16xf32>,
        %parallel_loop3A_1056 = arith.index_cast %parallel_loop3A_872 : i32 to index
        %parallel_loop3A_1057 = arith.constant 480 : index
        %parallel_loop3A_1058 = tpu.vector_load %arg10[%parallel_loop3A_1056, %parallel_loop3A_1057] {strides = array<i32>} : memref<84x513xf32, #tpu.memory_space<vmem>>, vector<16xf32>,
        tpu.vector_store %arg10[%parallel_loop3A_1056, %parallel_loop3A_1057], %parallel_loop3A_1055 {strides = array<i32>} : memref<84x513xf32, #tpu.memory_space<vmem>>, vector<16xf32>,
        %parallel_loop3A_1059 = arith.index_cast %parallel_loop3A_865 : i32 to index
        %parallel_loop3A_1060 = arith.constant 496 : index
        %parallel_loop3A_1061 = tpu.vector_load %arg9[%parallel_loop3A_1059, %parallel_loop3A_1060] {strides = array<i32>} : memref<80x512xf32, #tpu.memory_space<vmem>>, vector<16xf32>,
        %parallel_loop3A_1062 = arith.index_cast %parallel_loop3A_872 : i32 to index
        %parallel_loop3A_1063 = arith.constant 496 : index
        %parallel_loop3A_1064 = tpu.vector_load %arg10[%parallel_loop3A_1062, %parallel_loop3A_1063] {strides = array<i32>} : memref<84x513xf32, #tpu.memory_space<vmem>>, vector<16xf32>,
        tpu.vector_store %arg10[%parallel_loop3A_1062, %parallel_loop3A_1063], %parallel_loop3A_1061 {strides = array<i32>} : memref<84x513xf32, #tpu.memory_space<vmem>>, vector<16xf32>,
      } {sc.loop_unroll_factor = 4 : i64, sc.parallel_access}
      %add3A_677 = arith.constant 32 : i32
      %add3A_678 = arith.addi %add3A_634, %add3A_677 : i32
      %min3A = arith.constant 191 : i32
      %min3A_679 = arith.minsi %add3A_678, %min3A : i32
      %jit3A_680 = arith.constant 8 : i32
      %div3A_681 = arith.divsi %min3A_679, %jit3A_680 : i32
      %sign3A_682 = arith.constant 0 : i32
      %sign3A_683 = arith.cmpi sgt, %min3A_679, %sign3A_682 : i32
      %sign3A_684 = arith.extui %sign3A_683 : i1 to i32
      %sign3A_685 = arith.constant 0 : i32
      %sign3A_686 = arith.cmpi slt, %min3A_679, %sign3A_685 : i32
      %sign3A_687 = arith.extui %sign3A_686 : i1 to i32
      %sign3A_688 = arith.subi %sign3A_684, %sign3A_687 : i32
      %sign3A_689 = arith.constant 0 : i32
      %sign3A_690 = arith.cmpi sgt, %jit3A_680, %sign3A_689 : i32
      %sign3A_691 = arith.extui %sign3A_690 : i1 to i32
      %sign3A_692 = arith.constant 0 : i32
      %sign3A_693 = arith.cmpi slt, %jit3A_680, %sign3A_692 : i32
      %sign3A_694 = arith.extui %sign3A_693 : i1 to i32
      %sign3A_695 = arith.subi %sign3A_691, %sign3A_694 : i32
      %ne3A_696 = arith.cmpi ne, %sign3A_688, %sign3A_695 : i32
      %rem3A_697 = arith.remsi %min3A_679, %jit3A_680 : i32
      %ne3A_698 = arith.constant 0 : i32
      %ne3A_699 = arith.cmpi ne, %rem3A_697, %ne3A_698 : i32
      %and3A_700 = arith.andi %ne3A_696, %ne3A_699 : i1
      %sub3A_701 = arith.constant 1 : i32
      %sub3A_702 = arith.subi %div3A_681, %sub3A_701 : i32
      %select_n3A_703 = arith.select %and3A_700, %sub3A_702, %div3A_681 : i32
      %jit3A_704 = arith.constant 8 : i32
      %eq3A_705 = arith.constant 0 : i32
      %eq3A_706 = arith.cmpi eq, %jit3A_704, %eq3A_705 : i32
      %jit3A_707 = arith.constant 1 : i32
      %select_n3A_708 = arith.select %eq3A_706, %jit3A_707, %jit3A_704 : i32
      %rem3A_709 = arith.remsi %min3A_679, %select_n3A_708 : i32
      %ne3A_710 = arith.constant 0 : i32
      %ne3A_711 = arith.cmpi ne, %rem3A_709, %ne3A_710 : i32
      %lt3A_712 = arith.constant 0 : i32
      %lt3A_713 = arith.cmpi slt, %rem3A_709, %lt3A_712 : i32
      %lt3A_714 = arith.constant 0 : i32
      %lt3A_715 = arith.cmpi slt, %select_n3A_708, %lt3A_714 : i32
      %ne3A_716 = arith.xori %lt3A_713, %lt3A_715 : i1
      %and3A_717 = arith.andi %ne3A_716, %ne3A_711 : i1
      %add3A_718 = arith.addi %rem3A_709, %select_n3A_708 : i32
      %select_n3A_719 = arith.select %and3A_717, %add3A_718, %rem3A_709 : i32
      %eq3A_720 = vector.broadcast %select_n3A_719 : i32 to vector<16xi32>
      %eq3A_721 = arith.cmpi eq, %iota3A, %eq3A_720 : vector<16xi32>
      %jit3A_722 = arith.constant 0 : i32
      %broadcast_in_dim3A_723 = vector.broadcast %jit3A_722 : i32 to vector<16xi32>
      %select_n3A_724 = arith.select %eq3A_721, %get3A_577, %broadcast_in_dim3A_723 : vector<16xi1>, vector<16xi32>
      %reduce_sum3A_725 = arith.constant true
      %reduce_sum3A_726 = vector.broadcast %reduce_sum3A_725 : i1 to vector<16xi1>
      %reduce_sum3A_727 = tpu.scan <sum>, %select_n3A_724 masked %reduce_sum3A_726 : vector<16xi32>, vector<16xi1> -> vector<16xi32>
      %reduce_sum3A_728 = vector.extract %reduce_sum3A_727[15] : i32 from vector<16xi32>
      %multiple_of3A_729 = tpu.assume_multiple %reduce_sum3A_728, 8 : i32
      %dma_start3A = arith.constant 0 : i32
      %dma_start3A_730 = tpu.memref_slice %arg2[%select_n3A_703, %multiple_of3A_729, %dma_start3A] : memref<24x512x512xf32, #tpu.memory_space<hbm>> -> memref<1x80x512xf32, #tpu.memory_space<hbm>>
      %dma_start3A_731 = tpu.memref_squeeze %dma_start3A_730 : memref<1x80x512xf32, #tpu.memory_space<hbm>> -> memref<80x512xf32, #tpu.memory_space<hbm>>
      %dma_start3A_732 = arith.constant 0 : i32
      %dma_start3A_733 = tpu.memref_slice %arg2[%select_n3A_703, %multiple_of3A_729, %dma_start3A_732] : memref<24x512x512xf32, #tpu.memory_space<hbm>> -> memref<1x80x512xf32, #tpu.memory_space<hbm>>
      %dma_start3A_734 = tpu.memref_squeeze %dma_start3A_733 : memref<1x80x512xf32, #tpu.memory_space<hbm>> -> memref<80x512xf32, #tpu.memory_space<hbm>>
      tpu.enqueue_dma source(%dma_start3A_734 : memref<80x512xf32, #tpu.memory_space<hbm>>) target(%arg9 : memref<80x512xf32, #tpu.memory_space<vmem>>) target_semaphore(%arg18 : memref<!tpu.dma_semaphore, #tpu.memory_space<semaphore_mem>>)
      %get3A_735 = arith.constant 0 : i32
      %get3A_736 = arith.index_cast %select_n3A_674 : i32 to index
      %get3A_737 = arith.index_cast %get3A_735 : i32 to index
      %get3A_738 = arith.constant 0 : index
      %get3A_739 = tpu.vector_load %arg13[%get3A_736, %get3A_737, %get3A_738] {strides = array<i32>} : memref<8x2x32xi32, #tpu.memory_space<vmem>>, vector<16xi32>,
      %get3A_740 = arith.constant 1 : i32
      %get3A_741 = arith.index_cast %select_n3A_674 : i32 to index
      %get3A_742 = arith.index_cast %get3A_740 : i32 to index
      %get3A_743 = arith.constant 0 : index
      %get3A_744 = tpu.vector_load %arg13[%get3A_741, %get3A_742, %get3A_743] {strides = array<i32>} : memref<8x2x32xi32, #tpu.memory_space<vmem>>, vector<16xi32>,
      %get3A_745 = arith.constant 0 : i32
      %get3A_746 = arith.index_cast %select_n3A_674 : i32 to index
      %get3A_747 = arith.index_cast %get3A_745 : i32 to index
      %get3A_748 = arith.constant 0 : index
      %get3A_749 = tpu.vector_load %arg14[%get3A_746, %get3A_747, %get3A_748] {strides = array<i32>} : memref<8x8x32xf32, #tpu.memory_space<vmem>>, vector<16xf32>,
      %get3A_750 = arith.constant 1 : i32
      %get3A_751 = arith.index_cast %select_n3A_674 : i32 to index
      %get3A_752 = arith.index_cast %get3A_750 : i32 to index
      %get3A_753 = arith.constant 0 : index
      %get3A_754 = tpu.vector_load %arg14[%get3A_751, %get3A_752, %get3A_753] {strides = array<i32>} : memref<8x8x32xf32, #tpu.memory_space<vmem>>, vector<16xf32>,
      %get3A_755 = arith.constant 2 : i32
      %get3A_756 = arith.index_cast %select_n3A_674 : i32 to index
      %get3A_757 = arith.index_cast %get3A_755 : i32 to index
      %get3A_758 = arith.constant 0 : index
      %get3A_759 = tpu.vector_load %arg14[%get3A_756, %get3A_757, %get3A_758] {strides = array<i32>} : memref<8x8x32xf32, #tpu.memory_space<vmem>>, vector<16xf32>,
      %get3A_760 = arith.constant 3 : i32
      %get3A_761 = arith.index_cast %select_n3A_674 : i32 to index
      %get3A_762 = arith.index_cast %get3A_760 : i32 to index
      %get3A_763 = arith.constant 0 : index
      %get3A_764 = tpu.vector_load %arg14[%get3A_761, %get3A_762, %get3A_763] {strides = array<i32>} : memref<8x8x32xf32, #tpu.memory_space<vmem>>, vector<16xf32>,
      %get3A_765 = arith.constant 4 : i32
      %get3A_766 = arith.index_cast %select_n3A_674 : i32 to index
      %get3A_767 = arith.index_cast %get3A_765 : i32 to index
      %get3A_768 = arith.constant 0 : index
      %get3A_769 = tpu.vector_load %arg14[%get3A_766, %get3A_767, %get3A_768] {strides = array<i32>} : memref<8x8x32xf32, #tpu.memory_space<vmem>>, vector<16xf32>,
      %get3A_770 = arith.constant 5 : i32
      %get3A_771 = arith.index_cast %select_n3A_674 : i32 to index
      %get3A_772 = arith.index_cast %get3A_770 : i32 to index
      %get3A_773 = arith.constant 0 : index
      %get3A_774 = tpu.vector_load %arg14[%get3A_771, %get3A_772, %get3A_773] {strides = array<i32>} : memref<8x8x32xf32, #tpu.memory_space<vmem>>, vector<16xf32>,
      %get3A_775 = arith.constant 6 : i32
      %get3A_776 = arith.index_cast %select_n3A_674 : i32 to index
      %get3A_777 = arith.index_cast %get3A_775 : i32 to index
      %get3A_778 = arith.constant 0 : index
      %get3A_779 = tpu.vector_load %arg14[%get3A_776, %get3A_777, %get3A_778] {strides = array<i32>} : memref<8x8x32xf32, #tpu.memory_space<vmem>>, vector<16xf32>,
      %get3A_780 = arith.constant 7 : i32
      %get3A_781 = arith.index_cast %select_n3A_674 : i32 to index
      %get3A_782 = arith.index_cast %get3A_780 : i32 to index
      %get3A_783 = arith.constant 0 : index
      %get3A_784 = tpu.vector_load %arg14[%get3A_781, %get3A_782, %get3A_783] {strides = array<i32>} : memref<8x8x32xf32, #tpu.memory_space<vmem>>, vector<16xf32>,
      %parallel_loop3A_785 = arith.constant 0 : i32
      %parallel_loop3A_786 = arith.constant 256 : i32
      %parallel_loop3A_787 = arith.constant 1 : i32
      scf.for %parallel_loop3A_865 = %parallel_loop3A_785 to %parallel_loop3A_786 step %parallel_loop3A_787  : i32 {
        %parallel_loop3A_866 = arith.constant 2 : i32
        %parallel_loop3A_867 = arith.muli %parallel_loop3A_866, %parallel_loop3A_865 : i32
        %parallel_loop3A_868 = arith.constant 0 : i32
        %parallel_loop3A_869 = arith.addi %parallel_loop3A_867, %parallel_loop3A_868 : i32
        %parallel_loop3A_870 = vector.broadcast %parallel_loop3A_869 : i32 to vector<16xi32>
        %parallel_loop3A_871 = arith.constant 0 : i32
        %parallel_loop3A_872 = arith.constant 0 : i32
        %parallel_loop3A_873 = tpu.memref_slice %arg10[%parallel_loop3A_871, %parallel_loop3A_872] : memref<84x513xf32, #tpu.memory_space<vmem>> -> memref<84x513xf32, #tpu.memory_space<vmem>>
        %parallel_loop3A_874 = tpu.vector_load_idx %parallel_loop3A_873[%get3A_739, %parallel_loop3A_870] : memref<84x513xf32, #tpu.memory_space<vmem>>[vector<16xi32>, vector<16xi32>], vector<16xf32>,
        %parallel_loop3A_875 = arith.mulf %get3A_749, %parallel_loop3A_874 : vector<16xf32>
        %parallel_loop3A_876 = arith.constant 0 : i32
        %parallel_loop3A_877 = arith.constant 0 : i32
        %parallel_loop3A_878 = tpu.memref_slice %arg10[%parallel_loop3A_876, %parallel_loop3A_877] : memref<84x513xf32, #tpu.memory_space<vmem>> -> memref<84x513xf32, #tpu.memory_space<vmem>>
        %parallel_loop3A_879 = tpu.vector_load_idx %parallel_loop3A_878[%get3A_744, %parallel_loop3A_870] : memref<84x513xf32, #tpu.memory_space<vmem>>[vector<16xi32>, vector<16xi32>], vector<16xf32>,
        %parallel_loop3A_880 = arith.mulf %get3A_754, %parallel_loop3A_879 : vector<16xf32>
        %parallel_loop3A_881 = arith.constant 1 : i32
        %parallel_loop3A_882 = arith.constant 0 : i32
        %parallel_loop3A_883 = tpu.memref_slice %arg10[%parallel_loop3A_881, %parallel_loop3A_882] : memref<84x513xf32, #tpu.memory_space<vmem>> -> memref<83x513xf32, #tpu.memory_space<vmem>>
        %parallel_loop3A_884 = tpu.vector_load_idx %parallel_loop3A_883[%get3A_739, %parallel_loop3A_870] : memref<83x513xf32, #tpu.memory_space<vmem>>[vector<16xi32>, vector<16xi32>], vector<16xf32>,
        %parallel_loop3A_885 = arith.mulf %get3A_759, %parallel_loop3A_884 : vector<16xf32>
        %parallel_loop3A_886 = arith.constant 1 : i32
        %parallel_loop3A_887 = arith.constant 0 : i32
        %parallel_loop3A_888 = tpu.memref_slice %arg10[%parallel_loop3A_886, %parallel_loop3A_887] : memref<84x513xf32, #tpu.memory_space<vmem>> -> memref<83x513xf32, #tpu.memory_space<vmem>>
        %parallel_loop3A_889 = tpu.vector_load_idx %parallel_loop3A_888[%get3A_744, %parallel_loop3A_870] : memref<83x513xf32, #tpu.memory_space<vmem>>[vector<16xi32>, vector<16xi32>], vector<16xf32>,
        %parallel_loop3A_890 = arith.mulf %get3A_764, %parallel_loop3A_889 : vector<16xf32>
        %parallel_loop3A_891 = arith.constant 2 : i32
        %parallel_loop3A_892 = arith.constant 0 : i32
        %parallel_loop3A_893 = tpu.memref_slice %arg10[%parallel_loop3A_891, %parallel_loop3A_892] : memref<84x513xf32, #tpu.memory_space<vmem>> -> memref<82x513xf32, #tpu.memory_space<vmem>>
        %parallel_loop3A_894 = tpu.vector_load_idx %parallel_loop3A_893[%get3A_739, %parallel_loop3A_870] : memref<82x513xf32, #tpu.memory_space<vmem>>[vector<16xi32>, vector<16xi32>], vector<16xf32>,
        %parallel_loop3A_895 = arith.mulf %get3A_769, %parallel_loop3A_894 : vector<16xf32>
        %parallel_loop3A_896 = arith.constant 2 : i32
        %parallel_loop3A_897 = arith.constant 0 : i32
        %parallel_loop3A_898 = tpu.memref_slice %arg10[%parallel_loop3A_896, %parallel_loop3A_897] : memref<84x513xf32, #tpu.memory_space<vmem>> -> memref<82x513xf32, #tpu.memory_space<vmem>>
        %parallel_loop3A_899 = tpu.vector_load_idx %parallel_loop3A_898[%get3A_744, %parallel_loop3A_870] : memref<82x513xf32, #tpu.memory_space<vmem>>[vector<16xi32>, vector<16xi32>], vector<16xf32>,
        %parallel_loop3A_900 = arith.mulf %get3A_774, %parallel_loop3A_899 : vector<16xf32>
        %parallel_loop3A_901 = arith.constant 3 : i32
        %parallel_loop3A_902 = arith.constant 0 : i32
        %parallel_loop3A_903 = tpu.memref_slice %arg10[%parallel_loop3A_901, %parallel_loop3A_902] : memref<84x513xf32, #tpu.memory_space<vmem>> -> memref<81x513xf32, #tpu.memory_space<vmem>>
        %parallel_loop3A_904 = tpu.vector_load_idx %parallel_loop3A_903[%get3A_739, %parallel_loop3A_870] : memref<81x513xf32, #tpu.memory_space<vmem>>[vector<16xi32>, vector<16xi32>], vector<16xf32>,
        %parallel_loop3A_905 = arith.mulf %get3A_779, %parallel_loop3A_904 : vector<16xf32>
        %parallel_loop3A_906 = arith.constant 3 : i32
        %parallel_loop3A_907 = arith.constant 0 : i32
        %parallel_loop3A_908 = tpu.memref_slice %arg10[%parallel_loop3A_906, %parallel_loop3A_907] : memref<84x513xf32, #tpu.memory_space<vmem>> -> memref<81x513xf32, #tpu.memory_space<vmem>>
        %parallel_loop3A_909 = tpu.vector_load_idx %parallel_loop3A_908[%get3A_744, %parallel_loop3A_870] : memref<81x513xf32, #tpu.memory_space<vmem>>[vector<16xi32>, vector<16xi32>], vector<16xf32>,
        %parallel_loop3A_910 = arith.mulf %get3A_784, %parallel_loop3A_909 : vector<16xf32>
        %parallel_loop3A_911 = arith.addf %parallel_loop3A_875, %parallel_loop3A_880 : vector<16xf32>
        %parallel_loop3A_912 = arith.addf %parallel_loop3A_885, %parallel_loop3A_890 : vector<16xf32>
        %parallel_loop3A_913 = arith.addf %parallel_loop3A_895, %parallel_loop3A_900 : vector<16xf32>
        %parallel_loop3A_914 = arith.addf %parallel_loop3A_905, %parallel_loop3A_910 : vector<16xf32>
        %parallel_loop3A_915 = arith.addf %parallel_loop3A_911, %parallel_loop3A_912 : vector<16xf32>
        %parallel_loop3A_916 = arith.addf %parallel_loop3A_913, %parallel_loop3A_914 : vector<16xf32>
        %parallel_loop3A_917 = arith.addf %parallel_loop3A_915, %parallel_loop3A_916 : vector<16xf32>
        %parallel_loop3A_918 = arith.constant 0 : i32
        %parallel_loop3A_919 = arith.addi %parallel_loop3A_865, %parallel_loop3A_918 : i32
        %parallel_loop3A_920 = arith.index_cast %parallel_loop3A_919 : i32 to index
        %parallel_loop3A_921 = arith.constant 0 : index
        %parallel_loop3A_922 = tpu.vector_load %arg11[%parallel_loop3A_920, %parallel_loop3A_921] {strides = array<i32>} : memref<520x33xf32, #tpu.memory_space<vmem>>, vector<16xf32>,
        tpu.vector_store %arg11[%parallel_loop3A_920, %parallel_loop3A_921], %parallel_loop3A_917 {strides = array<i32>} : memref<520x33xf32, #tpu.memory_space<vmem>>, vector<16xf32>,
        %parallel_loop3A_923 = arith.constant 2 : i32
        %parallel_loop3A_924 = arith.muli %parallel_loop3A_923, %parallel_loop3A_865 : i32
        %parallel_loop3A_925 = arith.constant 1 : i32
        %parallel_loop3A_926 = arith.addi %parallel_loop3A_924, %parallel_loop3A_925 : i32
        %parallel_loop3A_927 = vector.broadcast %parallel_loop3A_926 : i32 to vector<16xi32>
        %parallel_loop3A_928 = arith.constant 0 : i32
        %parallel_loop3A_929 = arith.constant 0 : i32
        %parallel_loop3A_930 = tpu.memref_slice %arg10[%parallel_loop3A_928, %parallel_loop3A_929] : memref<84x513xf32, #tpu.memory_space<vmem>> -> memref<84x513xf32, #tpu.memory_space<vmem>>
        %parallel_loop3A_931 = tpu.vector_load_idx %parallel_loop3A_930[%get3A_739, %parallel_loop3A_927] : memref<84x513xf32, #tpu.memory_space<vmem>>[vector<16xi32>, vector<16xi32>], vector<16xf32>,
        %parallel_loop3A_932 = arith.mulf %get3A_749, %parallel_loop3A_931 : vector<16xf32>
        %parallel_loop3A_933 = arith.constant 0 : i32
        %parallel_loop3A_934 = arith.constant 0 : i32
        %parallel_loop3A_935 = tpu.memref_slice %arg10[%parallel_loop3A_933, %parallel_loop3A_934] : memref<84x513xf32, #tpu.memory_space<vmem>> -> memref<84x513xf32, #tpu.memory_space<vmem>>
        %parallel_loop3A_936 = tpu.vector_load_idx %parallel_loop3A_935[%get3A_744, %parallel_loop3A_927] : memref<84x513xf32, #tpu.memory_space<vmem>>[vector<16xi32>, vector<16xi32>], vector<16xf32>,
        %parallel_loop3A_937 = arith.mulf %get3A_754, %parallel_loop3A_936 : vector<16xf32>
        %parallel_loop3A_938 = arith.constant 1 : i32
        %parallel_loop3A_939 = arith.constant 0 : i32
        %parallel_loop3A_940 = tpu.memref_slice %arg10[%parallel_loop3A_938, %parallel_loop3A_939] : memref<84x513xf32, #tpu.memory_space<vmem>> -> memref<83x513xf32, #tpu.memory_space<vmem>>
        %parallel_loop3A_941 = tpu.vector_load_idx %parallel_loop3A_940[%get3A_739, %parallel_loop3A_927] : memref<83x513xf32, #tpu.memory_space<vmem>>[vector<16xi32>, vector<16xi32>], vector<16xf32>,
        %parallel_loop3A_942 = arith.mulf %get3A_759, %parallel_loop3A_941 : vector<16xf32>
        %parallel_loop3A_943 = arith.constant 1 : i32
        %parallel_loop3A_944 = arith.constant 0 : i32
        %parallel_loop3A_945 = tpu.memref_slice %arg10[%parallel_loop3A_943, %parallel_loop3A_944] : memref<84x513xf32, #tpu.memory_space<vmem>> -> memref<83x513xf32, #tpu.memory_space<vmem>>
        %parallel_loop3A_946 = tpu.vector_load_idx %parallel_loop3A_945[%get3A_744, %parallel_loop3A_927] : memref<83x513xf32, #tpu.memory_space<vmem>>[vector<16xi32>, vector<16xi32>], vector<16xf32>,
        %parallel_loop3A_947 = arith.mulf %get3A_764, %parallel_loop3A_946 : vector<16xf32>
        %parallel_loop3A_948 = arith.constant 2 : i32
        %parallel_loop3A_949 = arith.constant 0 : i32
        %parallel_loop3A_950 = tpu.memref_slice %arg10[%parallel_loop3A_948, %parallel_loop3A_949] : memref<84x513xf32, #tpu.memory_space<vmem>> -> memref<82x513xf32, #tpu.memory_space<vmem>>
        %parallel_loop3A_951 = tpu.vector_load_idx %parallel_loop3A_950[%get3A_739, %parallel_loop3A_927] : memref<82x513xf32, #tpu.memory_space<vmem>>[vector<16xi32>, vector<16xi32>], vector<16xf32>,
        %parallel_loop3A_952 = arith.mulf %get3A_769, %parallel_loop3A_951 : vector<16xf32>
        %parallel_loop3A_953 = arith.constant 2 : i32
        %parallel_loop3A_954 = arith.constant 0 : i32
        %parallel_loop3A_955 = tpu.memref_slice %arg10[%parallel_loop3A_953, %parallel_loop3A_954] : memref<84x513xf32, #tpu.memory_space<vmem>> -> memref<82x513xf32, #tpu.memory_space<vmem>>
        %parallel_loop3A_956 = tpu.vector_load_idx %parallel_loop3A_955[%get3A_744, %parallel_loop3A_927] : memref<82x513xf32, #tpu.memory_space<vmem>>[vector<16xi32>, vector<16xi32>], vector<16xf32>,
        %parallel_loop3A_957 = arith.mulf %get3A_774, %parallel_loop3A_956 : vector<16xf32>
        %parallel_loop3A_958 = arith.constant 3 : i32
        %parallel_loop3A_959 = arith.constant 0 : i32
        %parallel_loop3A_960 = tpu.memref_slice %arg10[%parallel_loop3A_958, %parallel_loop3A_959] : memref<84x513xf32, #tpu.memory_space<vmem>> -> memref<81x513xf32, #tpu.memory_space<vmem>>
        %parallel_loop3A_961 = tpu.vector_load_idx %parallel_loop3A_960[%get3A_739, %parallel_loop3A_927] : memref<81x513xf32, #tpu.memory_space<vmem>>[vector<16xi32>, vector<16xi32>], vector<16xf32>,
        %parallel_loop3A_962 = arith.mulf %get3A_779, %parallel_loop3A_961 : vector<16xf32>
        %parallel_loop3A_963 = arith.constant 3 : i32
        %parallel_loop3A_964 = arith.constant 0 : i32
        %parallel_loop3A_965 = tpu.memref_slice %arg10[%parallel_loop3A_963, %parallel_loop3A_964] : memref<84x513xf32, #tpu.memory_space<vmem>> -> memref<81x513xf32, #tpu.memory_space<vmem>>
        %parallel_loop3A_966 = tpu.vector_load_idx %parallel_loop3A_965[%get3A_744, %parallel_loop3A_927] : memref<81x513xf32, #tpu.memory_space<vmem>>[vector<16xi32>, vector<16xi32>], vector<16xf32>,
        %parallel_loop3A_967 = arith.mulf %get3A_784, %parallel_loop3A_966 : vector<16xf32>
        %parallel_loop3A_968 = arith.addf %parallel_loop3A_932, %parallel_loop3A_937 : vector<16xf32>
        %parallel_loop3A_969 = arith.addf %parallel_loop3A_942, %parallel_loop3A_947 : vector<16xf32>
        %parallel_loop3A_970 = arith.addf %parallel_loop3A_952, %parallel_loop3A_957 : vector<16xf32>
        %parallel_loop3A_971 = arith.addf %parallel_loop3A_962, %parallel_loop3A_967 : vector<16xf32>
        %parallel_loop3A_972 = arith.addf %parallel_loop3A_968, %parallel_loop3A_969 : vector<16xf32>
        %parallel_loop3A_973 = arith.addf %parallel_loop3A_970, %parallel_loop3A_971 : vector<16xf32>
        %parallel_loop3A_974 = arith.addf %parallel_loop3A_972, %parallel_loop3A_973 : vector<16xf32>
        %parallel_loop3A_975 = arith.constant 256 : i32
        %parallel_loop3A_976 = arith.addi %parallel_loop3A_865, %parallel_loop3A_975 : i32
        %parallel_loop3A_977 = arith.index_cast %parallel_loop3A_976 : i32 to index
        %parallel_loop3A_978 = arith.constant 0 : index
        %parallel_loop3A_979 = tpu.vector_load %arg11[%parallel_loop3A_977, %parallel_loop3A_978] {strides = array<i32>} : memref<520x33xf32, #tpu.memory_space<vmem>>, vector<16xf32>,
        tpu.vector_store %arg11[%parallel_loop3A_977, %parallel_loop3A_978], %parallel_loop3A_974 {strides = array<i32>} : memref<520x33xf32, #tpu.memory_space<vmem>>, vector<16xf32>,
      } {sc.loop_unroll_factor = 2 : i64, sc.parallel_access}
      %get3A_788 = arith.constant 0 : i32
      %get3A_789 = arith.index_cast %select_n3A_674 : i32 to index
      %get3A_790 = arith.index_cast %get3A_788 : i32 to index
      %get3A_791 = arith.constant 16 : index
      %get3A_792 = tpu.vector_load %arg13[%get3A_789, %get3A_790, %get3A_791] {strides = array<i32>} : memref<8x2x32xi32, #tpu.memory_space<vmem>>, vector<16xi32>,
      %get3A_793 = arith.constant 1 : i32
      %get3A_794 = arith.index_cast %select_n3A_674 : i32 to index
      %get3A_795 = arith.index_cast %get3A_793 : i32 to index
      %get3A_796 = arith.constant 16 : index
      %get3A_797 = tpu.vector_load %arg13[%get3A_794, %get3A_795, %get3A_796] {strides = array<i32>} : memref<8x2x32xi32, #tpu.memory_space<vmem>>, vector<16xi32>,
      %get3A_798 = arith.constant 0 : i32
      %get3A_799 = arith.index_cast %select_n3A_674 : i32 to index
      %get3A_800 = arith.index_cast %get3A_798 : i32 to index
      %get3A_801 = arith.constant 16 : index
      %get3A_802 = tpu.vector_load %arg14[%get3A_799, %get3A_800, %get3A_801] {strides = array<i32>} : memref<8x8x32xf32, #tpu.memory_space<vmem>>, vector<16xf32>,
      %get3A_803 = arith.constant 1 : i32
      %get3A_804 = arith.index_cast %select_n3A_674 : i32 to index
      %get3A_805 = arith.index_cast %get3A_803 : i32 to index
      %get3A_806 = arith.constant 16 : index
      %get3A_807 = tpu.vector_load %arg14[%get3A_804, %get3A_805, %get3A_806] {strides = array<i32>} : memref<8x8x32xf32, #tpu.memory_space<vmem>>, vector<16xf32>,
      %get3A_808 = arith.constant 2 : i32
      %get3A_809 = arith.index_cast %select_n3A_674 : i32 to index
      %get3A_810 = arith.index_cast %get3A_808 : i32 to index
      %get3A_811 = arith.constant 16 : index
      %get3A_812 = tpu.vector_load %arg14[%get3A_809, %get3A_810, %get3A_811] {strides = array<i32>} : memref<8x8x32xf32, #tpu.memory_space<vmem>>, vector<16xf32>,
      %get3A_813 = arith.constant 3 : i32
      %get3A_814 = arith.index_cast %select_n3A_674 : i32 to index
      %get3A_815 = arith.index_cast %get3A_813 : i32 to index
      %get3A_816 = arith.constant 16 : index
      %get3A_817 = tpu.vector_load %arg14[%get3A_814, %get3A_815, %get3A_816] {strides = array<i32>} : memref<8x8x32xf32, #tpu.memory_space<vmem>>, vector<16xf32>,
      %get3A_818 = arith.constant 4 : i32
      %get3A_819 = arith.index_cast %select_n3A_674 : i32 to index
      %get3A_820 = arith.index_cast %get3A_818 : i32 to index
      %get3A_821 = arith.constant 16 : index
      %get3A_822 = tpu.vector_load %arg14[%get3A_819, %get3A_820, %get3A_821] {strides = array<i32>} : memref<8x8x32xf32, #tpu.memory_space<vmem>>, vector<16xf32>,
      %get3A_823 = arith.constant 5 : i32
      %get3A_824 = arith.index_cast %select_n3A_674 : i32 to index
      %get3A_825 = arith.index_cast %get3A_823 : i32 to index
      %get3A_826 = arith.constant 16 : index
      %get3A_827 = tpu.vector_load %arg14[%get3A_824, %get3A_825, %get3A_826] {strides = array<i32>} : memref<8x8x32xf32, #tpu.memory_space<vmem>>, vector<16xf32>,
      %get3A_828 = arith.constant 6 : i32
      %get3A_829 = arith.index_cast %select_n3A_674 : i32 to index
      %get3A_830 = arith.index_cast %get3A_828 : i32 to index
      %get3A_831 = arith.constant 16 : index
      %get3A_832 = tpu.vector_load %arg14[%get3A_829, %get3A_830, %get3A_831] {strides = array<i32>} : memref<8x8x32xf32, #tpu.memory_space<vmem>>, vector<16xf32>,
      %get3A_833 = arith.constant 7 : i32
      %get3A_834 = arith.index_cast %select_n3A_674 : i32 to index
      %get3A_835 = arith.index_cast %get3A_833 : i32 to index
      %get3A_836 = arith.constant 16 : index
      %get3A_837 = tpu.vector_load %arg14[%get3A_834, %get3A_835, %get3A_836] {strides = array<i32>} : memref<8x8x32xf32, #tpu.memory_space<vmem>>, vector<16xf32>,
      %parallel_loop3A_838 = arith.constant 0 : i32
      %parallel_loop3A_839 = arith.constant 256 : i32
      %parallel_loop3A_840 = arith.constant 1 : i32
      scf.for %parallel_loop3A_865 = %parallel_loop3A_838 to %parallel_loop3A_839 step %parallel_loop3A_840  : i32 {
        %parallel_loop3A_866 = arith.constant 2 : i32
        %parallel_loop3A_867 = arith.muli %parallel_loop3A_866, %parallel_loop3A_865 : i32
        %parallel_loop3A_868 = arith.constant 0 : i32
        %parallel_loop3A_869 = arith.addi %parallel_loop3A_867, %parallel_loop3A_868 : i32
        %parallel_loop3A_870 = vector.broadcast %parallel_loop3A_869 : i32 to vector<16xi32>
        %parallel_loop3A_871 = arith.constant 0 : i32
        %parallel_loop3A_872 = arith.constant 0 : i32
        %parallel_loop3A_873 = tpu.memref_slice %arg10[%parallel_loop3A_871, %parallel_loop3A_872] : memref<84x513xf32, #tpu.memory_space<vmem>> -> memref<84x513xf32, #tpu.memory_space<vmem>>
        %parallel_loop3A_874 = tpu.vector_load_idx %parallel_loop3A_873[%get3A_792, %parallel_loop3A_870] : memref<84x513xf32, #tpu.memory_space<vmem>>[vector<16xi32>, vector<16xi32>], vector<16xf32>,
        %parallel_loop3A_875 = arith.mulf %get3A_802, %parallel_loop3A_874 : vector<16xf32>
        %parallel_loop3A_876 = arith.constant 0 : i32
        %parallel_loop3A_877 = arith.constant 0 : i32
        %parallel_loop3A_878 = tpu.memref_slice %arg10[%parallel_loop3A_876, %parallel_loop3A_877] : memref<84x513xf32, #tpu.memory_space<vmem>> -> memref<84x513xf32, #tpu.memory_space<vmem>>
        %parallel_loop3A_879 = tpu.vector_load_idx %parallel_loop3A_878[%get3A_797, %parallel_loop3A_870] : memref<84x513xf32, #tpu.memory_space<vmem>>[vector<16xi32>, vector<16xi32>], vector<16xf32>,
        %parallel_loop3A_880 = arith.mulf %get3A_807, %parallel_loop3A_879 : vector<16xf32>
        %parallel_loop3A_881 = arith.constant 1 : i32
        %parallel_loop3A_882 = arith.constant 0 : i32
        %parallel_loop3A_883 = tpu.memref_slice %arg10[%parallel_loop3A_881, %parallel_loop3A_882] : memref<84x513xf32, #tpu.memory_space<vmem>> -> memref<83x513xf32, #tpu.memory_space<vmem>>
        %parallel_loop3A_884 = tpu.vector_load_idx %parallel_loop3A_883[%get3A_792, %parallel_loop3A_870] : memref<83x513xf32, #tpu.memory_space<vmem>>[vector<16xi32>, vector<16xi32>], vector<16xf32>,
        %parallel_loop3A_885 = arith.mulf %get3A_812, %parallel_loop3A_884 : vector<16xf32>
        %parallel_loop3A_886 = arith.constant 1 : i32
        %parallel_loop3A_887 = arith.constant 0 : i32
        %parallel_loop3A_888 = tpu.memref_slice %arg10[%parallel_loop3A_886, %parallel_loop3A_887] : memref<84x513xf32, #tpu.memory_space<vmem>> -> memref<83x513xf32, #tpu.memory_space<vmem>>
        %parallel_loop3A_889 = tpu.vector_load_idx %parallel_loop3A_888[%get3A_797, %parallel_loop3A_870] : memref<83x513xf32, #tpu.memory_space<vmem>>[vector<16xi32>, vector<16xi32>], vector<16xf32>,
        %parallel_loop3A_890 = arith.mulf %get3A_817, %parallel_loop3A_889 : vector<16xf32>
        %parallel_loop3A_891 = arith.constant 2 : i32
        %parallel_loop3A_892 = arith.constant 0 : i32
        %parallel_loop3A_893 = tpu.memref_slice %arg10[%parallel_loop3A_891, %parallel_loop3A_892] : memref<84x513xf32, #tpu.memory_space<vmem>> -> memref<82x513xf32, #tpu.memory_space<vmem>>
        %parallel_loop3A_894 = tpu.vector_load_idx %parallel_loop3A_893[%get3A_792, %parallel_loop3A_870] : memref<82x513xf32, #tpu.memory_space<vmem>>[vector<16xi32>, vector<16xi32>], vector<16xf32>,
        %parallel_loop3A_895 = arith.mulf %get3A_822, %parallel_loop3A_894 : vector<16xf32>
        %parallel_loop3A_896 = arith.constant 2 : i32
        %parallel_loop3A_897 = arith.constant 0 : i32
        %parallel_loop3A_898 = tpu.memref_slice %arg10[%parallel_loop3A_896, %parallel_loop3A_897] : memref<84x513xf32, #tpu.memory_space<vmem>> -> memref<82x513xf32, #tpu.memory_space<vmem>>
        %parallel_loop3A_899 = tpu.vector_load_idx %parallel_loop3A_898[%get3A_797, %parallel_loop3A_870] : memref<82x513xf32, #tpu.memory_space<vmem>>[vector<16xi32>, vector<16xi32>], vector<16xf32>,
        %parallel_loop3A_900 = arith.mulf %get3A_827, %parallel_loop3A_899 : vector<16xf32>
        %parallel_loop3A_901 = arith.constant 3 : i32
        %parallel_loop3A_902 = arith.constant 0 : i32
        %parallel_loop3A_903 = tpu.memref_slice %arg10[%parallel_loop3A_901, %parallel_loop3A_902] : memref<84x513xf32, #tpu.memory_space<vmem>> -> memref<81x513xf32, #tpu.memory_space<vmem>>
        %parallel_loop3A_904 = tpu.vector_load_idx %parallel_loop3A_903[%get3A_792, %parallel_loop3A_870] : memref<81x513xf32, #tpu.memory_space<vmem>>[vector<16xi32>, vector<16xi32>], vector<16xf32>,
        %parallel_loop3A_905 = arith.mulf %get3A_832, %parallel_loop3A_904 : vector<16xf32>
        %parallel_loop3A_906 = arith.constant 3 : i32
        %parallel_loop3A_907 = arith.constant 0 : i32
        %parallel_loop3A_908 = tpu.memref_slice %arg10[%parallel_loop3A_906, %parallel_loop3A_907] : memref<84x513xf32, #tpu.memory_space<vmem>> -> memref<81x513xf32, #tpu.memory_space<vmem>>
        %parallel_loop3A_909 = tpu.vector_load_idx %parallel_loop3A_908[%get3A_797, %parallel_loop3A_870] : memref<81x513xf32, #tpu.memory_space<vmem>>[vector<16xi32>, vector<16xi32>], vector<16xf32>,
        %parallel_loop3A_910 = arith.mulf %get3A_837, %parallel_loop3A_909 : vector<16xf32>
        %parallel_loop3A_911 = arith.addf %parallel_loop3A_875, %parallel_loop3A_880 : vector<16xf32>
        %parallel_loop3A_912 = arith.addf %parallel_loop3A_885, %parallel_loop3A_890 : vector<16xf32>
        %parallel_loop3A_913 = arith.addf %parallel_loop3A_895, %parallel_loop3A_900 : vector<16xf32>
        %parallel_loop3A_914 = arith.addf %parallel_loop3A_905, %parallel_loop3A_910 : vector<16xf32>
        %parallel_loop3A_915 = arith.addf %parallel_loop3A_911, %parallel_loop3A_912 : vector<16xf32>
        %parallel_loop3A_916 = arith.addf %parallel_loop3A_913, %parallel_loop3A_914 : vector<16xf32>
        %parallel_loop3A_917 = arith.addf %parallel_loop3A_915, %parallel_loop3A_916 : vector<16xf32>
        %parallel_loop3A_918 = arith.constant 0 : i32
        %parallel_loop3A_919 = arith.addi %parallel_loop3A_865, %parallel_loop3A_918 : i32
        %parallel_loop3A_920 = arith.index_cast %parallel_loop3A_919 : i32 to index
        %parallel_loop3A_921 = arith.constant 16 : index
        %parallel_loop3A_922 = tpu.vector_load %arg11[%parallel_loop3A_920, %parallel_loop3A_921] {strides = array<i32>} : memref<520x33xf32, #tpu.memory_space<vmem>>, vector<16xf32>,
        tpu.vector_store %arg11[%parallel_loop3A_920, %parallel_loop3A_921], %parallel_loop3A_917 {strides = array<i32>} : memref<520x33xf32, #tpu.memory_space<vmem>>, vector<16xf32>,
        %parallel_loop3A_923 = arith.constant 2 : i32
        %parallel_loop3A_924 = arith.muli %parallel_loop3A_923, %parallel_loop3A_865 : i32
        %parallel_loop3A_925 = arith.constant 1 : i32
        %parallel_loop3A_926 = arith.addi %parallel_loop3A_924, %parallel_loop3A_925 : i32
        %parallel_loop3A_927 = vector.broadcast %parallel_loop3A_926 : i32 to vector<16xi32>
        %parallel_loop3A_928 = arith.constant 0 : i32
        %parallel_loop3A_929 = arith.constant 0 : i32
        %parallel_loop3A_930 = tpu.memref_slice %arg10[%parallel_loop3A_928, %parallel_loop3A_929] : memref<84x513xf32, #tpu.memory_space<vmem>> -> memref<84x513xf32, #tpu.memory_space<vmem>>
        %parallel_loop3A_931 = tpu.vector_load_idx %parallel_loop3A_930[%get3A_792, %parallel_loop3A_927] : memref<84x513xf32, #tpu.memory_space<vmem>>[vector<16xi32>, vector<16xi32>], vector<16xf32>,
        %parallel_loop3A_932 = arith.mulf %get3A_802, %parallel_loop3A_931 : vector<16xf32>
        %parallel_loop3A_933 = arith.constant 0 : i32
        %parallel_loop3A_934 = arith.constant 0 : i32
        %parallel_loop3A_935 = tpu.memref_slice %arg10[%parallel_loop3A_933, %parallel_loop3A_934] : memref<84x513xf32, #tpu.memory_space<vmem>> -> memref<84x513xf32, #tpu.memory_space<vmem>>
        %parallel_loop3A_936 = tpu.vector_load_idx %parallel_loop3A_935[%get3A_797, %parallel_loop3A_927] : memref<84x513xf32, #tpu.memory_space<vmem>>[vector<16xi32>, vector<16xi32>], vector<16xf32>,
        %parallel_loop3A_937 = arith.mulf %get3A_807, %parallel_loop3A_936 : vector<16xf32>
        %parallel_loop3A_938 = arith.constant 1 : i32
        %parallel_loop3A_939 = arith.constant 0 : i32
        %parallel_loop3A_940 = tpu.memref_slice %arg10[%parallel_loop3A_938, %parallel_loop3A_939] : memref<84x513xf32, #tpu.memory_space<vmem>> -> memref<83x513xf32, #tpu.memory_space<vmem>>
        %parallel_loop3A_941 = tpu.vector_load_idx %parallel_loop3A_940[%get3A_792, %parallel_loop3A_927] : memref<83x513xf32, #tpu.memory_space<vmem>>[vector<16xi32>, vector<16xi32>], vector<16xf32>,
        %parallel_loop3A_942 = arith.mulf %get3A_812, %parallel_loop3A_941 : vector<16xf32>
        %parallel_loop3A_943 = arith.constant 1 : i32
        %parallel_loop3A_944 = arith.constant 0 : i32
        %parallel_loop3A_945 = tpu.memref_slice %arg10[%parallel_loop3A_943, %parallel_loop3A_944] : memref<84x513xf32, #tpu.memory_space<vmem>> -> memref<83x513xf32, #tpu.memory_space<vmem>>
        %parallel_loop3A_946 = tpu.vector_load_idx %parallel_loop3A_945[%get3A_797, %parallel_loop3A_927] : memref<83x513xf32, #tpu.memory_space<vmem>>[vector<16xi32>, vector<16xi32>], vector<16xf32>,
        %parallel_loop3A_947 = arith.mulf %get3A_817, %parallel_loop3A_946 : vector<16xf32>
        %parallel_loop3A_948 = arith.constant 2 : i32
        %parallel_loop3A_949 = arith.constant 0 : i32
        %parallel_loop3A_950 = tpu.memref_slice %arg10[%parallel_loop3A_948, %parallel_loop3A_949] : memref<84x513xf32, #tpu.memory_space<vmem>> -> memref<82x513xf32, #tpu.memory_space<vmem>>
        %parallel_loop3A_951 = tpu.vector_load_idx %parallel_loop3A_950[%get3A_792, %parallel_loop3A_927] : memref<82x513xf32, #tpu.memory_space<vmem>>[vector<16xi32>, vector<16xi32>], vector<16xf32>,
        %parallel_loop3A_952 = arith.mulf %get3A_822, %parallel_loop3A_951 : vector<16xf32>
        %parallel_loop3A_953 = arith.constant 2 : i32
        %parallel_loop3A_954 = arith.constant 0 : i32
        %parallel_loop3A_955 = tpu.memref_slice %arg10[%parallel_loop3A_953, %parallel_loop3A_954] : memref<84x513xf32, #tpu.memory_space<vmem>> -> memref<82x513xf32, #tpu.memory_space<vmem>>
        %parallel_loop3A_956 = tpu.vector_load_idx %parallel_loop3A_955[%get3A_797, %parallel_loop3A_927] : memref<82x513xf32, #tpu.memory_space<vmem>>[vector<16xi32>, vector<16xi32>], vector<16xf32>,
        %parallel_loop3A_957 = arith.mulf %get3A_827, %parallel_loop3A_956 : vector<16xf32>
        %parallel_loop3A_958 = arith.constant 3 : i32
        %parallel_loop3A_959 = arith.constant 0 : i32
        %parallel_loop3A_960 = tpu.memref_slice %arg10[%parallel_loop3A_958, %parallel_loop3A_959] : memref<84x513xf32, #tpu.memory_space<vmem>> -> memref<81x513xf32, #tpu.memory_space<vmem>>
        %parallel_loop3A_961 = tpu.vector_load_idx %parallel_loop3A_960[%get3A_792, %parallel_loop3A_927] : memref<81x513xf32, #tpu.memory_space<vmem>>[vector<16xi32>, vector<16xi32>], vector<16xf32>,
        %parallel_loop3A_962 = arith.mulf %get3A_832, %parallel_loop3A_961 : vector<16xf32>
        %parallel_loop3A_963 = arith.constant 3 : i32
        %parallel_loop3A_964 = arith.constant 0 : i32
        %parallel_loop3A_965 = tpu.memref_slice %arg10[%parallel_loop3A_963, %parallel_loop3A_964] : memref<84x513xf32, #tpu.memory_space<vmem>> -> memref<81x513xf32, #tpu.memory_space<vmem>>
        %parallel_loop3A_966 = tpu.vector_load_idx %parallel_loop3A_965[%get3A_797, %parallel_loop3A_927] : memref<81x513xf32, #tpu.memory_space<vmem>>[vector<16xi32>, vector<16xi32>], vector<16xf32>,
        %parallel_loop3A_967 = arith.mulf %get3A_837, %parallel_loop3A_966 : vector<16xf32>
        %parallel_loop3A_968 = arith.addf %parallel_loop3A_932, %parallel_loop3A_937 : vector<16xf32>
        %parallel_loop3A_969 = arith.addf %parallel_loop3A_942, %parallel_loop3A_947 : vector<16xf32>
        %parallel_loop3A_970 = arith.addf %parallel_loop3A_952, %parallel_loop3A_957 : vector<16xf32>
        %parallel_loop3A_971 = arith.addf %parallel_loop3A_962, %parallel_loop3A_967 : vector<16xf32>
        %parallel_loop3A_972 = arith.addf %parallel_loop3A_968, %parallel_loop3A_969 : vector<16xf32>
        %parallel_loop3A_973 = arith.addf %parallel_loop3A_970, %parallel_loop3A_971 : vector<16xf32>
        %parallel_loop3A_974 = arith.addf %parallel_loop3A_972, %parallel_loop3A_973 : vector<16xf32>
        %parallel_loop3A_975 = arith.constant 256 : i32
        %parallel_loop3A_976 = arith.addi %parallel_loop3A_865, %parallel_loop3A_975 : i32
        %parallel_loop3A_977 = arith.index_cast %parallel_loop3A_976 : i32 to index
        %parallel_loop3A_978 = arith.constant 16 : index
        %parallel_loop3A_979 = tpu.vector_load %arg11[%parallel_loop3A_977, %parallel_loop3A_978] {strides = array<i32>} : memref<520x33xf32, #tpu.memory_space<vmem>>, vector<16xf32>,
        tpu.vector_store %arg11[%parallel_loop3A_977, %parallel_loop3A_978], %parallel_loop3A_974 {strides = array<i32>} : memref<520x33xf32, #tpu.memory_space<vmem>>, vector<16xf32>,
      } {sc.loop_unroll_factor = 2 : i64, sc.parallel_access}
      %gt3A = arith.constant 0 : i32
      %gt3A_841 = arith.cmpi sgt, %scan3A_630, %gt3A : i32
      %convert_element_type3A = arith.extui %gt3A_841 : i1 to i32
      %cond3A = arith.constant 0 : i32
      %cond3A_842 = arith.cmpi ne, %convert_element_type3A, %cond3A : i32
      scf.if %cond3A_842 {
        %mul3A_865 = arith.constant 32 : i32
        %mul3A_866 = arith.muli %select_n3A_674, %mul3A_865 : i32
        %dma_wait3A_867 = arith.constant 0 : i32
        %dma_wait3A_868 = tpu.memref_slice %arg8[%select_n3A_658, %mul3A_866, %dma_wait3A_867] : memref<24x256x256xf32, #tpu.memory_space<hbm>> -> memref<1x32x256xf32, #tpu.memory_space<hbm>>
        %dma_wait3A_869 = tpu.memref_squeeze %dma_wait3A_868 : memref<1x32x256xf32, #tpu.memory_space<hbm>> -> memref<32x256xf32, #tpu.memory_space<hbm>>
        %dma_wait3A_870 = arith.constant 0 : i32
        %dma_wait3A_871 = tpu.memref_slice %arg8[%select_n3A_658, %mul3A_866, %dma_wait3A_870] : memref<24x256x256xf32, #tpu.memory_space<hbm>> -> memref<1x32x256xf32, #tpu.memory_space<hbm>>
        %dma_wait3A_872 = tpu.memref_squeeze %dma_wait3A_871 : memref<1x32x256xf32, #tpu.memory_space<hbm>> -> memref<32x256xf32, #tpu.memory_space<hbm>>
        tpu.wait_dma2 semaphore(%arg19 : memref<!tpu.dma_semaphore, #tpu.memory_space<semaphore_mem>>) src(%dma_wait3A_872 : memref<32x256xf32, #tpu.memory_space<hbm>>) dst(%arg12 : memref<32x256xf32, #tpu.memory_space<vmem>>)
      } else {
      }
      %scan3A_843 = arith.constant 0 : i32
      %scan3A_844 = arith.constant 0 : i32
      %scan3A_845 = arith.constant 16 : i32
      %scan3A_846 = arith.addi %scan3A_844, %scan3A_845 : i32
      %scan3A_847 = arith.constant 1 : i32
      %scan3A_848 = scf.for %scan3A_865 = %scan3A_844 to %scan3A_846 step %scan3A_847 iter_args(%scan3A_866 = %scan3A_843) -> (i32)  : i32 {
        %mul3A_867 = arith.constant 16 : i32
        %mul3A_868 = arith.muli %scan3A_865, %mul3A_867 : i32
        %get3A_869 = arith.constant 0 : i32
        %get3A_870 = arith.index_cast %get3A_869 : i32 to index
        %get3A_871 = arith.index_cast %mul3A_868 : i32 to index
        %get3A_872 = tpu.vector_load %arg15[%get3A_870, %get3A_871] {strides = array<i32>} : memref<2x256xi32, #tpu.memory_space<vmem>>, vector<16xi32>,
        %mul3A_873 = arith.constant 16 : i32
        %mul3A_874 = arith.muli %scan3A_865, %mul3A_873 : i32
        %get3A_875 = arith.constant 1 : i32
        %get3A_876 = arith.index_cast %get3A_875 : i32 to index
        %get3A_877 = arith.index_cast %mul3A_874 : i32 to index
        %get3A_878 = tpu.vector_load %arg15[%get3A_876, %get3A_877] {strides = array<i32>} : memref<2x256xi32, #tpu.memory_space<vmem>>, vector<16xi32>,
        %mul3A_879 = arith.constant 16 : i32
        %mul3A_880 = arith.muli %scan3A_865, %mul3A_879 : i32
        %get3A_881 = arith.constant 0 : i32
        %get3A_882 = arith.index_cast %get3A_881 : i32 to index
        %get3A_883 = arith.index_cast %mul3A_880 : i32 to index
        %get3A_884 = tpu.vector_load %arg16[%get3A_882, %get3A_883] {strides = array<i32>} : memref<8x256xf32, #tpu.memory_space<vmem>>, vector<16xf32>,
        %mul3A_885 = arith.constant 16 : i32
        %mul3A_886 = arith.muli %scan3A_865, %mul3A_885 : i32
        %get3A_887 = arith.constant 1 : i32
        %get3A_888 = arith.index_cast %get3A_887 : i32 to index
        %get3A_889 = arith.index_cast %mul3A_886 : i32 to index
        %get3A_890 = tpu.vector_load %arg16[%get3A_888, %get3A_889] {strides = array<i32>} : memref<8x256xf32, #tpu.memory_space<vmem>>, vector<16xf32>,
        %mul3A_891 = arith.constant 16 : i32
        %mul3A_892 = arith.muli %scan3A_865, %mul3A_891 : i32
        %get3A_893 = arith.constant 2 : i32
        %get3A_894 = arith.index_cast %get3A_893 : i32 to index
        %get3A_895 = arith.index_cast %mul3A_892 : i32 to index
        %get3A_896 = tpu.vector_load %arg16[%get3A_894, %get3A_895] {strides = array<i32>} : memref<8x256xf32, #tpu.memory_space<vmem>>, vector<16xf32>,
        %mul3A_897 = arith.constant 16 : i32
        %mul3A_898 = arith.muli %scan3A_865, %mul3A_897 : i32
        %get3A_899 = arith.constant 3 : i32
        %get3A_900 = arith.index_cast %get3A_899 : i32 to index
        %get3A_901 = arith.index_cast %mul3A_898 : i32 to index
        %get3A_902 = tpu.vector_load %arg16[%get3A_900, %get3A_901] {strides = array<i32>} : memref<8x256xf32, #tpu.memory_space<vmem>>, vector<16xf32>,
        %mul3A_903 = arith.constant 16 : i32
        %mul3A_904 = arith.muli %scan3A_865, %mul3A_903 : i32
        %get3A_905 = arith.constant 4 : i32
        %get3A_906 = arith.index_cast %get3A_905 : i32 to index
        %get3A_907 = arith.index_cast %mul3A_904 : i32 to index
        %get3A_908 = tpu.vector_load %arg16[%get3A_906, %get3A_907] {strides = array<i32>} : memref<8x256xf32, #tpu.memory_space<vmem>>, vector<16xf32>,
        %mul3A_909 = arith.constant 16 : i32
        %mul3A_910 = arith.muli %scan3A_865, %mul3A_909 : i32
        %get3A_911 = arith.constant 5 : i32
        %get3A_912 = arith.index_cast %get3A_911 : i32 to index
        %get3A_913 = arith.index_cast %mul3A_910 : i32 to index
        %get3A_914 = tpu.vector_load %arg16[%get3A_912, %get3A_913] {strides = array<i32>} : memref<8x256xf32, #tpu.memory_space<vmem>>, vector<16xf32>,
        %mul3A_915 = arith.constant 16 : i32
        %mul3A_916 = arith.muli %scan3A_865, %mul3A_915 : i32
        %get3A_917 = arith.constant 6 : i32
        %get3A_918 = arith.index_cast %get3A_917 : i32 to index
        %get3A_919 = arith.index_cast %mul3A_916 : i32 to index
        %get3A_920 = tpu.vector_load %arg16[%get3A_918, %get3A_919] {strides = array<i32>} : memref<8x256xf32, #tpu.memory_space<vmem>>, vector<16xf32>,
        %mul3A_921 = arith.constant 16 : i32
        %mul3A_922 = arith.muli %scan3A_865, %mul3A_921 : i32
        %get3A_923 = arith.constant 7 : i32
        %get3A_924 = arith.index_cast %get3A_923 : i32 to index
        %get3A_925 = arith.index_cast %mul3A_922 : i32 to index
        %get3A_926 = tpu.vector_load %arg16[%get3A_924, %get3A_925] {strides = array<i32>} : memref<8x256xf32, #tpu.memory_space<vmem>>, vector<16xf32>,
        %parallel_loop3A_927 = arith.constant 0 : i32
        %parallel_loop3A_928 = arith.constant 32 : i32
        %parallel_loop3A_929 = arith.constant 1 : i32
        scf.for %parallel_loop3A_931 = %parallel_loop3A_927 to %parallel_loop3A_928 step %parallel_loop3A_929  : i32 {
          %parallel_loop3A_932 = vector.broadcast %parallel_loop3A_931 : i32 to vector<16xi32>
          %parallel_loop3A_933 = arith.constant 0 : i32
          %parallel_loop3A_934 = arith.constant 0 : i32
          %parallel_loop3A_935 = tpu.memref_slice %arg11[%parallel_loop3A_933, %parallel_loop3A_934] : memref<520x33xf32, #tpu.memory_space<vmem>> -> memref<520x33xf32, #tpu.memory_space<vmem>>
          %parallel_loop3A_936 = tpu.vector_load_idx %parallel_loop3A_935[%get3A_872, %parallel_loop3A_932] : memref<520x33xf32, #tpu.memory_space<vmem>>[vector<16xi32>, vector<16xi32>], vector<16xf32>,
          %parallel_loop3A_937 = arith.mulf %get3A_884, %parallel_loop3A_936 : vector<16xf32>
          %parallel_loop3A_938 = arith.constant 0 : i32
          %parallel_loop3A_939 = arith.constant 0 : i32
          %parallel_loop3A_940 = tpu.memref_slice %arg11[%parallel_loop3A_938, %parallel_loop3A_939] : memref<520x33xf32, #tpu.memory_space<vmem>> -> memref<520x33xf32, #tpu.memory_space<vmem>>
          %parallel_loop3A_941 = tpu.vector_load_idx %parallel_loop3A_940[%get3A_878, %parallel_loop3A_932] : memref<520x33xf32, #tpu.memory_space<vmem>>[vector<16xi32>, vector<16xi32>], vector<16xf32>,
          %parallel_loop3A_942 = arith.mulf %get3A_890, %parallel_loop3A_941 : vector<16xf32>
          %parallel_loop3A_943 = arith.constant 1 : i32
          %parallel_loop3A_944 = arith.constant 0 : i32
          %parallel_loop3A_945 = tpu.memref_slice %arg11[%parallel_loop3A_943, %parallel_loop3A_944] : memref<520x33xf32, #tpu.memory_space<vmem>> -> memref<519x33xf32, #tpu.memory_space<vmem>>
          %parallel_loop3A_946 = tpu.vector_load_idx %parallel_loop3A_945[%get3A_872, %parallel_loop3A_932] : memref<519x33xf32, #tpu.memory_space<vmem>>[vector<16xi32>, vector<16xi32>], vector<16xf32>,
          %parallel_loop3A_947 = arith.mulf %get3A_896, %parallel_loop3A_946 : vector<16xf32>
          %parallel_loop3A_948 = arith.constant 1 : i32
          %parallel_loop3A_949 = arith.constant 0 : i32
          %parallel_loop3A_950 = tpu.memref_slice %arg11[%parallel_loop3A_948, %parallel_loop3A_949] : memref<520x33xf32, #tpu.memory_space<vmem>> -> memref<519x33xf32, #tpu.memory_space<vmem>>
          %parallel_loop3A_951 = tpu.vector_load_idx %parallel_loop3A_950[%get3A_878, %parallel_loop3A_932] : memref<519x33xf32, #tpu.memory_space<vmem>>[vector<16xi32>, vector<16xi32>], vector<16xf32>,
          %parallel_loop3A_952 = arith.mulf %get3A_902, %parallel_loop3A_951 : vector<16xf32>
          %parallel_loop3A_953 = arith.constant 2 : i32
          %parallel_loop3A_954 = arith.constant 0 : i32
          %parallel_loop3A_955 = tpu.memref_slice %arg11[%parallel_loop3A_953, %parallel_loop3A_954] : memref<520x33xf32, #tpu.memory_space<vmem>> -> memref<518x33xf32, #tpu.memory_space<vmem>>
          %parallel_loop3A_956 = tpu.vector_load_idx %parallel_loop3A_955[%get3A_872, %parallel_loop3A_932] : memref<518x33xf32, #tpu.memory_space<vmem>>[vector<16xi32>, vector<16xi32>], vector<16xf32>,
          %parallel_loop3A_957 = arith.mulf %get3A_908, %parallel_loop3A_956 : vector<16xf32>
          %parallel_loop3A_958 = arith.constant 2 : i32
          %parallel_loop3A_959 = arith.constant 0 : i32
          %parallel_loop3A_960 = tpu.memref_slice %arg11[%parallel_loop3A_958, %parallel_loop3A_959] : memref<520x33xf32, #tpu.memory_space<vmem>> -> memref<518x33xf32, #tpu.memory_space<vmem>>
          %parallel_loop3A_961 = tpu.vector_load_idx %parallel_loop3A_960[%get3A_878, %parallel_loop3A_932] : memref<518x33xf32, #tpu.memory_space<vmem>>[vector<16xi32>, vector<16xi32>], vector<16xf32>,
          %parallel_loop3A_962 = arith.mulf %get3A_914, %parallel_loop3A_961 : vector<16xf32>
          %parallel_loop3A_963 = arith.constant 3 : i32
          %parallel_loop3A_964 = arith.constant 0 : i32
          %parallel_loop3A_965 = tpu.memref_slice %arg11[%parallel_loop3A_963, %parallel_loop3A_964] : memref<520x33xf32, #tpu.memory_space<vmem>> -> memref<517x33xf32, #tpu.memory_space<vmem>>
          %parallel_loop3A_966 = tpu.vector_load_idx %parallel_loop3A_965[%get3A_872, %parallel_loop3A_932] : memref<517x33xf32, #tpu.memory_space<vmem>>[vector<16xi32>, vector<16xi32>], vector<16xf32>,
          %parallel_loop3A_967 = arith.mulf %get3A_920, %parallel_loop3A_966 : vector<16xf32>
          %parallel_loop3A_968 = arith.constant 3 : i32
          %parallel_loop3A_969 = arith.constant 0 : i32
          %parallel_loop3A_970 = tpu.memref_slice %arg11[%parallel_loop3A_968, %parallel_loop3A_969] : memref<520x33xf32, #tpu.memory_space<vmem>> -> memref<517x33xf32, #tpu.memory_space<vmem>>
          %parallel_loop3A_971 = tpu.vector_load_idx %parallel_loop3A_970[%get3A_878, %parallel_loop3A_932] : memref<517x33xf32, #tpu.memory_space<vmem>>[vector<16xi32>, vector<16xi32>], vector<16xf32>,
          %parallel_loop3A_972 = arith.mulf %get3A_926, %parallel_loop3A_971 : vector<16xf32>
          %parallel_loop3A_973 = arith.addf %parallel_loop3A_937, %parallel_loop3A_942 : vector<16xf32>
          %parallel_loop3A_974 = arith.addf %parallel_loop3A_947, %parallel_loop3A_952 : vector<16xf32>
          %parallel_loop3A_975 = arith.addf %parallel_loop3A_957, %parallel_loop3A_962 : vector<16xf32>
          %parallel_loop3A_976 = arith.addf %parallel_loop3A_967, %parallel_loop3A_972 : vector<16xf32>
          %parallel_loop3A_977 = arith.addf %parallel_loop3A_973, %parallel_loop3A_974 : vector<16xf32>
          %parallel_loop3A_978 = arith.addf %parallel_loop3A_975, %parallel_loop3A_976 : vector<16xf32>
          %parallel_loop3A_979 = arith.addf %parallel_loop3A_977, %parallel_loop3A_978 : vector<16xf32>
          %parallel_loop3A_980 = arith.constant 16 : i32
          %parallel_loop3A_981 = arith.muli %scan3A_865, %parallel_loop3A_980 : i32
          %parallel_loop3A_982 = arith.index_cast %parallel_loop3A_931 : i32 to index
          %parallel_loop3A_983 = arith.index_cast %parallel_loop3A_981 : i32 to index
          %parallel_loop3A_984 = tpu.vector_load %arg12[%parallel_loop3A_982, %parallel_loop3A_983] {strides = array<i32>} : memref<32x256xf32, #tpu.memory_space<vmem>>, vector<16xf32>,
          tpu.vector_store %arg12[%parallel_loop3A_982, %parallel_loop3A_983], %parallel_loop3A_979 {strides = array<i32>} : memref<32x256xf32, #tpu.memory_space<vmem>>, vector<16xf32>,
        } {sc.loop_unroll_factor = 4 : i64, sc.parallel_access}
        %scan3A_930 = arith.constant 0 : i32
        scf.yield %scan3A_930 : i32
      }
      %scan3A_849 = arith.constant 16 : i32
      %mul3A_850 = arith.constant 32 : i32
      %mul3A_851 = arith.muli %select_n3A_674, %mul3A_850 : i32
      %dma_start3A_852 = arith.constant 0 : i32
      %dma_start3A_853 = tpu.memref_slice %arg8[%select_n3A_658, %mul3A_851, %dma_start3A_852] : memref<24x256x256xf32, #tpu.memory_space<hbm>> -> memref<1x32x256xf32, #tpu.memory_space<hbm>>
      %dma_start3A_854 = tpu.memref_squeeze %dma_start3A_853 : memref<1x32x256xf32, #tpu.memory_space<hbm>> -> memref<32x256xf32, #tpu.memory_space<hbm>>
      %dma_start3A_855 = arith.constant 0 : i32
      %dma_start3A_856 = tpu.memref_slice %arg8[%select_n3A_658, %mul3A_851, %dma_start3A_855] : memref<24x256x256xf32, #tpu.memory_space<hbm>> -> memref<1x32x256xf32, #tpu.memory_space<hbm>>
      %dma_start3A_857 = tpu.memref_squeeze %dma_start3A_856 : memref<1x32x256xf32, #tpu.memory_space<hbm>> -> memref<32x256xf32, #tpu.memory_space<hbm>>
      tpu.enqueue_dma source(%arg12 : memref<32x256xf32, #tpu.memory_space<vmem>>) target(%dma_start3A_857 : memref<32x256xf32, #tpu.memory_space<hbm>>) target_semaphore(%arg19 : memref<!tpu.dma_semaphore, #tpu.memory_space<semaphore_mem>>)
      %dma_wait3A_858 = arith.constant 0 : i32
      %dma_wait3A_859 = tpu.memref_slice %arg2[%select_n3A_703, %multiple_of3A_729, %dma_wait3A_858] : memref<24x512x512xf32, #tpu.memory_space<hbm>> -> memref<1x80x512xf32, #tpu.memory_space<hbm>>
      %dma_wait3A_860 = tpu.memref_squeeze %dma_wait3A_859 : memref<1x80x512xf32, #tpu.memory_space<hbm>> -> memref<80x512xf32, #tpu.memory_space<hbm>>
      %dma_wait3A_861 = arith.constant 0 : i32
      %dma_wait3A_862 = tpu.memref_slice %arg2[%select_n3A_703, %multiple_of3A_729, %dma_wait3A_861] : memref<24x512x512xf32, #tpu.memory_space<hbm>> -> memref<1x80x512xf32, #tpu.memory_space<hbm>>
      %dma_wait3A_863 = tpu.memref_squeeze %dma_wait3A_862 : memref<1x80x512xf32, #tpu.memory_space<hbm>> -> memref<80x512xf32, #tpu.memory_space<hbm>>
      tpu.wait_dma2 semaphore(%arg18 : memref<!tpu.dma_semaphore, #tpu.memory_space<semaphore_mem>>) src(%dma_wait3A_863 : memref<80x512xf32, #tpu.memory_space<hbm>>) dst(%arg9 : memref<80x512xf32, #tpu.memory_space<vmem>>)
      %scan3A_864 = arith.constant 0 : i32
      scf.yield %scan3A_864 : i32
    }
    %scan3A_621 = arith.constant 6 : i32
    %dma_wait3A = arith.constant 0 : i32
    %dma_wait3A_622 = arith.constant 0 : i32
    %dma_wait3A_623 = arith.constant 0 : i32
    %dma_wait3A_624 = tpu.memref_slice %arg8[%dma_wait3A, %dma_wait3A_622, %dma_wait3A_623] : memref<24x256x256xf32, #tpu.memory_space<hbm>> -> memref<1x32x256xf32, #tpu.memory_space<hbm>>
    %dma_wait3A_625 = tpu.memref_squeeze %dma_wait3A_624 : memref<1x32x256xf32, #tpu.memory_space<hbm>> -> memref<32x256xf32, #tpu.memory_space<hbm>>
    %dma_wait3A_626 = arith.constant 0 : i32
    %dma_wait3A_627 = arith.constant 0 : i32
    %dma_wait3A_628 = tpu.memref_slice %arg8[%dma_wait3A, %dma_wait3A_626, %dma_wait3A_627] : memref<24x256x256xf32, #tpu.memory_space<hbm>> -> memref<1x32x256xf32, #tpu.memory_space<hbm>>
    %dma_wait3A_629 = tpu.memref_squeeze %dma_wait3A_628 : memref<1x32x256xf32, #tpu.memory_space<hbm>> -> memref<32x256xf32, #tpu.memory_space<hbm>>
    tpu.wait_dma2 semaphore(%arg19 : memref<!tpu.dma_semaphore, #tpu.memory_space<semaphore_mem>>) src(%dma_wait3A_629 : memref<32x256xf32, #tpu.memory_space<hbm>>) dst(%arg12 : memref<32x256xf32, #tpu.memory_space<vmem>>)
    return
  }
}

</mosaic_0001>

<sc_bundles>
// kernel: kernel.3.cloned.1.call-start
scs
__scs_entry_jumppad:
0x0: {  	(pc) =	sbr.rel $0x88, $3  }
0x1: {  	(tag) =	ssettag $0x0;
	lr =	simm.s32 $0x1  }
0x2: {  	[smem:$0x3F9C] =	sst lr;
	_ =	strace $0xD0000000  }
0x3: {  	_ = 	snop  }
0x4: {  	_ = 	snop  }
0x5: {  	_ = 	snop  }
0x6: {  	_ = 	snop  }
0x7: {  	_ = 	snop  }
__scs_overlays_trampoline_lowered:
0x8: {  	[smem:$0x3FAB] =	sst s0  }
0x9: {  	[smem:$0x3FAC] =	sst s1  }
0xa: {  	[smem:$0x3FAD] =	sst s2  }
0xb: {  	[smem:$0x3FAE] =	sst s3  }
0xc: {  	[smem:$0x3FAF] =	sst s4  }
0xd: {  	[smem:$0x3FB0] =	sst s5  }
0xe: {  	[smem:$0x3FB1] =	sst s6  }
0xf: {  	[smem:$0x3FB2] =	sst s7  }
0x10: {  	[smem:$0x3FB3] =	sst s8  }
0x11: {  	[smem:$0x3FB4] =	sst s9;
	s0 =	simm.s32 @!p0 $0x0  }
0x12: {  	s1 =	sld [smem:$0x3F9A];
	s0 =	simm.s32 @p0 $0x1  }
0x13: {  	[smem:$0x3FB5] =	sst s0;
	s0 =	simm.s32 @!p1 $0x0  }
0x14: {  	s2 =	sld [smem:$0x3F99];
	s0 =	simm.s32 @p1 $0x1  }
0x15: {  	[smem:$0x3FB6] =	sst s0;
	s0 =	simm.s32 @!p2 $0x0  }
0x16: {  	s3 =	sld [smem:$0x3FDB];
	s0 =	simm.s32 @p2 $0x1  }
0x17: {  	s4 =	simm.s32 $0x1BF5;
	[smem:$0x3FB8] =	sst s0  }
0x18: {  	s0 =	sld [smem:$0x3F9B];
	_ =	swait.ge [sflag:s4], $0x0  }
0x19: {  	s7 =	sld [smem:$0x3F9C]  }
0x1a: {  	s8 =	sadd.s32 $0xFFFFE003, lr  }
0x1b: {  	s9 =	sadd.s32 $0xFFFFFEF7, lr;
	s5 =	simm.s32 $0xFFFFFFFF;
	p2 =	slt.u32 s8, $0xFFFFF086  }
0x1c: {  	p1 =	slt.u32 s9, $0xF7A;
	s5 =	simm.s32 @!p2 $0x0  }
0x1d: {  	s5 =	simm.s32 @p1 $0x1;
	p0 =	seq.s32 s7, s2  }
0x1e: {  	s7 =	smul.u32 @!p0 $0xF7A, s2;
	p2 =	seq.s32 @!p0 s5, $0x0  }
0x1f: {  	s9 =	smul.u32 $0xF7A, s1;
	s8 =	simm.s32 @!p0 $0x1BF5;
	p2 =	por !p2, p0  }
0x20: {  	[sflag:s8] =	ssyncset.s32 @!p0 $0xFFFFF086;
	s6 =	sadd.s32 @!p0 s3, s7;
	s7 =	simm.s32 @!p0 $0x108  }
0x21: {  	s3 =	sadd.s32 s3, s9;
	s6 =	sadd.s32 @!p0 $0x88, s6;
	s7 =	simm.s32 @p2 $0x1082  }
0x22: {  	[simem:s7], [sflag:s8] =	dma.local @!p0 [hbm:s6], $0xF7A  }
0x23: {  	s9 =	sor.u32 $0xD0000000, s2;
	s6 =	simm.s32 $0x108;
	_ =	swait.ge @!p0 [sflag:s8], $0x0  }
0x24: {  	s3 =	sadd.s32 $0x88, s3;
	s6 =	simm.s32 @!p1 $0x1082;
	[sflag:s4] =	ssyncset.s32 $0xFFFFF086  }
0x25: {  	[simem:s6], [sflag:s4] =	dma.local [hbm:s3], $0xF7A  }
0x26: {  	[smem:$0x3F9C] =	sst s1;
	(tag) =	ssettag s2;
	_ =	strace s9  }
0x27: {  	s1 =	sld [smem:$0x3FAC]  }
0x28: {  	s2 =	sld [smem:$0x3FAD]  }
0x29: {  	s4 =	sld [smem:$0x3FAF]  }
0x2a: {  	p0 =	seq.s32 s5, $0x0;
	s5 =	sld [smem:$0x3FB0]  }
0x2b: {  	s6 =	sld [smem:$0x3FB1]  }
0x2c: {  	s7 =	sld [smem:$0x3FB2]  }
0x2d: {  	s3 =	simm.s32 $0x108;
	s8 =	sld [smem:$0x3FB3]  }
0x2e: {  	s3 =	simm.s32 @!p0 $0x1082;
	s9 =	sld [smem:$0x3FB4]  }
0x2f: {  	lr =	sadd.s32 s0, s3;
	s0 =	sld [smem:$0x3FAB]  }
0x30: {  	s3 =	sld [smem:$0x3FAE]  }
0x31: {  	[smem:$0x3FB7] =	sst s10  }
0x32: {  	s10 =	sld [smem:$0x3FB5];
	_ =	sdelay $0x3  }
0x33: {  	p0 =	seq.s32 s10, $0x1;
	s10 =	sld [smem:$0x3FB7];
	_ =	sdelay $0x3  }
0x34: {  	[smem:$0x3FB7] =	sst s10  }
0x35: {  	s10 =	sld [smem:$0x3FB6];
	_ =	sdelay $0x3  }
0x36: {  	p1 =	seq.s32 s10, $0x1;
	s10 =	sld [smem:$0x3FB7];
	_ =	sdelay $0x3  }
0x37: {  	[smem:$0x3FB7] =	sst s10  }
0x38: {  	s10 =	sld [smem:$0x3FB8]  }
0x39: {  	_ = 	snop;
	(pc) =	sbr.ind lr, $3  }
0x3a: {  	_ = 	snop  }
0x3b: {  	_ = 	snop  }
0x3c: {  	p2 =	seq.s32 s10, $0x1;
	s10 =	sld [smem:$0x3FB7]  }
0x3d: {  	_ =	shalt  }
0x3e: {  	_ =	shalt  }
0x3f: {  	_ =	shalt  }
0x40: {  	_ =	shalt  }
0x41: {  	_ =	shalt  }
0x42: {  	_ =	shalt  }
0x43: {  	_ =	shalt  }
0x44: {  	_ =	shalt  }
0x45: {  	_ =	shalt  }
0x46: {  	_ =	shalt  }
0x47: {  	_ =	shalt  }
0x48: {  	_ =	shalt  }
0x49: {  	_ =	shalt  }
0x4a: {  	_ =	shalt  }
0x4b: {  	_ =	shalt  }
0x4c: {  	_ =	shalt  }
0x4d: {  	_ =	shalt  }
0x4e: {  	_ =	shalt  }
0x4f: {  	_ =	shalt  }
0x50: {  	_ =	shalt  }
0x51: {  	_ =	shalt  }
0x52: {  	_ =	shalt  }
0x53: {  	_ =	shalt  }
0x54: {  	_ =	shalt  }
0x55: {  	_ =	shalt  }
0x56: {  	_ =	shalt  }
0x57: {  	_ =	shalt  }
0x58: {  	_ =	shalt  }
0x59: {  	_ =	shalt  }
0x5a: {  	_ =	shalt  }
0x5b: {  	_ =	shalt  }
0x5c: {  	_ =	shalt  }
0x5d: {  	_ =	shalt  }
0x5e: {  	_ =	shalt  }
0x5f: {  	_ =	shalt  }
0x60: {  	_ =	shalt  }
0x61: {  	_ =	shalt  }
0x62: {  	_ =	shalt  }
0x63: {  	_ =	shalt  }
0x64: {  	_ =	shalt  }
0x65: {  	_ =	shalt  }
0x66: {  	_ =	shalt  }
0x67: {  	_ =	shalt  }
0x68: {  	_ =	shalt  }
0x69: {  	_ =	shalt  }
0x6a: {  	_ =	shalt  }
0x6b: {  	_ =	shalt  }
0x6c: {  	_ =	shalt  }
0x6d: {  	_ =	shalt  }
0x6e: {  	_ =	shalt  }
0x6f: {  	_ =	shalt  }
0x70: {  	_ =	shalt  }
0x71: {  	_ =	shalt  }
0x72: {  	_ =	shalt  }
0x73: {  	_ =	shalt  }
0x74: {  	_ =	shalt  }
0x75: {  	_ =	shalt  }
0x76: {  	_ =	shalt  }
0x77: {  	_ =	shalt  }
0x78: {  	_ =	shalt  }
0x79: {  	_ =	shalt  }
0x7a: {  	_ =	shalt  }
0x7b: {  	_ =	shalt  }
0x7c: {  	_ =	shalt  }
0x7d: {  	_ =	shalt  }
0x7e: {  	_ =	shalt  }
0x7f: {  	_ =	shalt  }
0x80: {  	_ =	shalt  }
0x81: {  	_ =	shalt  }
0x82: {  	_ =	shalt  }
0x83: {  	_ =	shalt  }
0x84: {  	_ =	shalt  }
0x85: {  	_ =	shalt  }
0x86: {  	_ =	shalt  }
0x87: {  	_ =	shalt  }
.Lfunc_end0:
.L_simem_size_0:
called_computation_lowered:
.L_overlay_start_0:
0x88: {  	s2 =	sld [smem:$0x3FD9]  }
0x89: {  	s3 =	sld [smem:$0x3FFE];
	_ =	sdelay $0x1  }
0x8a: {  	s1 =	srdreg.scid  }
0x8b: {  	s0 =	sand.u32 $0x1, s1  }
0x8c: {  	s17 =	sshll.u32 s0, $0xA;
	s2 =	sadd.s32 s3, s2  }
0x8d: {  	s2 =	sadd.s32 s2, s17  }
0x8e: {  	[smem:$0x3FC3] =	sst s2  }
0x8f: {  	_ = 	snop  }
0x90: {  	s2 =	sld [smem:$0x3FD0];
	(tm) =	ssettm $0x1  }
0x91: {  	s18 =	sld [smem:$0x3FFB];
	_ =	sdelay $0x3  }
0x92: {  	_ =	strace s18  }
0x93: {  	s3 =	sld [smem:$0x3FFC];
	_ =	sdelay $0x3  }
0x94: {  	_ =	strace s3  }
0x95: {  	s3 =	sld [smem:$0x3FFD];
	_ =	sdelay $0x3  }
0x96: {  	_ =	strace s3  }
0x97: {  	_ =	strace $0x8FFFFFFF  }
0x98: {  	s19 =	sld [smem:$0x3FDB];
	_ =	sdelay $0x1  }
0x99: {  	s4 =	simm.s32 $_scs_section_size  }
0x9a: {  	s5 =	simm.s32 $_size__tile_overlayer_lowered;
	s6 =	simm.s32 $_tile_overlayer_lowered  }
0x9b: {  	s22 =	simm.s32 $0x1BFF;
	s21 =	sshll.u32 s6, $0x1;
	s3 =	sadd.s32 s4, s19  }
0x9c: {  	s7 =	simm.s32 $0x0;
	s20 =	sshll.u32 s5, $0x1;
	s5 =	sadd.s32 s21, s3  }
0x9d: {  	[timem:s7], [sflag:s22] =	dma.local [hbm:s5], s20  }
0x9e: {  	_ =	swait.ge [sflag:s22], s20  }
0x9f: {  	s4 =	ssub.s32 $0x0, s20;
	[sflag:s22] =	ssyncset.done $0x0  }
0xa0: {  	[sflag:s22] =	ssyncadd.s32 s4;
	_ =	sdelay $0x1  }
0xa1: {  	s23 =	simm.s32 $0x1B8B  }
0xa2: {  	_ =	swait.ge [sflag:s23], $0x1  }
0xa3: {  	[sflag:s23] =	ssyncset.done $0x0  }
0xa4: {  	s25 =	simm.s32 $0x1B8E;
	s24 =	sld [smem:$0x3FFE];
	[sflag:s23] =	ssyncadd.s32 $0xFFFFFFFF  }
0xa5: {  	s26 =	simm.s32 $execute0_lowered;
	[smem:$0x3FD2] =	sst s25  }
0xa6: {  	s5 =	sshll.u32 s26, $0x1;
	_ =	strace $0x80000046;
	[dreg:$0x1] =	wrdreg $0xFFFFFFFF  }
0xa7: {  	s28 =	simm.s32 $_size_execute0_lowered;
	s3 =	sadd.s32 s3, s5;
	[dreg:$0x0] =	wrdreg $0x0  }
0xa8: {  	s5 =	sshll.u32 s28, $0x1;
	[dreg:$0x2] =	wrdreg s3  }
0xa9: {  	[dreg:$0x3] =	wrdreg s5  }
0xaa: {  	[dreg:$0x4] =	wrdreg $0xC0  }
0xab: {  	_ =	task [dreg:s7], $0x5FFFF  }
0xac: {  	[dreg:$0x1] =	wrdreg $0xFFFFFFFF  }
0xad: {  	[dreg:$0x0] =	wrdreg $0x60  }
0xae: {  	[dreg:$0x2] =	wrdreg s24  }
0xaf: {  	[dreg:$0x3] =	wrdreg s2  }
0xb0: {  	[dreg:$0x4] =	wrdreg $0x9  }
0xb1: {  	_ =	task.clear_ibuf [dreg:s7], $0x5FFFF;
	_ =	strace $0x90000046  }
0xb2: {  	s29 =	simm.s32 $0x9;
	_ =	strace $0x80000048  }
0xb3: {  	_ =	swait.ge [sflag:s29], $0x1  }
0xb4: {  	[sflag:s29] =	ssyncadd.s32 $0xFFFFFFFF  }
0xb5: {  	_ =	strace $0x90000048  }
0xb6: {  	_ =	sfence  }
0xb7: {  	s30 =	sld [smem:$0x0];
	_ =	sdelay $0x2  }
0xb8: {  	s31 =	sshll.u32 s1, $0xD;
	s1 =	sshrl.u32 s1, $0x2  }
0xb9: {  	s3 =	sand.u32 $0x4000, s31;
	s1 =	sadd.s32 s1, s30  }
0xba: {  	s0 =	sor.u32 s3, s0;
	s1 =	sshll.u32 s1, $0x11  }
0xbb: {  	s0 =	sor.u32 s1, s0  }
0xbc: {  	s0 =	sadd.s32 $0x8F2B, s0  }
0xbd: {  	[sflag:s0] =	ssyncadd.remote.s32 $0x1  }
0xbe: {  	_ =	sfence.sel $0xFFFF  }
0xbf: {  	[dreg:$0x0] =	wrdreg $0xFFFFFFFF;
	(pc) =	sbr.abs _section_cstart, $3  }
0xc0: {  	[dreg:$0x1] =	wrdreg $0xFFFFFFFF  }
0xc1: {  	_ =	task.clear_ibuf [dreg:s7], $0x2FFFF;
	_ =	strace $0x9FFFFFFF  }
0xc2: {  	(tm) =	ssettm $0x7FFFFFFF  }
0xc3: {  	_ =	shalt  }
tec
execute0_lowered:
.L_overlay_start_1:
0x0: {  	(tag) =	ssettag $0x1  }
0x1: {  	s2 =	rddreg [dreg:$0x0]  }
0x2: {  	s0 =	simm.s32 $0x0;
	s21 =	srdreg.scid;
	s3 =	stileid.u32  }
0x3: {  	s28 =	simm.s32 $0x14AA0;
	s29 =	simm.s32 $0x14AC8;
	s30 =	simm.s32 $0x14AF0  }
0x4: {  	s31 =	simm.s32 $0x14B18;
	[smem:$0x7FF] =	sst s0;
	s20 =	sadd.s32 $0x800, s2  }
0x5: {  	s1 =	sadd.s32 $0x400, s2;
	_ =	strace $0x80000047;
	[dreg:$0x3] =	wrdreg s20  }
0x6: {  	s0 =	sand.u32 $0x1, s21;
	s4 =	sadd.s32 $0x600, s2;
	[dreg:$0x4] =	wrdreg s1  }
0x7: {  	s22 =	sshll.u32 s3, $0x1;
	s23 =	sadd.s32 $0x200, s2;
	[dreg:$0x5] =	wrdreg s4  }
0x8: {  	s2 =	sadd.s32 $0xC0800, s2;
	s3 =	sshll.u32 s3, $0x10;
	[dreg:$0x6] =	wrdreg s23  }
0x9: {  	s1 =	sor.u32 s0, s22;
	[dreg:$0x8] =	wrdreg s2;
	s0 =	ssub.s32 $0x2, s0  }
0xa: {  	s25 =	sand.u32 $0xC0000, s3;
	s23 =	simm.s32 $0xA000;
	s2 =	simm.s32 $0x0  }
0xb: {  	[dreg:$0x7] =	wrdreg s1;
	s1 =	sand.u32 $0x7, s1;
	s24 =	sshrl.u32 s0, $0x1  }
0xc: {  	[dreg:$0x9] =	wrdreg s25;
	s25 =	simm.s32 $0xA410;
	s11 =	sshll.u32 s1, $0x8  }
0xd: {  	s0 =	ssub.s32 s0, s24;
	s26 =	sshll.u32 s1, $0xD;
	s24 =	simm.s32 $0xA208  }
0xe: {  	v0 =	vlaneseq.u32;
	p0 =	sne.s32 s1, $0x0;
	v1 =	vmov s1;
	[dreg:$0xa] =	wrdreg s26;
	s0 =	smax.u32 s0, $0x1  }
0xf: {  	s13 =	sshrl.u32 s11, $0x2;
	s26 =	simm.s32 $0xA618;
	vm0 =	veq.s32 v1, v0;
	v1 =	vimm.f32 $0.0e+00;
	[dreg:$0xb] =	wrdreg s0  }
.LBB2_1:
0x10: {  	s0 =	rddreg [dreg:$0x0];
	s1 =	simm.s32 $0x0;
	s7 =	simm.s32 $0x1C5E0  }
0x11: {  	[tilespmem:s7], [sflag:$0x1] =	stream.linear.gather [hbm4b:s0+s1], $0x200, $0x38;
	[tilespmem:$0x1CFF0] =	vst v63  }
0x12: {  	s8 =	rddreg [dreg:$0x5];
	s9 =	simm.s32 $0x1C7E0  }
0x13: {  	[tilespmem:s9], [sflag:$0x1] =	stream.linear.gather [hbm4b:s8+s1], $0x800, $0x38;
	[tilespmem:$0x1CFF0] =	vst v63  }
0x14: {  	s10 =	rddreg [dreg:$0x6];
	s12 =	simm.s32 $0x1CFE0  }
0x15: {  	[tilespmem:s12], [sflag:$0x1] =	stream.linear.gather [hbm4b:s10+s1], $0x10, $0x38;
	[tilespmem:$0x1CFF0] =	vst v63  }
0x16: {  	s14 =	rddreg [dreg:$0x4];
	s15 =	simm.s32 $0x1BBE0  }
0x17: {  	[tilespmem:s15], [sflag:$0x1] =	stream.linear.gather [hbm4b:s14+s1], $0x200, $0x38;
	[tilespmem:$0x1CFF0] =	vst v63  }
0x18: {  	s16 =	rddreg [dreg:$0x1];
	s17 =	simm.s32 $0x1BDE0  }
0x19: {  	[tilespmem:s17], [sflag:$0x1] =	stream.linear.gather [hbm4b:s16+s1], $0x800, $0x38;
	[tilespmem:$0x1CFF0] =	vst v63  }
0x1a: {  	[tilespmem:$0x14280] =	vst v1  }
0x1b: {  	[tilespmem:$0x14290] =	vst v1  }
0x1c: {  	[tilespmem:$0x142A0] =	vst v1  }
0x1d: {  	[tilespmem:$0x142B0] =	vst v1  }
0x1e: {  	[tilespmem:$0x142C0] =	vst v1  }
0x1f: {  	[tilespmem:$0x142D0] =	vst v1  }
0x20: {  	[tilespmem:$0x142E0] =	vst v1  }
0x21: {  	[tilespmem:$0x142F0] =	vst v1  }
0x22: {  	[tilespmem:$0x14300] =	vst v1  }
0x23: {  	[tilespmem:$0x14310] =	vst v1  }
0x24: {  	[tilespmem:$0x14320] =	vst v1  }
0x25: {  	[tilespmem:$0x14330] =	vst v1  }
0x26: {  	[tilespmem:$0x14340] =	vst v1  }
0x27: {  	[tilespmem:$0x14350] =	vst v1  }
0x28: {  	[tilespmem:$0x14360] =	vst v1  }
0x29: {  	[tilespmem:$0x14370] =	vst v1  }
0x2a: {  	[tilespmem:$0x14380] =	vst v1  }
0x2b: {  	[tilespmem:$0x14390] =	vst v1  }
0x2c: {  	[tilespmem:$0x143A0] =	vst v1  }
0x2d: {  	[tilespmem:$0x143B0] =	vst v1  }
0x2e: {  	[tilespmem:$0x143C0] =	vst v1  }
0x2f: {  	[tilespmem:$0x143D0] =	vst v1  }
0x30: {  	[tilespmem:$0x143E0] =	vst v1  }
0x31: {  	[tilespmem:$0x143F0] =	vst v1  }
0x32: {  	[tilespmem:$0x14400] =	vst v1  }
0x33: {  	[tilespmem:$0x14410] =	vst v1  }
0x34: {  	[tilespmem:$0x14420] =	vst v1  }
0x35: {  	[tilespmem:$0x14430] =	vst v1  }
0x36: {  	[tilespmem:$0x14440] =	vst v1  }
0x37: {  	[tilespmem:$0x14450] =	vst v1  }
0x38: {  	[tilespmem:$0x14460] =	vst v1  }
0x39: {  	[tilespmem:$0x14470] =	vst v1  }
0x3a: {  	[tilespmem:$0x14488] =	vst v1  }
0x3b: {  	[tilespmem:$0x14498] =	vst v1  }
0x3c: {  	[tilespmem:$0x144A8] =	vst v1  }
0x3d: {  	[tilespmem:$0x144B8] =	vst v1  }
0x3e: {  	[tilespmem:$0x144C8] =	vst v1  }
0x3f: {  	[tilespmem:$0x144D8] =	vst v1  }
0x40: {  	[tilespmem:$0x144E8] =	vst v1  }
0x41: {  	[tilespmem:$0x144F8] =	vst v1  }
0x42: {  	[tilespmem:$0x14508] =	vst v1  }
0x43: {  	[tilespmem:$0x14518] =	vst v1  }
0x44: {  	[tilespmem:$0x14528] =	vst v1  }
0x45: {  	[tilespmem:$0x14538] =	vst v1  }
0x46: {  	[tilespmem:$0x14548] =	vst v1  }
0x47: {  	[tilespmem:$0x14558] =	vst v1  }
0x48: {  	[tilespmem:$0x14568] =	vst v1  }
0x49: {  	[tilespmem:$0x14578] =	vst v1  }
0x4a: {  	[tilespmem:$0x14588] =	vst v1  }
0x4b: {  	[tilespmem:$0x14598] =	vst v1  }
0x4c: {  	[tilespmem:$0x145A8] =	vst v1  }
0x4d: {  	[tilespmem:$0x145B8] =	vst v1  }
0x4e: {  	[tilespmem:$0x145C8] =	vst v1  }
0x4f: {  	[tilespmem:$0x145D8] =	vst v1  }
0x50: {  	[tilespmem:$0x145E8] =	vst v1  }
0x51: {  	[tilespmem:$0x145F8] =	vst v1  }
0x52: {  	[tilespmem:$0x14608] =	vst v1  }
0x53: {  	[tilespmem:$0x14618] =	vst v1  }
0x54: {  	[tilespmem:$0x14628] =	vst v1  }
0x55: {  	[tilespmem:$0x14638] =	vst v1  }
0x56: {  	[tilespmem:$0x14648] =	vst v1  }
0x57: {  	[tilespmem:$0x14658] =	vst v1  }
0x58: {  	[tilespmem:$0x14668] =	vst v1  }
0x59: {  	[tilespmem:$0x14678] =	vst v1  }
0x5a: {  	[tilespmem:$0x14690] =	vst v1  }
0x5b: {  	[tilespmem:$0x146A0] =	vst v1  }
0x5c: {  	[tilespmem:$0x146B0] =	vst v1  }
0x5d: {  	[tilespmem:$0x146C0] =	vst v1  }
0x5e: {  	[tilespmem:$0x146D0] =	vst v1  }
0x5f: {  	[tilespmem:$0x146E0] =	vst v1  }
0x60: {  	[tilespmem:$0x146F0] =	vst v1  }
0x61: {  	[tilespmem:$0x14700] =	vst v1  }
0x62: {  	[tilespmem:$0x14710] =	vst v1  }
0x63: {  	[tilespmem:$0x14720] =	vst v1  }
0x64: {  	[tilespmem:$0x14730] =	vst v1  }
0x65: {  	[tilespmem:$0x14740] =	vst v1  }
0x66: {  	[tilespmem:$0x14750] =	vst v1  }
0x67: {  	[tilespmem:$0x14760] =	vst v1  }
0x68: {  	[tilespmem:$0x14770] =	vst v1  }
0x69: {  	[tilespmem:$0x14780] =	vst v1  }
0x6a: {  	[tilespmem:$0x14790] =	vst v1  }
0x6b: {  	[tilespmem:$0x147A0] =	vst v1  }
0x6c: {  	[tilespmem:$0x147B0] =	vst v1  }
0x6d: {  	[tilespmem:$0x147C0] =	vst v1  }
0x6e: {  	[tilespmem:$0x147D0] =	vst v1  }
0x6f: {  	[tilespmem:$0x147E0] =	vst v1  }
0x70: {  	[tilespmem:$0x147F0] =	vst v1  }
0x71: {  	[tilespmem:$0x14800] =	vst v1  }
0x72: {  	[tilespmem:$0x14810] =	vst v1  }
0x73: {  	[tilespmem:$0x14820] =	vst v1  }
0x74: {  	[tilespmem:$0x14830] =	vst v1  }
0x75: {  	[tilespmem:$0x14840] =	vst v1  }
0x76: {  	[tilespmem:$0x14850] =	vst v1  }
0x77: {  	[tilespmem:$0x14860] =	vst v1  }
0x78: {  	[tilespmem:$0x14870] =	vst v1  }
0x79: {  	[tilespmem:$0x14880] =	vst v1  }
0x7a: {  	[tilespmem:$0x14898] =	vst v1  }
0x7b: {  	[tilespmem:$0x148A8] =	vst v1  }
0x7c: {  	[tilespmem:$0x148B8] =	vst v1  }
0x7d: {  	[tilespmem:$0x148C8] =	vst v1  }
0x7e: {  	[tilespmem:$0x148D8] =	vst v1  }
0x7f: {  	[tilespmem:$0x148E8] =	vst v1  }
0x80: {  	[tilespmem:$0x148F8] =	vst v1  }
0x81: {  	[tilespmem:$0x14908] =	vst v1  }
0x82: {  	[tilespmem:$0x14918] =	vst v1  }
0x83: {  	[tilespmem:$0x14928] =	vst v1  }
0x84: {  	[tilespmem:$0x14938] =	vst v1  }
0x85: {  	[tilespmem:$0x14948] =	vst v1  }
0x86: {  	[tilespmem:$0x14958] =	vst v1  }
0x87: {  	[tilespmem:$0x14968] =	vst v1  }
0x88: {  	[tilespmem:$0x14978] =	vst v1  }
0x89: {  	[tilespmem:$0x14988] =	vst v1  }
0x8a: {  	[tilespmem:$0x14998] =	vst v1  }
0x8b: {  	[tilespmem:$0x149A8] =	vst v1  }
0x8c: {  	[tilespmem:$0x149B8] =	vst v1  }
0x8d: {  	[tilespmem:$0x149C8] =	vst v1  }
0x8e: {  	[tilespmem:$0x149D8] =	vst v1  }
0x8f: {  	[tilespmem:$0x149E8] =	vst v1  }
0x90: {  	[tilespmem:$0x149F8] =	vst v1  }
0x91: {  	[tilespmem:$0x14A08] =	vst v1  }
0x92: {  	[tilespmem:$0x14A18] =	vst v1  }
0x93: {  	[tilespmem:$0x14A28] =	vst v1  }
0x94: {  	[tilespmem:$0x14A38] =	vst v1  }
0x95: {  	[tilespmem:$0x14A48] =	vst v1  }
0x96: {  	[tilespmem:$0x14A58] =	vst v1  }
0x97: {  	[tilespmem:$0x14A68] =	vst v1  }
0x98: {  	[tilespmem:$0x14A78] =	vst v1  }
0x99: {  	[tilespmem:$0x14A88] =	vst v1  }
0x9a: {  	[tilespmem:$0x19AA0] =	vst v1  }
0x9b: {  	[tilespmem:$0x19AB0] =	vst v1  }
0x9c: {  	[tilespmem:$0x19AC8] =	vst v1  }
0x9d: {  	[tilespmem:$0x19AD8] =	vst v1  }
0x9e: {  	[tilespmem:$0x19AF0] =	vst v1  }
0x9f: {  	[tilespmem:$0x19B00] =	vst v1  }
0xa0: {  	[tilespmem:$0x19B18] =	vst v1  }
0xa1: {  	[tilespmem:$0x19B28] =	vst v1  }
0xa2: {  	[tilespmem:$0x19B40] =	vst v1  }
0xa3: {  	[tilespmem:$0x19B50] =	vst v1  }
0xa4: {  	[tilespmem:$0x19B68] =	vst v1  }
0xa5: {  	[tilespmem:$0x19B78] =	vst v1  }
0xa6: {  	[tilespmem:$0x19B90] =	vst v1  }
0xa7: {  	[tilespmem:$0x19BA0] =	vst v1  }
0xa8: {  	[tilespmem:$0x19BB8] =	vst v1  }
0xa9: {  	[dreg:$0xc] =	wrdreg s2;
	s18 =	simm.s32 $0x1;
	[tilespmem:$0x19BC8] =	vst v1  }
0xaa: {  	_ =	swait.ge [sflag:s18], $0x200  }
0xab: {  	[sflag:s18] =	ssyncset.done $0x0  }
0xac: {  	[sflag:s18] =	ssyncadd.s32 $0xFFFFFE00  }
0xad: {  	_ =	swait.ge [sflag:s18], $0x800  }
0xae: {  	[sflag:s18] =	ssyncset.done $0x0  }
0xaf: {  	[sflag:s18] =	ssyncadd.s32 $0xFFFFF800  }
0xb0: {  	_ =	swait.ge [sflag:s18], $0x10  }
0xb1: {  	[sflag:s18] =	ssyncset.done $0x0  }
0xb2: {  	[sflag:s18] =	ssyncadd.s32 $0xFFFFFFF0  }
0xb3: {  	_ =	swait.ge [sflag:s18], $0x200  }
0xb4: {  	[sflag:s18] =	ssyncset.done $0x0  }
0xb5: {  	[sflag:s18] =	ssyncadd.s32 $0xFFFFFE00  }
0xb6: {  	_ =	swait.ge [sflag:s18], $0x800  }
0xb7: {  	[sflag:s18] =	ssyncset.done $0x0  }
0xb8: {  	[sflag:s18] =	ssyncadd.s32 $0xFFFFF800  }
0xb9: {  	v2 =	vld [tilespmem:$0x1CFE0];
	_ =	sdelay $0x4  }
0xba: {  	v3 =	vnsel vm0, $0x0, v2  }
0xbb: {  	(xrf0) =	vadd.scan.msk.s32 $0xffff, v3;
	_ =	sdelay $0x5  }
0xbc: {  	v3, _, _ =	vpop (xrf0)  }
0xbd: {  	(v2sf) =	vpush v3, $0xF;
	_ =	sdelay $0xe  }
0xbe: {  	s19 =	spop (v2sf)  }
0xbf: {  	s20 =	rddreg [dreg:$0x9];
	s0 =	sshll.u32 s19, $0x9  }
0xc0: {  	s0 =	sadd.s32 s20, s0  }
0xc1: {  	s21 =	rddreg [dreg:$0x3];
	s0 =	sshrl.u32 s0, $0x3  }
0xc2: {  	s22 =	simm.s32 $0x3;
	s0 =	sadd.s32 s21, s0  }
0xc3: {  	[tilespmem:s1], [sflag:$0x3] =	stream.linear.gather [hbm4b:s0+s1], $0xA000, $0x38;
	[tilespmem:$0x1CFF0] =	vst v63  }
0xc4: {  	_ =	swait.ge [sflag:s22], $0xA000  }
0xc5: {  	[sflag:s22] =	ssyncset.done $0x0  }
0xc6: {  	s16 =	simm.s32 $0x0;
	[sflag:s22] =	ssyncadd.s32 $0xFFFF6000  }
.LBB2_2:
0xc7: {  	s0 =	simm.s32 $0x0  }
0xc8: {  	s1 =	simm.s32 $0x0;
	s2 =	sor.u32 $0x2, s0  }
0xc9: {  	s19 =	sand.u32 $0x3FFFFE00, s1;
	s9 =	sshll.u32 s2, $0x9  }
0xca: {  	v3 =	vld [tilespmem:s19+$0x0];
	s1 =	sand.u32 $0x3FFFFE00, s9  }
0xcb: {  	s3 =	simm.s32 $0x0;
	v4 =	vld [tilespmem:s1+$0x0]  }
0xcc: {  	s3 =	smul.u32 $0x820, s3;
	s2 =	sshrl.u32 s2, $0x1  }
0xcd: {  	s2 =	smul.u32 $0x820, s2  }
0xce: {  	s18 =	sshra.s32 s3, $0x2  }
0xcf: {  	v6 =	vld [tilespmem:s19+$0x200];
	s20 =	sshra.s32 s2, $0x2;
	[tilespmem:s18+$0xA000] =	vst v3  }
0xd0: {  	s0 =	sor.u32 $0x3, s0;
	v3 =	vld [tilespmem:s19+$0x10];
	[tilespmem:s20+$0xA000] =	vst v4  }
0xd1: {  	s10 =	sshll.u32 s0, $0x9;
	v4 =	vld [tilespmem:s1+$0x10]  }
0xd2: {  	s7 =	sand.u32 $0x3FFFFE00, s10  }
0xd3: {  	v5 =	vld [tilespmem:s7+$0x0]  }
0xd4: {  	s0 =	sshrl.u32 s0, $0x1;
	[tilespmem:s18+$0xF140] =	vst v6  }
0xd5: {  	s0 =	smul.u32 $0x820, s0;
	v6 =	vld [tilespmem:s19+$0x210];
	[tilespmem:s18+$0xA010] =	vst v3  }
0xd6: {  	v3 =	vld [tilespmem:s19+$0x20];
	[tilespmem:s20+$0xA010] =	vst v4  }
0xd7: {  	s6 =	sshra.s32 s0, $0x2;
	v4 =	vld [tilespmem:s1+$0x20]  }
0xd8: {  	[tilespmem:s6+$0xF140] =	vst v5  }
0xd9: {  	v5 =	vld [tilespmem:s7+$0x10]  }
0xda: {  	[tilespmem:s18+$0xF150] =	vst v6  }
0xdb: {  	v6 =	vld [tilespmem:s19+$0x220];
	[tilespmem:s18+$0xA020] =	vst v3  }
0xdc: {  	v3 =	vld [tilespmem:s19+$0x30];
	[tilespmem:s20+$0xA020] =	vst v4  }
0xdd: {  	v4 =	vld [tilespmem:s1+$0x30]  }
0xde: {  	[tilespmem:s6+$0xF150] =	vst v5  }
0xdf: {  	v5 =	vld [tilespmem:s7+$0x20]  }
0xe0: {  	[tilespmem:s18+$0xF160] =	vst v6  }
0xe1: {  	v6 =	vld [tilespmem:s19+$0x230];
	[tilespmem:s18+$0xA030] =	vst v3  }
0xe2: {  	v3 =	vld [tilespmem:s19+$0x40];
	[tilespmem:s20+$0xA030] =	vst v4  }
0xe3: {  	v4 =	vld [tilespmem:s1+$0x40]  }
0xe4: {  	[tilespmem:s6+$0xF160] =	vst v5  }
0xe5: {  	v5 =	vld [tilespmem:s7+$0x30]  }
0xe6: {  	[tilespmem:s18+$0xF170] =	vst v6  }
0xe7: {  	v6 =	vld [tilespmem:s19+$0x240];
	[tilespmem:s18+$0xA040] =	vst v3  }
0xe8: {  	v3 =	vld [tilespmem:s19+$0x50];
	[tilespmem:s20+$0xA040] =	vst v4  }
0xe9: {  	v4 =	vld [tilespmem:s1+$0x50]  }
0xea: {  	[tilespmem:s6+$0xF170] =	vst v5  }
0xeb: {  	v5 =	vld [tilespmem:s7+$0x40]  }
0xec: {  	[tilespmem:s18+$0xF180] =	vst v6  }
0xed: {  	v6 =	vld [tilespmem:s19+$0x250];
	[tilespmem:s18+$0xA050] =	vst v3  }
0xee: {  	v3 =	vld [tilespmem:s19+$0x60];
	[tilespmem:s20+$0xA050] =	vst v4  }
0xef: {  	v4 =	vld [tilespmem:s1+$0x60]  }
0xf0: {  	[tilespmem:s6+$0xF180] =	vst v5  }
0xf1: {  	v5 =	vld [tilespmem:s7+$0x50]  }
0xf2: {  	[tilespmem:s18+$0xF190] =	vst v6  }
0xf3: {  	v6 =	vld [tilespmem:s19+$0x260];
	[tilespmem:s18+$0xA060] =	vst v3  }
0xf4: {  	v3 =	vld [tilespmem:s19+$0x70];
	[tilespmem:s20+$0xA060] =	vst v4  }
0xf5: {  	v4 =	vld [tilespmem:s1+$0x70]  }
0xf6: {  	[tilespmem:s6+$0xF190] =	vst v5  }
0xf7: {  	v5 =	vld [tilespmem:s7+$0x60]  }
0xf8: {  	[tilespmem:s18+$0xF1A0] =	vst v6  }
0xf9: {  	v6 =	vld [tilespmem:s19+$0x270];
	[tilespmem:s18+$0xA070] =	vst v3  }
0xfa: {  	v3 =	vld [tilespmem:s19+$0x80];
	[tilespmem:s20+$0xA070] =	vst v4  }
0xfb: {  	v4 =	vld [tilespmem:s1+$0x80]  }
0xfc: {  	[tilespmem:s6+$0xF1A0] =	vst v5  }
0xfd: {  	v5 =	vld [tilespmem:s7+$0x70]  }
0xfe: {  	[tilespmem:s18+$0xF1B0] =	vst v6  }
0xff: {  	v6 =	vld [tilespmem:s19+$0x280];
	[tilespmem:s18+$0xA080] =	vst v3  }
0x100: {  	v3 =	vld [tilespmem:s19+$0x90];
	[tilespmem:s20+$0xA080] =	vst v4  }
0x101: {  	v4 =	vld [tilespmem:s1+$0x90]  }
0x102: {  	[tilespmem:s6+$0xF1B0] =	vst v5  }
0x103: {  	v5 =	vld [tilespmem:s7+$0x80]  }
0x104: {  	[tilespmem:s18+$0xF1C0] =	vst v6  }
0x105: {  	v6 =	vld [tilespmem:s19+$0x290];
	[tilespmem:s18+$0xA090] =	vst v3  }
0x106: {  	v3 =	vld [tilespmem:s19+$0xA0];
	[tilespmem:s20+$0xA090] =	vst v4  }
0x107: {  	v4 =	vld [tilespmem:s1+$0xA0]  }
0x108: {  	[tilespmem:s6+$0xF1C0] =	vst v5  }
0x109: {  	v5 =	vld [tilespmem:s7+$0x90]  }
0x10a: {  	[tilespmem:s18+$0xF1D0] =	vst v6  }
0x10b: {  	v6 =	vld [tilespmem:s19+$0x2A0];
	[tilespmem:s18+$0xA0A0] =	vst v3  }
0x10c: {  	v3 =	vld [tilespmem:s19+$0xB0];
	[tilespmem:s20+$0xA0A0] =	vst v4  }
0x10d: {  	v4 =	vld [tilespmem:s1+$0xB0]  }
0x10e: {  	[tilespmem:s6+$0xF1D0] =	vst v5  }
0x10f: {  	v5 =	vld [tilespmem:s7+$0xA0]  }
0x110: {  	[tilespmem:s18+$0xF1E0] =	vst v6  }
0x111: {  	v6 =	vld [tilespmem:s19+$0x2B0];
	[tilespmem:s18+$0xA0B0] =	vst v3  }
0x112: {  	v3 =	vld [tilespmem:s19+$0xC0];
	[tilespmem:s20+$0xA0B0] =	vst v4  }
0x113: {  	v4 =	vld [tilespmem:s1+$0xC0]  }
0x114: {  	[tilespmem:s6+$0xF1E0] =	vst v5  }
0x115: {  	v5 =	vld [tilespmem:s7+$0xB0]  }
0x116: {  	[tilespmem:s18+$0xF1F0] =	vst v6  }
0x117: {  	v6 =	vld [tilespmem:s19+$0x2C0];
	[tilespmem:s18+$0xA0C0] =	vst v3  }
0x118: {  	v3 =	vld [tilespmem:s19+$0xD0];
	[tilespmem:s20+$0xA0C0] =	vst v4  }
0x119: {  	v4 =	vld [tilespmem:s1+$0xD0]  }
0x11a: {  	[tilespmem:s6+$0xF1F0] =	vst v5  }
0x11b: {  	v5 =	vld [tilespmem:s7+$0xC0]  }
0x11c: {  	[tilespmem:s18+$0xF200] =	vst v6  }
0x11d: {  	v6 =	vld [tilespmem:s19+$0x2D0];
	[tilespmem:s18+$0xA0D0] =	vst v3  }
0x11e: {  	v3 =	vld [tilespmem:s19+$0xE0];
	[tilespmem:s20+$0xA0D0] =	vst v4  }
0x11f: {  	v4 =	vld [tilespmem:s1+$0xE0]  }
0x120: {  	[tilespmem:s6+$0xF200] =	vst v5  }
0x121: {  	v5 =	vld [tilespmem:s7+$0xD0]  }
0x122: {  	[tilespmem:s18+$0xF210] =	vst v6  }
0x123: {  	v6 =	vld [tilespmem:s19+$0x2E0];
	[tilespmem:s18+$0xA0E0] =	vst v3  }
0x124: {  	v3 =	vld [tilespmem:s19+$0xF0];
	[tilespmem:s20+$0xA0E0] =	vst v4  }
0x125: {  	v4 =	vld [tilespmem:s1+$0xF0]  }
0x126: {  	[tilespmem:s6+$0xF210] =	vst v5  }
0x127: {  	v5 =	vld [tilespmem:s7+$0xE0]  }
0x128: {  	[tilespmem:s18+$0xF220] =	vst v6  }
0x129: {  	v6 =	vld [tilespmem:s19+$0x2F0];
	[tilespmem:s18+$0xA0F0] =	vst v3  }
0x12a: {  	v3 =	vld [tilespmem:s19+$0x100];
	[tilespmem:s20+$0xA0F0] =	vst v4  }
0x12b: {  	v4 =	vld [tilespmem:s1+$0x100]  }
0x12c: {  	[tilespmem:s6+$0xF220] =	vst v5  }
0x12d: {  	v5 =	vld [tilespmem:s7+$0xF0]  }
0x12e: {  	[tilespmem:s18+$0xF230] =	vst v6  }
0x12f: {  	v6 =	vld [tilespmem:s19+$0x300];
	[tilespmem:s18+$0xA100] =	vst v3  }
0x130: {  	v3 =	vld [tilespmem:s19+$0x110];
	[tilespmem:s20+$0xA100] =	vst v4  }
0x131: {  	v4 =	vld [tilespmem:s1+$0x110]  }
0x132: {  	s12 =	simm.s32 $0x800;
	[tilespmem:s6+$0xF230] =	vst v5  }
0x133: {  	s8 =	sand.u32 $0x3FFFFE00, s12;
	v5 =	vld [tilespmem:s7+$0x100]  }
0x134: {  	v8 =	vld [tilespmem:s8+$0x200];
	[tilespmem:s18+$0xF240] =	vst v6  }
0x135: {  	s15 =	simm.s32 $0x2;
	v6 =	vld [tilespmem:s19+$0x310];
	[tilespmem:s18+$0xA110] =	vst v3  }
0x136: {  	s2 =	smul.u32 $0x820, s15;
	v3 =	vld [tilespmem:s19+$0x120];
	[tilespmem:s20+$0xA110] =	vst v4  }
0x137: {  	v4 =	vld [tilespmem:s1+$0x120]  }
0x138: {  	s12 =	sshra.s32 s2, $0x2;
	[tilespmem:s6+$0xF240] =	vst v5  }
0x139: {  	[tilespmem:s12+$0xF140] =	vst v8;
	v5 =	vld [tilespmem:s7+$0x110]  }
0x13a: {  	s14 =	simm.s32 $0x4;
	[tilespmem:s18+$0xF250] =	vst v6;
	v6 =	vld [tilespmem:s8+$0x210]  }
0x13b: {  	s17 =	sor.u32 $0x3, s14;
	s0 =	sor.u32 $0x2, s14;
	[tilespmem:s18+$0xA120] =	vst v3;
	v3 =	vld [tilespmem:s8+$0x0]  }
0x13c: {  	s4 =	sshll.u32 s17, $0x9;
	s21 =	sshll.u32 s0, $0x9;
	v7 =	vld [tilespmem:s19+$0x130];
	[tilespmem:s20+$0xA120] =	vst v4  }
0x13d: {  	s15 =	sand.u32 $0x3FFFFE00, s4;
	s4 =	sand.u32 $0x3FFFFE00, s21;
	v4 =	vld [tilespmem:s1+$0x130]  }
0x13e: {  	v9 =	vld [tilespmem:s4+$0x0];
	[tilespmem:s6+$0xF250] =	vst v5  }
0x13f: {  	s0 =	sshrl.u32 s0, $0x1;
	v5 =	vld [tilespmem:s7+$0x120];
	[tilespmem:s12+$0xF150] =	vst v6  }
0x140: {  	s0 =	smul.u32 $0x820, s0;
	[tilespmem:s12+$0xA000] =	vst v3;
	v3 =	vld [tilespmem:s15+$0x0]  }
0x141: {  	s3 =	sshrl.u32 s17, $0x1;
	[tilespmem:s18+$0xA130] =	vst v7;
	v7 =	vld [tilespmem:s8+$0x10]  }
0x142: {  	s22 =	smul.u32 $0x820, s3;
	s2 =	sshra.s32 s0, $0x2;
	v6 =	vld [tilespmem:s8+$0x220];
	[tilespmem:s20+$0xA130] =	vst v4  }
0x143: {  	[tilespmem:s2+$0xA000] =	vst v9;
	v4 =	vld [tilespmem:s1+$0x140]  }
0x144: {  	s22 =	sshra.s32 s22, $0x2;
	[tilespmem:s6+$0xF260] =	vst v5;
	v9 =	vld [tilespmem:s19+$0x140]  }
0x145: {  	v8 =	vld [tilespmem:s19+$0x320];
	[tilespmem:s22+$0xF140] =	vst v3  }
0x146: {  	v3 =	vld [tilespmem:s15+$0x10];
	[tilespmem:s12+$0xA010] =	vst v7  }
0x147: {  	[tilespmem:s12+$0xF160] =	vst v6;
	v7 =	vld [tilespmem:s8+$0x20]  }
0x148: {  	[tilespmem:s20+$0xA140] =	vst v4;
	v4 =	vld [tilespmem:s4+$0x10]  }
0x149: {  	v6 =	vld [tilespmem:s7+$0x130];
	[tilespmem:s18+$0xA140] =	vst v9  }
0x14a: {  	[tilespmem:s18+$0xF260] =	vst v8;
	v9 =	vld [tilespmem:s19+$0x150]  }
0x14b: {  	v5 =	vld [tilespmem:s1+$0x150];
	[tilespmem:s22+$0xF150] =	vst v3  }
0x14c: {  	[tilespmem:s12+$0xA020] =	vst v7;
	v3 =	vld [tilespmem:s15+$0x20]  }
0x14d: {  	v8 =	vld [tilespmem:s8+$0x30];
	[tilespmem:s2+$0xA010] =	vst v4  }
0x14e: {  	[tilespmem:s6+$0xF270] =	vst v6;
	v4 =	vld [tilespmem:s4+$0x20]  }
0x14f: {  	v7 =	vld [tilespmem:s19+$0x330];
	[tilespmem:s18+$0xA150] =	vst v9  }
0x150: {  	v9 =	vld [tilespmem:s19+$0x160];
	[tilespmem:s20+$0xA150] =	vst v5  }
0x151: {  	v5 =	vld [tilespmem:s8+$0x230];
	[tilespmem:s22+$0xF160] =	vst v3  }
0x152: {  	[tilespmem:s12+$0xA030] =	vst v8;
	v3 =	vld [tilespmem:s15+$0x30]  }
0x153: {  	v8 =	vld [tilespmem:s8+$0x40];
	[tilespmem:s2+$0xA020] =	vst v4  }
0x154: {  	[tilespmem:s18+$0xF270] =	vst v7;
	v4 =	vld [tilespmem:s4+$0x30]  }
0x155: {  	v7 =	vld [tilespmem:s19+$0x340];
	[tilespmem:s18+$0xA160] =	vst v9  }
0x156: {  	[tilespmem:s12+$0xF170] =	vst v5;
	v5 =	vld [tilespmem:s7+$0x140]  }
0x157: {  	v6 =	vld [tilespmem:s8+$0x240];
	[tilespmem:s22+$0xF170] =	vst v3  }
0x158: {  	[tilespmem:s12+$0xA040] =	vst v8;
	v3 =	vld [tilespmem:s15+$0x40]  }
0x159: {  	v8 =	vld [tilespmem:s8+$0x50];
	[tilespmem:s2+$0xA030] =	vst v4  }
0x15a: {  	[tilespmem:s18+$0xF280] =	vst v7;
	v4 =	vld [tilespmem:s4+$0x40]  }
0x15b: {  	v9 =	vld [tilespmem:s19+$0x170];
	[tilespmem:s6+$0xF280] =	vst v5  }
0x15c: {  	v7 =	vld [tilespmem:s19+$0x350];
	[tilespmem:s12+$0xF180] =	vst v6  }
0x15d: {  	v6 =	vld [tilespmem:s8+$0x250];
	[tilespmem:s22+$0xF180] =	vst v3  }
0x15e: {  	[tilespmem:s12+$0xA050] =	vst v8;
	v3 =	vld [tilespmem:s15+$0x50]  }
0x15f: {  	v8 =	vld [tilespmem:s8+$0x60];
	[tilespmem:s2+$0xA040] =	vst v4  }
0x160: {  	[tilespmem:s18+$0xA170] =	vst v9;
	v4 =	vld [tilespmem:s4+$0x50]  }
0x161: {  	v5 =	vld [tilespmem:s7+$0x150];
	[tilespmem:s18+$0xF290] =	vst v7  }
0x162: {  	v7 =	vld [tilespmem:s19+$0x360];
	[tilespmem:s12+$0xF190] =	vst v6  }
0x163: {  	v6 =	vld [tilespmem:s8+$0x260];
	[tilespmem:s22+$0xF190] =	vst v3  }
0x164: {  	[tilespmem:s12+$0xA060] =	vst v8;
	v3 =	vld [tilespmem:s15+$0x60]  }
0x165: {  	v8 =	vld [tilespmem:s8+$0x70];
	[tilespmem:s2+$0xA050] =	vst v4  }
0x166: {  	[tilespmem:s6+$0xF290] =	vst v5;
	v4 =	vld [tilespmem:s4+$0x60]  }
0x167: {  	v5 =	vld [tilespmem:s7+$0x160];
	[tilespmem:s18+$0xF2A0] =	vst v7  }
0x168: {  	v7 =	vld [tilespmem:s19+$0x370];
	[tilespmem:s12+$0xF1A0] =	vst v6  }
0x169: {  	v6 =	vld [tilespmem:s8+$0x270];
	[tilespmem:s22+$0xF1A0] =	vst v3  }
0x16a: {  	[tilespmem:s12+$0xA070] =	vst v8;
	v3 =	vld [tilespmem:s15+$0x70]  }
0x16b: {  	v8 =	vld [tilespmem:s8+$0x80];
	[tilespmem:s2+$0xA060] =	vst v4  }
0x16c: {  	[tilespmem:s6+$0xF2A0] =	vst v5;
	v4 =	vld [tilespmem:s4+$0x70]  }
0x16d: {  	v5 =	vld [tilespmem:s7+$0x170];
	[tilespmem:s18+$0xF2B0] =	vst v7  }
0x16e: {  	[tilespmem:s12+$0xF1B0] =	vst v6;
	v6 =	vld [tilespmem:s19+$0x380]  }
0x16f: {  	v7 =	vld [tilespmem:s8+$0x280];
	[tilespmem:s22+$0xF1B0] =	vst v3  }
0x170: {  	[tilespmem:s12+$0xA080] =	vst v8;
	v3 =	vld [tilespmem:s15+$0x80]  }
0x171: {  	v8 =	vld [tilespmem:s8+$0x90];
	[tilespmem:s2+$0xA070] =	vst v4  }
0x172: {  	[tilespmem:s6+$0xF2B0] =	vst v5;
	v4 =	vld [tilespmem:s4+$0x80]  }
0x173: {  	v5 =	vld [tilespmem:s7+$0x180];
	[tilespmem:s18+$0xF2C0] =	vst v6  }
0x174: {  	[tilespmem:s12+$0xF1C0] =	vst v7;
	v6 =	vld [tilespmem:s19+$0x390]  }
0x175: {  	v7 =	vld [tilespmem:s8+$0x290];
	[tilespmem:s22+$0xF1C0] =	vst v3  }
0x176: {  	[tilespmem:s12+$0xA090] =	vst v8;
	v9 =	vld [tilespmem:s15+$0x90]  }
0x177: {  	v8 =	vld [tilespmem:s8+$0xA0];
	[tilespmem:s2+$0xA080] =	vst v4  }
0x178: {  	[tilespmem:s6+$0xF2C0] =	vst v5;
	v3 =	vld [tilespmem:s4+$0x90]  }
0x179: {  	[tilespmem:s18+$0xF2D0] =	vst v6;
	v6 =	vld [tilespmem:s19+$0x180]  }
0x17a: {  	v4 =	vld [tilespmem:s1+$0x160];
	[tilespmem:s12+$0xF1D0] =	vst v7  }
0x17b: {  	v7 =	vld [tilespmem:s8+$0x2A0];
	[tilespmem:s22+$0xF1D0] =	vst v9  }
0x17c: {  	[tilespmem:s12+$0xA0A0] =	vst v8;
	v9 =	vld [tilespmem:s15+$0xA0]  }
0x17d: {  	v8 =	vld [tilespmem:s8+$0xB0];
	[tilespmem:s2+$0xA090] =	vst v3  }
0x17e: {  	[tilespmem:s18+$0xA180] =	vst v6;
	v3 =	vld [tilespmem:s4+$0xA0]  }
0x17f: {  	v5 =	vld [tilespmem:s7+$0x190];
	[tilespmem:s20+$0xA160] =	vst v4  }
0x180: {  	v6 =	vld [tilespmem:s19+$0x190];
	[tilespmem:s12+$0xF1E0] =	vst v7  }
0x181: {  	v4 =	vld [tilespmem:s19+$0x3A0];
	[tilespmem:s22+$0xF1E0] =	vst v9  }
0x182: {  	[tilespmem:s12+$0xA0B0] =	vst v8;
	v8 =	vld [tilespmem:s8+$0x2B0]  }
0x183: {  	v9 =	vld [tilespmem:s15+$0xB0];
	[tilespmem:s2+$0xA0A0] =	vst v3  }
0x184: {  	[tilespmem:s6+$0xF2D0] =	vst v5;
	v7 =	vld [tilespmem:s4+$0xB0]  }
0x185: {  	[tilespmem:s18+$0xA190] =	vst v6;
	v5 =	vld [tilespmem:s8+$0xC0]  }
0x186: {  	[tilespmem:s18+$0xF2E0] =	vst v4;
	v6 =	vld [tilespmem:s19+$0x1A0]  }
0x187: {  	v4 =	vld [tilespmem:s19+$0x3B0];
	[tilespmem:s12+$0xF1F0] =	vst v8  }
0x188: {  	v3 =	vld [tilespmem:s1+$0x170];
	[tilespmem:s22+$0xF1F0] =	vst v9  }
0x189: {  	v8 =	vld [tilespmem:s8+$0x2C0];
	[tilespmem:s2+$0xA0B0] =	vst v7  }
0x18a: {  	[tilespmem:s12+$0xA0C0] =	vst v5;
	v7 =	vld [tilespmem:s4+$0xC0]  }
0x18b: {  	v9 =	vld [tilespmem:s15+$0xC0];
	[tilespmem:s18+$0xA1A0] =	vst v6  }
0x18c: {  	[tilespmem:s18+$0xF2F0] =	vst v4;
	v4 =	vld [tilespmem:s7+$0x1A0]  }
0x18d: {  	[tilespmem:s20+$0xA170] =	vst v3;
	v5 =	vld [tilespmem:s8+$0xD0]  }
0x18e: {  	v6 =	vld [tilespmem:s19+$0x1B0];
	[tilespmem:s12+$0xF200] =	vst v8  }
0x18f: {  	v3 =	vld [tilespmem:s1+$0x180];
	[tilespmem:s2+$0xA0C0] =	vst v7  }
0x190: {  	[tilespmem:s22+$0xF200] =	vst v9;
	v7 =	vld [tilespmem:s4+$0xD0]  }
0x191: {  	[tilespmem:s6+$0xF2E0] =	vst v4;
	v8 =	vld [tilespmem:s8+$0x2D0]  }
0x192: {  	[tilespmem:s12+$0xA0D0] =	vst v5;
	v9 =	vld [tilespmem:s15+$0xD0]  }
0x193: {  	[tilespmem:s18+$0xA1B0] =	vst v6;
	v5 =	vld [tilespmem:s8+$0xE0]  }
0x194: {  	[tilespmem:s20+$0xA180] =	vst v3;
	v6 =	vld [tilespmem:s19+$0x1C0]  }
0x195: {  	v3 =	vld [tilespmem:s1+$0x190];
	[tilespmem:s2+$0xA0D0] =	vst v7  }
0x196: {  	[tilespmem:s12+$0xF210] =	vst v8;
	v7 =	vld [tilespmem:s4+$0xE0]  }
0x197: {  	[tilespmem:s22+$0xF210] =	vst v9;
	v8 =	vld [tilespmem:s8+$0x2E0]  }
0x198: {  	[tilespmem:s12+$0xA0E0] =	vst v5;
	v5 =	vld [tilespmem:s15+$0xE0]  }
0x199: {  	[tilespmem:s18+$0xA1C0] =	vst v6;
	v9 =	vld [tilespmem:s8+$0xF0]  }
0x19a: {  	[tilespmem:s20+$0xA190] =	vst v3;
	v6 =	vld [tilespmem:s19+$0x1D0]  }
0x19b: {  	v3 =	vld [tilespmem:s1+$0x1A0];
	[tilespmem:s2+$0xA0E0] =	vst v7  }
0x19c: {  	[tilespmem:s12+$0xF220] =	vst v8;
	v7 =	vld [tilespmem:s4+$0xF0]  }
0x19d: {  	[tilespmem:s22+$0xF220] =	vst v5  }
0x19e: {  	v8 =	vld [tilespmem:s8+$0x2F0];
	[tilespmem:s12+$0xA0F0] =	vst v9  }
0x19f: {  	[tilespmem:s18+$0xA1D0] =	vst v6;
	v6 =	vld [tilespmem:s15+$0xF0]  }
0x1a0: {  	[tilespmem:s20+$0xA1A0] =	vst v3;
	v3 =	vld [tilespmem:s7+$0x1B0]  }
0x1a1: {  	v4 =	vld [tilespmem:s8+$0x100];
	[tilespmem:s2+$0xA0F0] =	vst v7  }
0x1a2: {  	v7 =	vld [tilespmem:s4+$0x100]  }
0x1a3: {  	v9 =	vld [tilespmem:s1+$0x1B0]  }
0x1a4: {  	v5 =	vld [tilespmem:s19+$0x1E0];
	[tilespmem:s12+$0xF230] =	vst v8  }
0x1a5: {  	[tilespmem:s22+$0xF230] =	vst v6;
	v8 =	vld [tilespmem:s8+$0x300]  }
0x1a6: {  	[tilespmem:s12+$0xA100] =	vst v4;
	v4 =	vld [tilespmem:s19+$0x3C0]  }
0x1a7: {  	v10 =	vld [tilespmem:s8+$0x110];
	[tilespmem:s2+$0xA100] =	vst v7  }
0x1a8: {  	[tilespmem:s20+$0xA1B0] =	vst v9;
	v11 =	vld [tilespmem:s4+$0x110]  }
0x1a9: {  	[tilespmem:s18+$0xA1E0] =	vst v5;
	v9 =	vld [tilespmem:s1+$0x1C0]  }
0x1aa: {  	[tilespmem:s6+$0xF2F0] =	vst v3;
	v3 =	vld [tilespmem:s19+$0x1F0]  }
0x1ab: {  	v5 =	vld [tilespmem:s7+$0x1C0];
	[tilespmem:s12+$0xF240] =	vst v8  }
0x1ac: {  	v8 =	vld [tilespmem:s15+$0x100];
	[tilespmem:s12+$0xA110] =	vst v10  }
0x1ad: {  	v7 =	vld [tilespmem:s8+$0x120];
	[tilespmem:s2+$0xA110] =	vst v11  }
0x1ae: {  	s3 =	simm.s32 $0x8;
	[tilespmem:s20+$0xA1C0] =	vst v9;
	v6 =	vld [tilespmem:s4+$0x120]  }
.LBB2_3:
0x1af: {  	s0 =	sshll.u32 s3, $0x9  }
0x1b0: {  	s17 =	sor.u32 $0x2, s3;
	s10 =	sor.u32 $0x3, s3;
	[tilespmem:s18+$0xF300] =	vst v4;
	v4 =	vld [tilespmem:s1+$0x1D0];
	s9 =	smov.u32 s3  }
0x1b1: {  	s0 =	sand.u32 $0x3FFFFE00, s0;
	s14 =	sshrl.u32 s17, $0x1;
	s5 =	sshll.u32 s17, $0x9;
	v9 =	vld [tilespmem:s8+$0x310];
	[tilespmem:s22+$0xF240] =	vst v8  }
0x1b2: {  	s21 =	sshrl.u32 s10, $0x1;
	s17 =	sadd.s32 $0x4, s3;
	s14 =	smul.u32 $0x820, s14;
	v8 =	vld [tilespmem:s15+$0x110];
	[tilespmem:s6+$0xF300] =	vst v5  }
0x1b3: {  	s9 =	sshrl.u32 s9, $0x1;
	s10 =	sshll.u32 s10, $0x9;
	s5 =	sand.u32 $0x3FFFFE00, s5;
	[tilespmem:s12+$0xA120] =	vst v7;
	v5 =	vld [tilespmem:s7+$0x1D0]  }
0x1b4: {  	p1 =	slt.u32 s3, $0x4C;
	s9 =	smul.u32 $0x820, s9;
	s10 =	sand.u32 $0x3FFFFE00, s10;
	v7 =	vld [tilespmem:s8+$0x130]  }
0x1b5: {  	s21 =	smul.u32 $0x820, s21;
	[tilespmem:s2+$0xA120] =	vst v6;
	v6 =	vld [tilespmem:s19+$0x3D0]  }
0x1b6: {  	s3 =	sshra.s32 s9, $0x2;
	v10 =	vld [tilespmem:s0+$0x200];
	[tilespmem:s20+$0xA1D0] =	vst v4  }
0x1b7: {  	v4 =	vld [tilespmem:s4+$0x130];
	[tilespmem:s22+$0xF250] =	vst v8  }
0x1b8: {  	s9 =	sshra.s32 s14, $0x2;
	v8 =	vld [tilespmem:s1+$0x1E0];
	[tilespmem:s6+$0xF310] =	vst v5  }
0x1b9: {  	s14 =	sshra.s32 s21, $0x2;
	[tilespmem:s12+$0xA130] =	vst v7;
	v5 =	vld [tilespmem:s7+$0x1E0]  }
0x1ba: {  	v7 =	vld [tilespmem:s0+$0x0];
	[tilespmem:s12+$0xF250] =	vst v9  }
0x1bb: {  	[tilespmem:s3+$0xF140] =	vst v10;
	v9 =	vld [tilespmem:s15+$0x120]  }
0x1bc: {  	v10 =	vld [tilespmem:s5+$0x0];
	[tilespmem:s18+$0xF310] =	vst v6  }
0x1bd: {  	v6 =	vld [tilespmem:s19+$0x3E0];
	[tilespmem:s20+$0xA1E0] =	vst v8  }
0x1be: {  	v8 =	vld [tilespmem:s1+$0x1F0];
	[tilespmem:s6+$0xF320] =	vst v5;
	s1 =	smov.u32 s4;
	s4 =	smov.u32 s5  }
0x1bf: {  	[tilespmem:s3+$0xA000] =	vst v7;
	v5 =	vld [tilespmem:s10+$0x0]  }
0x1c0: {  	v7 =	vld [tilespmem:s0+$0x210];
	[tilespmem:s2+$0xA130] =	vst v4  }
0x1c1: {  	[tilespmem:s9+$0xA000] =	vst v10;
	v4 =	vld [tilespmem:s1+$0x140]  }
0x1c2: {  	v10 =	vld [tilespmem:s0+$0x10];
	[tilespmem:s18+$0xF320] =	vst v6  }
0x1c3: {  	[tilespmem:s18+$0xA1F0] =	vst v3;
	v3 =	vld [tilespmem:s7+$0x1F0];
	s7 =	smov.u32 s15;
	s15 =	smov.u32 s10  }
0x1c4: {  	v6 =	vld [tilespmem:s8+$0x320];
	[tilespmem:s20+$0xA1F0] =	vst v8;
	s20 =	smov.u32 s2;
	s2 =	smov.u32 s9  }
0x1c5: {  	[tilespmem:s14+$0xF140] =	vst v5;
	v5 =	vld [tilespmem:s19+$0x3F0];
	s19 =	smov.u32 s8;
	s8 =	smov.u32 s0  }
0x1c6: {  	v8 =	vld [tilespmem:s15+$0x10];
	[tilespmem:s20+$0xA140] =	vst v4  }
0x1c7: {  	[tilespmem:s3+$0xA010] =	vst v10;
	v4 =	vld [tilespmem:s19+$0x140]  }
0x1c8: {  	v10 =	vld [tilespmem:s8+$0x20];
	[tilespmem:s6+$0xF330] =	vst v3;
	s6 =	smov.u32 s22;
	s22 =	smov.u32 s14  }
0x1c9: {  	[tilespmem:s3+$0xF150] =	vst v7;
	v3 =	vld [tilespmem:s4+$0x10]  }
0x1ca: {  	v7 =	vld [tilespmem:s8+$0x220];
	[tilespmem:s18+$0xF330] =	vst v5;
	s18 =	smov.u32 s12;
	s12 =	smov.u32 s3  }
0x1cb: {  	v5 =	vld [tilespmem:s1+$0x150];
	[tilespmem:s6+$0xF260] =	vst v9  }
0x1cc: {  	[tilespmem:s18+$0xF260] =	vst v6;
	v6 =	vld [tilespmem:s7+$0x130]  }
0x1cd: {  	[tilespmem:s12+$0xA020] =	vst v10;
	v9 =	vld [tilespmem:s19+$0x330]  }
0x1ce: {  	v10 =	vld [tilespmem:s8+$0x30];
	[tilespmem:s2+$0xA010] =	vst v3  }
0x1cf: {  	v3 =	vld [tilespmem:s4+$0x20];
	[tilespmem:s22+$0xF150] =	vst v8  }
0x1d0: {  	[tilespmem:s12+$0xF160] =	vst v7;
	v7 =	vld [tilespmem:s15+$0x20]  }
0x1d1: {  	v8 =	vld [tilespmem:s8+$0x230];
	[tilespmem:s20+$0xA150] =	vst v5  }
0x1d2: {  	[tilespmem:s18+$0xF270] =	vst v9  }
0x1d3: {  	[tilespmem:s12+$0xA030] =	vst v10;
	v5 =	vld [tilespmem:s19+$0x340]  }
0x1d4: {  	v9 =	vld [tilespmem:s8+$0x40];
	[tilespmem:s2+$0xA020] =	vst v3  }
0x1d5: {  	v3 =	vld [tilespmem:s4+$0x30];
	[tilespmem:s22+$0xF160] =	vst v7  }
0x1d6: {  	v7 =	vld [tilespmem:s15+$0x30];
	[tilespmem:s6+$0xF270] =	vst v6  }
0x1d7: {  	[tilespmem:s12+$0xF170] =	vst v8;
	v6 =	vld [tilespmem:s7+$0x140]  }
0x1d8: {  	v8 =	vld [tilespmem:s8+$0x240];
	[tilespmem:s18+$0xF280] =	vst v5  }
0x1d9: {  	[tilespmem:s12+$0xA040] =	vst v9;
	v5 =	vld [tilespmem:s19+$0x350]  }
0x1da: {  	v9 =	vld [tilespmem:s8+$0x50];
	[tilespmem:s2+$0xA030] =	vst v3  }
0x1db: {  	v3 =	vld [tilespmem:s4+$0x40];
	[tilespmem:s22+$0xF170] =	vst v7  }
0x1dc: {  	v7 =	vld [tilespmem:s15+$0x40];
	[tilespmem:s6+$0xF280] =	vst v6  }
0x1dd: {  	[tilespmem:s12+$0xF180] =	vst v8;
	v6 =	vld [tilespmem:s7+$0x150]  }
0x1de: {  	v8 =	vld [tilespmem:s8+$0x250];
	[tilespmem:s18+$0xF290] =	vst v5  }
0x1df: {  	[tilespmem:s12+$0xA050] =	vst v9;
	v5 =	vld [tilespmem:s19+$0x360]  }
0x1e0: {  	v9 =	vld [tilespmem:s8+$0x60];
	[tilespmem:s2+$0xA040] =	vst v3  }
0x1e1: {  	v3 =	vld [tilespmem:s4+$0x50];
	[tilespmem:s22+$0xF180] =	vst v7  }
0x1e2: {  	v7 =	vld [tilespmem:s15+$0x50];
	[tilespmem:s6+$0xF290] =	vst v6  }
0x1e3: {  	[tilespmem:s12+$0xF190] =	vst v8;
	v6 =	vld [tilespmem:s7+$0x160]  }
0x1e4: {  	v8 =	vld [tilespmem:s8+$0x260];
	[tilespmem:s18+$0xF2A0] =	vst v5  }
0x1e5: {  	[tilespmem:s12+$0xA060] =	vst v9;
	v5 =	vld [tilespmem:s19+$0x370]  }
0x1e6: {  	v9 =	vld [tilespmem:s8+$0x70];
	[tilespmem:s2+$0xA050] =	vst v3  }
0x1e7: {  	v3 =	vld [tilespmem:s4+$0x60];
	[tilespmem:s22+$0xF190] =	vst v7  }
0x1e8: {  	v7 =	vld [tilespmem:s15+$0x60];
	[tilespmem:s18+$0xA140] =	vst v4  }
0x1e9: {  	v4 =	vld [tilespmem:s19+$0x150];
	[tilespmem:s6+$0xF2A0] =	vst v6  }
0x1ea: {  	[tilespmem:s12+$0xF1A0] =	vst v8;
	v6 =	vld [tilespmem:s7+$0x170]  }
0x1eb: {  	[tilespmem:s12+$0xA070] =	vst v9;
	v8 =	vld [tilespmem:s8+$0x270]  }
0x1ec: {  	v9 =	vld [tilespmem:s8+$0x80];
	[tilespmem:s2+$0xA060] =	vst v3  }
0x1ed: {  	v3 =	vld [tilespmem:s4+$0x70];
	[tilespmem:s22+$0xF1A0] =	vst v7  }
0x1ee: {  	v7 =	vld [tilespmem:s15+$0x70];
	[tilespmem:s18+$0xA150] =	vst v4  }
0x1ef: {  	v4 =	vld [tilespmem:s19+$0x160];
	[tilespmem:s18+$0xF2B0] =	vst v5  }
0x1f0: {  	[tilespmem:s12+$0xF1B0] =	vst v8;
	v5 =	vld [tilespmem:s19+$0x380]  }
0x1f1: {  	[tilespmem:s12+$0xA080] =	vst v9;
	v8 =	vld [tilespmem:s8+$0x280]  }
0x1f2: {  	v9 =	vld [tilespmem:s8+$0x90];
	[tilespmem:s2+$0xA070] =	vst v3  }
0x1f3: {  	v3 =	vld [tilespmem:s4+$0x80];
	[tilespmem:s22+$0xF1B0] =	vst v7  }
0x1f4: {  	v7 =	vld [tilespmem:s15+$0x80];
	[tilespmem:s18+$0xA160] =	vst v4  }
0x1f5: {  	v4 =	vld [tilespmem:s19+$0x170];
	[tilespmem:s18+$0xF2C0] =	vst v5  }
0x1f6: {  	[tilespmem:s12+$0xF1C0] =	vst v8;
	v5 =	vld [tilespmem:s19+$0x390]  }
0x1f7: {  	[tilespmem:s12+$0xA090] =	vst v9;
	v8 =	vld [tilespmem:s8+$0x290]  }
0x1f8: {  	[tilespmem:s2+$0xA080] =	vst v3;
	v3 =	vld [tilespmem:s1+$0x160]  }
0x1f9: {  	v9 =	vld [tilespmem:s8+$0xA0];
	[tilespmem:s22+$0xF1C0] =	vst v7  }
0x1fa: {  	v7 =	vld [tilespmem:s4+$0x90];
	[tilespmem:s18+$0xA170] =	vst v4  }
0x1fb: {  	v4 =	vld [tilespmem:s15+$0x90];
	[tilespmem:s6+$0xF2B0] =	vst v6  }
0x1fc: {  	[tilespmem:s12+$0xF1D0] =	vst v8;
	v6 =	vld [tilespmem:s7+$0x180]  }
0x1fd: {  	v8 =	vld [tilespmem:s8+$0x2A0];
	[tilespmem:s18+$0xF2D0] =	vst v5  }
0x1fe: {  	[tilespmem:s12+$0xA0A0] =	vst v9;
	v5 =	vld [tilespmem:s19+$0x180]  }
0x1ff: {  	v9 =	vld [tilespmem:s8+$0xB0];
	[tilespmem:s2+$0xA090] =	vst v7  }
0x200: {  	v7 =	vld [tilespmem:s4+$0xA0];
	[tilespmem:s20+$0xA160] =	vst v3  }
0x201: {  	[tilespmem:s22+$0xF1D0] =	vst v4;
	v3 =	vld [tilespmem:s19+$0x3A0]  }
0x202: {  	v4 =	vld [tilespmem:s15+$0xA0];
	[tilespmem:s6+$0xF2C0] =	vst v6  }
0x203: {  	[tilespmem:s18+$0xA180] =	vst v5;
	v5 =	vld [tilespmem:s7+$0x190]  }
0x204: {  	[tilespmem:s12+$0xA0B0] =	vst v9;
	v6 =	vld [tilespmem:s19+$0x190]  }
0x205: {  	[tilespmem:s2+$0xA0A0] =	vst v7;
	v7 =	vld [tilespmem:s1+$0x170]  }
0x206: {  	[tilespmem:s12+$0xF1E0] =	vst v8;
	v8 =	vld [tilespmem:s4+$0xB0]  }
0x207: {  	v9 =	vld [tilespmem:s8+$0x2B0];
	[tilespmem:s18+$0xF2E0] =	vst v3  }
0x208: {  	v3 =	vld [tilespmem:s19+$0x3B0];
	[tilespmem:s6+$0xF2D0] =	vst v5  }
0x209: {  	v5 =	vld [tilespmem:s8+$0xC0];
	[tilespmem:s22+$0xF1E0] =	vst v4  }
0x20a: {  	v4 =	vld [tilespmem:s15+$0xB0];
	[tilespmem:s18+$0xA190] =	vst v6  }
0x20b: {  	[tilespmem:s2+$0xA0B0] =	vst v8;
	v6 =	vld [tilespmem:s19+$0x1A0]  }
0x20c: {  	[tilespmem:s12+$0xF1F0] =	vst v9;
	v8 =	vld [tilespmem:s4+$0xC0]  }
0x20d: {  	v9 =	vld [tilespmem:s8+$0x2C0];
	[tilespmem:s20+$0xA170] =	vst v7  }
0x20e: {  	[tilespmem:s12+$0xA0C0] =	vst v5;
	v5 =	vld [tilespmem:s1+$0x180]  }
0x20f: {  	v7 =	vld [tilespmem:s8+$0xD0];
	[tilespmem:s22+$0xF1F0] =	vst v4  }
0x210: {  	v4 =	vld [tilespmem:s15+$0xC0];
	[tilespmem:s18+$0xA1A0] =	vst v6  }
0x211: {  	[tilespmem:s2+$0xA0C0] =	vst v8;
	v6 =	vld [tilespmem:s19+$0x1B0]  }
0x212: {  	[tilespmem:s12+$0xF200] =	vst v9;
	v8 =	vld [tilespmem:s4+$0xD0]  }
0x213: {  	v9 =	vld [tilespmem:s8+$0x2D0];
	[tilespmem:s20+$0xA180] =	vst v5  }
0x214: {  	[tilespmem:s12+$0xA0D0] =	vst v7;
	v5 =	vld [tilespmem:s1+$0x190]  }
0x215: {  	v7 =	vld [tilespmem:s8+$0xE0];
	[tilespmem:s22+$0xF200] =	vst v4  }
0x216: {  	v4 =	vld [tilespmem:s15+$0xD0];
	[tilespmem:s18+$0xA1B0] =	vst v6  }
0x217: {  	[tilespmem:s2+$0xA0D0] =	vst v8;
	v6 =	vld [tilespmem:s19+$0x1C0]  }
0x218: {  	[tilespmem:s12+$0xF210] =	vst v9;
	v8 =	vld [tilespmem:s4+$0xE0]  }
0x219: {  	v9 =	vld [tilespmem:s8+$0x2E0];
	[tilespmem:s20+$0xA190] =	vst v5  }
0x21a: {  	[tilespmem:s18+$0xF2F0] =	vst v3;
	v3 =	vld [tilespmem:s1+$0x1A0]  }
0x21b: {  	[tilespmem:s22+$0xF210] =	vst v4;
	v4 =	vld [tilespmem:s7+$0x1A0]  }
0x21c: {  	[tilespmem:s12+$0xA0E0] =	vst v7;
	v5 =	vld [tilespmem:s15+$0xE0]  }
0x21d: {  	v7 =	vld [tilespmem:s8+$0xF0];
	[tilespmem:s2+$0xA0E0] =	vst v8  }
0x21e: {  	[tilespmem:s12+$0xF220] =	vst v9;
	v8 =	vld [tilespmem:s4+$0xF0]  }
0x21f: {  	v9 =	vld [tilespmem:s8+$0x2F0];
	[tilespmem:s18+$0xA1C0] =	vst v6  }
0x220: {  	v6 =	vld [tilespmem:s19+$0x1D0];
	[tilespmem:s6+$0xF2E0] =	vst v4  }
0x221: {  	[tilespmem:s20+$0xA1A0] =	vst v3;
	v3 =	vld [tilespmem:s7+$0x1B0]  }
0x222: {  	[tilespmem:s12+$0xA0F0] =	vst v7;
	v7 =	vld [tilespmem:s1+$0x1B0]  }
0x223: {  	v4 =	vld [tilespmem:s8+$0x100];
	[tilespmem:s2+$0xA0F0] =	vst v8  }
0x224: {  	[tilespmem:s12+$0xF230] =	vst v9;
	v8 =	vld [tilespmem:s4+$0x100]  }
0x225: {  	v9 =	vld [tilespmem:s8+$0x300];
	[tilespmem:s18+$0xA1D0] =	vst v6  }
0x226: {  	[tilespmem:s22+$0xF220] =	vst v5;
	v5 =	vld [tilespmem:s19+$0x1E0]  }
0x227: {  	v6 =	vld [tilespmem:s15+$0xF0];
	[tilespmem:s6+$0xF2F0] =	vst v3  }
0x228: {  	[tilespmem:s12+$0xA100] =	vst v4;
	v4 =	vld [tilespmem:s19+$0x3C0]  }
0x229: {  	v10 =	vld [tilespmem:s8+$0x110];
	[tilespmem:s2+$0xA100] =	vst v8  }
0x22a: {  	v11 =	vld [tilespmem:s4+$0x110];
	[tilespmem:s20+$0xA1B0] =	vst v7  }
0x22b: {  	[tilespmem:s18+$0xA1E0] =	vst v5;
	v12 =	vld [tilespmem:s1+$0x1C0]  }
.Ltmp0:
0x22c: {  	[tilespmem:s22+$0xF230] =	vst v6;
	v3 =	vld [tilespmem:s19+$0x1F0];
	(pc) =	sbr.rel @p1 .LBB2_3-.Ltmp0, $4  }
0x22d: {  	[tilespmem:s12+$0xF240] =	vst v9;
	v8 =	vld [tilespmem:s15+$0x100]  }
0x22e: {  	[tilespmem:s12+$0xA110] =	vst v10;
	v5 =	vld [tilespmem:s7+$0x1C0]  }
0x22f: {  	v7 =	vld [tilespmem:s8+$0x120];
	[tilespmem:s2+$0xA110] =	vst v11  }
0x230: {  	s3 =	smov.u32 s17;
	v6 =	vld [tilespmem:s4+$0x120];
	[tilespmem:s20+$0xA1C0] =	vst v12  }
0x231: {  	_ = 	snop  }
0x232: {  	v9 =	vld [tilespmem:s8+$0x310];
	[tilespmem:s22+$0xF240] =	vst v8  }
0x233: {  	v8 =	vld [tilespmem:s15+$0x110];
	_ =	sdelay $0x3  }
0x234: {  	[tilespmem:s12+$0xF250] =	vst v9  }
0x235: {  	v9 =	vld [tilespmem:s8+$0x320];
	[tilespmem:s22+$0xF250] =	vst v8  }
0x236: {  	v8 =	vld [tilespmem:s15+$0x120]  }
0x237: {  	[tilespmem:s12+$0xA120] =	vst v7  }
0x238: {  	v7 =	vld [tilespmem:s8+$0x130];
	[tilespmem:s2+$0xA120] =	vst v6  }
0x239: {  	v6 =	vld [tilespmem:s4+$0x130]  }
0x23a: {  	[tilespmem:s12+$0xF260] =	vst v9  }
0x23b: {  	v9 =	vld [tilespmem:s8+$0x330];
	[tilespmem:s22+$0xF260] =	vst v8  }
0x23c: {  	v8 =	vld [tilespmem:s15+$0x130]  }
0x23d: {  	[tilespmem:s12+$0xA130] =	vst v7  }
0x23e: {  	[tilespmem:s2+$0xA130] =	vst v6;
	v6 =	vld [tilespmem:s8+$0x140]  }
0x23f: {  	v7 =	vld [tilespmem:s4+$0x140]  }
0x240: {  	[tilespmem:s12+$0xF270] =	vst v9  }
0x241: {  	v9 =	vld [tilespmem:s8+$0x340];
	[tilespmem:s22+$0xF270] =	vst v8  }
0x242: {  	v8 =	vld [tilespmem:s15+$0x140]  }
0x243: {  	[tilespmem:s12+$0xA140] =	vst v6  }
0x244: {  	[tilespmem:s2+$0xA140] =	vst v7;
	v6 =	vld [tilespmem:s8+$0x150]  }
0x245: {  	v7 =	vld [tilespmem:s4+$0x150]  }
0x246: {  	[tilespmem:s12+$0xF280] =	vst v9  }
0x247: {  	v9 =	vld [tilespmem:s8+$0x350];
	[tilespmem:s22+$0xF280] =	vst v8  }
0x248: {  	v8 =	vld [tilespmem:s15+$0x150]  }
0x249: {  	[tilespmem:s12+$0xA150] =	vst v6  }
0x24a: {  	[tilespmem:s2+$0xA150] =	vst v7;
	v6 =	vld [tilespmem:s8+$0x160]  }
0x24b: {  	v7 =	vld [tilespmem:s4+$0x160]  }
0x24c: {  	[tilespmem:s12+$0xF290] =	vst v9  }
0x24d: {  	v9 =	vld [tilespmem:s8+$0x360];
	[tilespmem:s22+$0xF290] =	vst v8  }
0x24e: {  	v8 =	vld [tilespmem:s15+$0x160]  }
0x24f: {  	[tilespmem:s12+$0xA160] =	vst v6  }
0x250: {  	v6 =	vld [tilespmem:s8+$0x170];
	[tilespmem:s2+$0xA160] =	vst v7  }
0x251: {  	v7 =	vld [tilespmem:s4+$0x170]  }
0x252: {  	[tilespmem:s12+$0xF2A0] =	vst v9  }
0x253: {  	v9 =	vld [tilespmem:s8+$0x370];
	[tilespmem:s22+$0xF2A0] =	vst v8  }
0x254: {  	v8 =	vld [tilespmem:s15+$0x170]  }
0x255: {  	[tilespmem:s12+$0xA170] =	vst v6  }
0x256: {  	v6 =	vld [tilespmem:s8+$0x180];
	[tilespmem:s2+$0xA170] =	vst v7  }
0x257: {  	v7 =	vld [tilespmem:s4+$0x180]  }
0x258: {  	[tilespmem:s12+$0xF2B0] =	vst v9  }
0x259: {  	v9 =	vld [tilespmem:s8+$0x380];
	[tilespmem:s22+$0xF2B0] =	vst v8  }
0x25a: {  	v8 =	vld [tilespmem:s15+$0x180]  }
0x25b: {  	[tilespmem:s12+$0xA180] =	vst v6  }
0x25c: {  	v6 =	vld [tilespmem:s8+$0x190];
	[tilespmem:s2+$0xA180] =	vst v7  }
0x25d: {  	v7 =	vld [tilespmem:s4+$0x190]  }
0x25e: {  	[tilespmem:s12+$0xF2C0] =	vst v9  }
0x25f: {  	v9 =	vld [tilespmem:s8+$0x390];
	[tilespmem:s22+$0xF2C0] =	vst v8  }
0x260: {  	v8 =	vld [tilespmem:s15+$0x190]  }
0x261: {  	[tilespmem:s12+$0xA190] =	vst v6  }
0x262: {  	v6 =	vld [tilespmem:s8+$0x1A0];
	[tilespmem:s2+$0xA190] =	vst v7  }
0x263: {  	[tilespmem:s18+$0xF300] =	vst v4;
	v7 =	vld [tilespmem:s4+$0x1A0]  }
0x264: {  	[tilespmem:s12+$0xF2D0] =	vst v9;
	v9 =	vld [tilespmem:s1+$0x1D0]  }
0x265: {  	v4 =	vld [tilespmem:s8+$0x3A0];
	[tilespmem:s22+$0xF2D0] =	vst v8  }
0x266: {  	[tilespmem:s6+$0xF300] =	vst v5;
	v8 =	vld [tilespmem:s15+$0x1A0]  }
0x267: {  	[tilespmem:s12+$0xA1A0] =	vst v6  }
0x268: {  	v5 =	vld [tilespmem:s7+$0x1D0];
	[tilespmem:s2+$0xA1A0] =	vst v7  }
0x269: {  	v6 =	vld [tilespmem:s8+$0x1B0];
	s3 =	rddreg [dreg:$0x7];
	[tilespmem:s20+$0xA1D0] =	vst v9  }
0x26a: {  	v7 =	vld [tilespmem:s4+$0x1B0];
	[tilespmem:s12+$0xF2E0] =	vst v4  }
0x26b: {  	s0 =	sshll.u32 s16, $0x5;
	v9 =	vld [tilespmem:s8+$0x3B0];
	[tilespmem:s22+$0xF2E0] =	vst v8  }
0x26c: {  	s17 =	sor.u32 s3, s0;
	v4 =	vld [tilespmem:s15+$0x1B0]  }
0x26d: {  	[tilespmem:s6+$0xF310] =	vst v5;
	s0 =	smin.u32 s17, $0x9F  }
0x26e: {  	v10 =	vld [tilespmem:s19+$0x3D0];
	[tilespmem:s12+$0xA1B0] =	vst v6;
	s21 =	sand.u32 $0x7, s0  }
0x26f: {  	[tilespmem:s2+$0xA1B0] =	vst v7;
	v5 =	vld [tilespmem:s1+$0x1E0];
	v8 =	vmov s21  }
0x270: {  	vm1 =	veq.s32 v8, v0;
	v8 =	vld [tilespmem:s8+$0x1C0];
	[tilespmem:s12+$0xF2F0] =	vst v9  }
0x271: {  	v6 =	vnsel vm1, $0x0, v2;
	[tilespmem:s22+$0xF2F0] =	vst v4;
	v4 =	vld [tilespmem:s4+$0x1C0]  }
0x272: {  	(xrf0) =	vadd.scan.msk.s32 $0xffff, v6;
	v7 =	vld [tilespmem:s8+$0x3C0]  }
0x273: {  	[tilespmem:s18+$0xF310] =	vst v10;
	v6 =	vld [tilespmem:s15+$0x1C0]  }
0x274: {  	[tilespmem:s20+$0xA1E0] =	vst v5  }
0x275: {  	v5 =	vld [tilespmem:s19+$0x3E0];
	[tilespmem:s12+$0xA1C0] =	vst v8  }
0x276: {  	v8 =	vld [tilespmem:s8+$0x1D0];
	[tilespmem:s2+$0xA1C0] =	vst v4  }
0x277: {  	[tilespmem:s12+$0xF300] =	vst v7;
	v10 =	vld [tilespmem:s4+$0x1D0]  }
0x278: {  	v4, _, _ =	vpop (xrf0);
	[tilespmem:s22+$0xF300] =	vst v6;
	v6 =	vld [tilespmem:s8+$0x3D0]  }
0x279: {  	[tilespmem:s18+$0xA1F0] =	vst v3;
	(v2sf) =	vpush v4, $0xF;
	v4 =	vld [tilespmem:s15+$0x1D0]  }
0x27a: {  	v9 =	vld [tilespmem:s7+$0x1E0];
	[tilespmem:s18+$0xF320] =	vst v5  }
0x27b: {  	v5 =	vld [tilespmem:s1+$0x1F0];
	[tilespmem:s12+$0xA1D0] =	vst v8  }
0x27c: {  	v7 =	vld [tilespmem:s8+$0x1E0];
	[tilespmem:s2+$0xA1D0] =	vst v10  }
0x27d: {  	[tilespmem:s12+$0xF310] =	vst v6;
	v8 =	vld [tilespmem:s4+$0x1E0]  }
0x27e: {  	[tilespmem:s22+$0xF310] =	vst v4;
	v3 =	vld [tilespmem:s8+$0x3E0]  }
0x27f: {  	[tilespmem:s6+$0xF320] =	vst v9;
	v4 =	vld [tilespmem:s15+$0x1E0]  }
0x280: {  	[tilespmem:s20+$0xA1F0] =	vst v5;
	v5 =	vld [tilespmem:s19+$0x3F0]  }
0x281: {  	v6 =	vld [tilespmem:s7+$0x1F0];
	[tilespmem:s12+$0xA1E0] =	vst v7  }
0x282: {  	v7 =	vld [tilespmem:s8+$0x1F0];
	[tilespmem:s2+$0xA1E0] =	vst v8  }
0x283: {  	[tilespmem:s12+$0xF320] =	vst v3;
	v8 =	vld [tilespmem:s4+$0x1F0]  }
0x284: {  	[tilespmem:s22+$0xF320] =	vst v4;
	v4 =	vld [tilespmem:s8+$0x3F0]  }
0x285: {  	[tilespmem:s18+$0xF330] =	vst v5;
	v3 =	vld [tilespmem:s15+$0x1F0]  }
0x286: {  	[tilespmem:s6+$0xF330] =	vst v6  }
0x287: {  	s0 =	sshll.u32 s0, $0xF;
	[tilespmem:s12+$0xA1F0] =	vst v7  }
0x288: {  	s0 =	sadd.s32 $0x100000, s0;
	s5 =	spop (v2sf);
	[tilespmem:s2+$0xA1F0] =	vst v8  }
0x289: {  	s0 =	sand.u32 $0xFC0000, s0;
	s1 =	sshll.u32 s5, $0x9;
	[tilespmem:s12+$0xF330] =	vst v4  }
0x28a: {  	s0 =	sadd.s32 s0, s1;
	[tilespmem:s22+$0xF330] =	vst v3  }
0x28b: {  	s0 =	sshrl.u32 s0, $0x3;
	s6 =	rddreg [dreg:$0x3]  }
0x28c: {  	s7 =	simm.s32 $0x0;
	s0 =	sadd.s32 s6, s0  }
0x28d: {  	[tilespmem:s7], [sflag:$0x1] =	stream.linear.gather [hbm4b:s0+s7], $0xA000, $0x38;
	[tilespmem:$0x1CFF0] =	vst v63  }
0x28e: {  	v4 =	vld [tilespmem:s13+$0x1BBE0];
	_ =	sdelay $0x2  }
0x28f: {  	v5 =	vld [tilespmem:s13+$0x1BC00]  }
0x290: {  	s8 =	simm.s32 $0x2  }
0x291: {  	v6 =	vmov s8;
	v3 =	vld [tilespmem:s11+$0x1BDE0];
	v11 =	vmul.u32 $0x208, v4  }
0x292: {  	v7 =	vand.u32 $0x1F8, v6;
	v8 =	vand.u32 $0x6, v6;
	v6 =	vld [tilespmem:s11+$0x1BE40]  }
0x293: {  	v10 =	vld [tilespmem:s11+$0x1BE80];
	v9 =	vadd.s32 v11, v7  }
0x294: {  	v4 =	vld [tilespmem:s11+$0x1BE00];
	v12 =	vmul.u32 $0x208, v5;
	v13 =	vor.u32 v8, v9  }
0x295: {  	v5 =	vld [tilespmem:s11+$0x1BE20]  }
0x296: {  	v9 =	vadd.s32 v12, v7;
	v7 =	vld [tilespmem:s11+$0x1BE60]  }
0x297: {  	v14 =	vor.u32 v8, v9;
	v8 =	vld [tilespmem:s11+$0x1BEA0]  }
0x298: {  	v9 =	vld [tilespmem:s11+$0x1BEC0]  }
0x299: {  	v15 =	vld.idx.msk [tilespmem:v13+s23+$0x0], $0xffff  }
0x29a: {  	v17 =	vld.idx.msk [tilespmem:v13+s24+$0x0], $0xffff  }
0x29b: {  	v20 =	vmov s7;
	v19 =	vld.idx.msk [tilespmem:v13+s25+$0x0], $0xffff  }
0x29c: {  	v22 =	vand.u32 $0x1F8, v20;
	s12 =	simm.s32 $0x6;
	v13 =	vld.idx.msk [tilespmem:v13+s26+$0x0], $0xffff  }
0x29d: {  	v20 =	vand.u32 $0x4, v20;
	v27 =	vmov s12;
	v23 =	vadd.s32 v11, v22;
	v16 =	vld.idx.msk [tilespmem:v14+s23+$0x0], $0xffff  }
0x29e: {  	v30 =	vand.u32 $0x1F8, v27;
	v22 =	vadd.s32 v12, v22;
	v23 =	vor.u32 v20, v23;
	v18 =	vld.idx.msk [tilespmem:v14+s24+$0x0], $0xffff  }
0x29f: {  	v27 =	vand.u32 $0x6, v27;
	v32 =	vadd.s32 v11, v30;
	v20 =	vor.u32 v20, v22;
	v21 =	vld.idx.msk [tilespmem:v14+s25+$0x0], $0xffff  }
0x2a0: {  	v30 =	vadd.s32 v12, v30;
	v32 =	vor.u32 v27, v32;
	v14 =	vld.idx.msk [tilespmem:v14+s26+$0x0], $0xffff  }
0x2a1: {  	v27 =	vor.u32 v27, v30  }
0x2a2: {  	v15 =	vmul.f32 v15, v3;
	v17 =	vmul.f32 v17, v5  }
0x2a3: {  	v22 =	vld.idx.msk [tilespmem:v23+s23+$0x0], $0xffff;
	v19 =	vmul.f32 v19, v7;
	v13 =	vmul.f32 v13, v8  }
0x2a4: {  	v25 =	vld.idx.msk [tilespmem:v20+s24+$0x0], $0xffff;
	v16 =	vmul.f32 v16, v4;
	v18 =	vmul.f32 v18, v6  }
0x2a5: {  	v38 =	vld.idx.msk [tilespmem:v32+s23+$0x0], $0xffff;
	v21 =	vmul.f32 v21, v10;
	v14 =	vmul.f32 v14, v9  }
0x2a6: {  	v39 =	vld.idx.msk [tilespmem:v27+s23+$0x0], $0xffff;
	v15 =	vadd.f32 v16, v15;
	v16 =	vadd.f32 v18, v17  }
0x2a7: {  	s9 =	simm.s32 $0x3;
	v18 =	vld.idx.msk [tilespmem:v20+s23+$0x0], $0xffff;
	v19 =	vadd.f32 v21, v19;
	v13 =	vadd.f32 v14, v13  }
0x2a8: {  	v40 =	vld.idx.msk [tilespmem:v32+s24+$0x0], $0xffff;
	v22 =	vmul.f32 v22, v3;
	v17 =	vmov s9  }
0x2a9: {  	v21 =	vld.idx.msk [tilespmem:v23+s24+$0x0], $0xffff;
	v14 =	vand.u32 $0x1F8, v17;
	v15 =	vadd.f32 v16, v15;
	v13 =	vadd.f32 v13, v19  }
0x2aa: {  	s10 =	simm.s32 $0x4;
	v17 =	vand.u32 $0x7, v17;
	v24 =	vadd.s32 v11, v14;
	v14 =	vadd.s32 v12, v14;
	v19 =	vld.idx.msk [tilespmem:v23+s25+$0x0], $0xffff  }
0x2ab: {  	v16 =	vor.u32 v17, v24;
	v13 =	vadd.f32 v13, v15;
	v15 =	vld.idx.msk [tilespmem:v23+s26+$0x0], $0xffff;
	v23 =	vmov s10  }
0x2ac: {  	v14 =	vor.u32 v17, v14;
	v17 =	vld.idx.msk [tilespmem:v20+s25+$0x0], $0xffff;
	v26 =	vand.u32 $0x1F8, v23;
	v18 =	vmul.f32 v18, v4  }
0x2ad: {  	v20 =	vld.idx.msk [tilespmem:v20+s26+$0x0], $0xffff;
	v23 =	vand.u32 $0x4, v23;
	v29 =	vadd.s32 v11, v26;
	v26 =	vadd.s32 v12, v26  }
0x2ae: {  	v29 =	vor.u32 v23, v29;
	v18 =	vadd.f32 v18, v22;
	v22 =	vor.u32 v23, v26;
	v23 =	vld.idx.msk [tilespmem:v27+s24+$0x0], $0xffff  }
0x2af: {  	s1 =	simm.s32 $0x14AA0;
	v26 =	vld.idx.msk [tilespmem:v27+s25+$0x0], $0xffff  }
0x2b0: {  	[tilespmem:s1+$0x28] =	vst v13;
	v27 =	vld.idx.msk [tilespmem:v27+s26+$0x0], $0xffff  }
0x2b1: {  	s20 =	simm.s32 $0xA;
	v13 =	vld.idx.msk [tilespmem:v16+s23+$0x0], $0xffff  }
0x2b2: {  	v54 =	vmov s20;
	v24 =	vld.idx.msk [tilespmem:v14+s23+$0x0], $0xffff  }
0x2b3: {  	s14 =	simm.s32 $0x1;
	s19 =	simm.s32 $0x8;
	v57 =	vand.u32 $0x1F8, v54;
	v28 =	vld.idx.msk [tilespmem:v16+s24+$0x0], $0xffff  }
0x2b4: {  	v52 =	vmov s19;
	v59 =	vadd.s32 v11, v57;
	v30 =	vmov s14;
	v31 =	vld.idx.msk [tilespmem:v14+s24+$0x0], $0xffff  }
0x2b5: {  	v35 =	vand.u32 $0x1F8, v30;
	v30 =	vand.u32 $0x5, v30;
	v25 =	vmul.f32 v25, v6;
	v33 =	vld.idx.msk [tilespmem:v16+s25+$0x0], $0xffff  }
0x2b6: {  	v37 =	vadd.s32 v11, v35;
	v38 =	vmul.f32 v38, v3;
	v21 =	vmul.f32 v21, v5;
	v34 =	vld.idx.msk [tilespmem:v14+s25+$0x0], $0xffff  }
0x2b7: {  	v35 =	vadd.s32 v12, v35;
	v19 =	vmul.f32 v19, v7;
	v16 =	vld.idx.msk [tilespmem:v16+s26+$0x0], $0xffff;
	v17 =	vmul.f32 v17, v10  }
0x2b8: {  	v39 =	vmul.f32 v39, v4;
	v40 =	vmul.f32 v40, v5;
	v21 =	vadd.f32 v25, v21;
	v14 =	vld.idx.msk [tilespmem:v14+s26+$0x0], $0xffff  }
0x2b9: {  	s15 =	simm.s32 $0x5;
	v20 =	vmul.f32 v20, v9;
	v15 =	vmul.f32 v15, v8;
	v17 =	vadd.f32 v17, v19;
	v19 =	vld.idx.msk [tilespmem:v32+s25+$0x0], $0xffff  }
0x2ba: {  	v25 =	vor.u32 v30, v37;
	v18 =	vadd.f32 v21, v18;
	v21 =	vmov s15;
	v36 =	vld.idx.msk [tilespmem:v29+s23+$0x0], $0xffff  }
0x2bb: {  	v15 =	vadd.f32 v20, v15;
	v20 =	vor.u32 v30, v35;
	v30 =	vand.u32 $0x1F8, v21;
	v46 =	vld.idx.msk [tilespmem:v22+s23+$0x0], $0xffff  }
0x2bc: {  	v21 =	vand.u32 $0x5, v21;
	v48 =	vld.idx.msk [tilespmem:v29+s24+$0x0], $0xffff;
	v23 =	vmul.f32 v23, v6;
	v27 =	vmul.f32 v27, v9  }
0x2bd: {  	v41 =	vld.idx.msk [tilespmem:v22+s24+$0x0], $0xffff;
	v15 =	vadd.f32 v15, v17;
	v13 =	vmul.f32 v13, v3;
	v17 =	vmul.f32 v24, v4  }
0x2be: {  	v47 =	vadd.s32 v11, v30;
	v24 =	vld.idx.msk [tilespmem:v32+s26+$0x0], $0xffff;
	v28 =	vmul.f32 v28, v5;
	v31 =	vmul.f32 v31, v6  }
0x2bf: {  	v30 =	vadd.s32 v12, v30;
	v42 =	vld.idx.msk [tilespmem:v22+s25+$0x0], $0xffff;
	v63 =	vmul.f32 v33, v7;
	v45 =	vmul.f32 v34, v10  }
0x2c0: {  	v16 =	vmul.f32 v16, v8;
	v15 =	vadd.f32 v15, v18;
	v18 =	vld.idx.msk [tilespmem:v29+s25+$0x0], $0xffff;
	v17 =	vadd.f32 v17, v13  }
0x2c1: {  	v13 =	vmul.f32 v19, v7;
	v19 =	vmul.f32 v26, v10;
	v26 =	vadd.f32 v31, v28;
	v28 =	vld.idx.msk [tilespmem:v29+s26+$0x0], $0xffff  }
0x2c2: {  	s18 =	simm.s32 $0x7;
	v35 =	vand.u32 $0x6, v54;
	v14 =	vmul.f32 v14, v9;
	v23 =	vadd.f32 v23, v40;
	[tilespmem:s1+$0x0] =	vst v15;
	v15 =	vld.idx.msk [tilespmem:v22+s26+$0x0], $0xffff  }
0x2c3: {  	v29 =	vmov s18;
	v22 =	vadd.f32 v39, v38;
	v24 =	vmul.f32 v24, v8;
	v49 =	vld.idx.msk [tilespmem:v20+s23+$0x0], $0xffff  }
0x2c4: {  	v13 =	vadd.f32 v19, v13;
	v51 =	vmul.f32 v42, v10;
	v42 =	vor.u32 v35, v59;
	v50 =	vld.idx.msk [tilespmem:v25+s24+$0x0], $0xffff  }
0x2c5: {  	v17 =	vadd.f32 v26, v17;
	v26 =	vld.idx.msk [tilespmem:v20+s25+$0x0], $0xffff;
	v19 =	vadd.f32 v27, v24;
	v24 =	vand.u32 $0x1F8, v29  }
0x2c6: {  	v27 =	vld.idx.msk [tilespmem:v25+s23+$0x0], $0xffff;
	v29 =	vand.u32 $0x7, v29;
	v31 =	vadd.s32 v11, v24;
	v24 =	vadd.s32 v12, v24  }
0x2c7: {  	v40 =	vadd.s32 v12, v57;
	v14 =	vadd.f32 v14, v16;
	v16 =	vor.u32 v29, v24;
	v24 =	vld.idx.msk [tilespmem:v20+s24+$0x0], $0xffff  }
0x2c8: {  	v32 =	vadd.f32 v45, v63;
	v22 =	vadd.f32 v23, v22;
	v28 =	vmul.f32 v28, v8;
	v20 =	vld.idx.msk [tilespmem:v20+s26+$0x0], $0xffff  }
0x2c9: {  	v23 =	vadd.f32 v19, v13;
	v31 =	vor.u32 v29, v31;
	v19 =	vor.u32 v21, v47;
	v63 =	vld.idx.msk [tilespmem:v42+s23+$0x0], $0xffff  }
0x2ca: {  	v13 =	vor.u32 v21, v30;
	v29 =	vmul.f32 v46, v4;
	v30 =	vmul.f32 v48, v5;
	v54 =	vld.idx.msk [tilespmem:v42+s25+$0x0], $0xffff  }
0x2cb: {  	v15 =	vmul.f32 v15, v9;
	v57 =	vld.idx.msk [tilespmem:v42+s26+$0x0], $0xffff;
	v60 =	vmul.f32 v49, v4;
	v21 =	vadd.f32 v23, v22  }
0x2cc: {  	s2 =	simm.s32 $0x14AF0;
	v14 =	vadd.f32 v14, v32;
	v61 =	vmul.f32 v50, v5;
	v26 =	vmul.f32 v26, v10;
	v22 =	vld.idx.msk [tilespmem:v25+s25+$0x0], $0xffff  }
0x2cd: {  	v33 =	vand.u32 $0x4, v52;
	v23 =	vmul.f32 v36, v3;
	v15 =	vadd.f32 v15, v28;
	[tilespmem:s2+$0x28] =	vst v21;
	v21 =	vld.idx.msk [tilespmem:v25+s26+$0x0], $0xffff  }
0x2ce: {  	v27 =	vmul.f32 v27, v3;
	v25 =	vadd.f32 v14, v17;
	v17 =	vmul.f32 v18, v7;
	v18 =	vld.idx.msk [tilespmem:v31+s23+$0x0], $0xffff  }
0x2cf: {  	s21 =	simm.s32 $0x9;
	v14 =	vmul.f32 v41, v6;
	v23 =	vadd.f32 v29, v23;
	v29 =	vand.u32 $0x1F8, v52;
	v53 =	vld.idx.msk [tilespmem:v16+s23+$0x0], $0xffff  }
0x2d0: {  	v28 =	vmov s21;
	v55 =	vld.idx.msk [tilespmem:v31+s24+$0x0], $0xffff;
	v56 =	vadd.s32 v11, v29;
	v27 =	vadd.f32 v60, v27  }
0x2d1: {  	v58 =	vld.idx.msk [tilespmem:v16+s24+$0x0], $0xffff;
	v20 =	vmul.f32 v20, v9;
	v14 =	vadd.f32 v14, v30;
	v17 =	vadd.f32 v51, v17  }
0x2d2: {  	v43 =	vld.idx.msk [tilespmem:v31+s25+$0x0], $0xffff;
	v37 =	vor.u32 v33, v56;
	v30 =	vor.u32 v35, v40;
	v22 =	vmul.f32 v22, v7  }
0x2d3: {  	v44 =	vld.idx.msk [tilespmem:v16+s25+$0x0], $0xffff;
	v14 =	vadd.f32 v14, v23;
	v23 =	vadd.s32 v12, v29;
	v15 =	vadd.f32 v15, v17  }
0x2d4: {  	v31 =	vld.idx.msk [tilespmem:v31+s26+$0x0], $0xffff;
	v17 =	vand.u32 $0x1F8, v28;
	v28 =	vand.u32 $0x5, v28;
	v23 =	vor.u32 v33, v23  }
0x2d5: {  	v16 =	vld.idx.msk [tilespmem:v16+s26+$0x0], $0xffff;
	v62 =	vadd.s32 v11, v17;
	v21 =	vmul.f32 v21, v8;
	v33 =	vmul.f32 v54, v7  }
0x2d6: {  	v49 =	vld.idx.msk [tilespmem:v42+s24+$0x0], $0xffff;
	v48 =	vadd.f32 v15, v14;
	v15 =	vmul.f32 v24, v6;
	v18 =	vmul.f32 v18, v3  }
0x2d7: {  	v17 =	vadd.s32 v12, v17;
	v34 =	vmul.f32 v53, v4;
	v36 =	vmul.f32 v55, v5;
	v29 =	vld.idx.msk [tilespmem:v37+s23+$0x0], $0xffff  }
0x2d8: {  	v22 =	vadd.f32 v26, v22;
	v50 =	vmul.f32 v58, v6;
	v52 =	vmul.f32 v43, v7;
	v24 =	vld.idx.msk [tilespmem:v30+s23+$0x0], $0xffff  }
0x2d9: {  	v14 =	vor.u32 v28, v62;
	v53 =	vmul.f32 v44, v10;
	v31 =	vmul.f32 v31, v8;
	v51 =	vld.idx.msk [tilespmem:v30+s24+$0x0], $0xffff  }
0x2da: {  	v55 =	vmul.f32 v16, v9;
	v56 =	vld.idx.msk [tilespmem:v30+s25+$0x0], $0xffff;
	v20 =	vadd.f32 v20, v21;
	v15 =	vadd.f32 v15, v61  }
0x2db: {  	v16 =	vor.u32 v28, v17;
	v30 =	vld.idx.msk [tilespmem:v30+s26+$0x0], $0xffff;
	v18 =	vadd.f32 v34, v18;
	v17 =	vadd.f32 v50, v36  }
0x2dc: {  	v58 =	vld.idx.msk [tilespmem:v37+s25+$0x0], $0xffff;
	v28 =	vadd.f32 v53, v52;
	v31 =	vadd.f32 v55, v31;
	[tilespmem:s2+$0x0] =	vst v48  }
0x2dd: {  	v21 =	vmul.f32 v49, v5;
	v61 =	vld.idx.msk [tilespmem:v19+s23+$0x0], $0xffff;
	v15 =	vadd.f32 v15, v27;
	v17 =	vadd.f32 v17, v18  }
0x2de: {  	v27 =	vld.idx.msk [tilespmem:v23+s23+$0x0], $0xffff;
	v18 =	vadd.f32 v31, v28;
	v31 =	vmul.f32 v63, v3;
	v29 =	vmul.f32 v29, v3  }
0x2df: {  	v26 =	vld.idx.msk [tilespmem:v23+s24+$0x0], $0xffff;
	v24 =	vmul.f32 v24, v4;
	v32 =	vmul.f32 v51, v6  }
0x2e0: {  	v59 =	vld.idx.msk [tilespmem:v23+s25+$0x0], $0xffff;
	v18 =	vadd.f32 v18, v17;
	v34 =	vmul.f32 v56, v10;
	v17 =	vadd.f32 v20, v22  }
0x2e1: {  	s22 =	simm.s32 $0xB;
	v60 =	vld.idx.msk [tilespmem:v23+s26+$0x0], $0xffff;
	v20 =	vmul.f32 v57, v8;
	v22 =	vmul.f32 v30, v9;
	v23 =	vadd.f32 v24, v31  }
0x2e2: {  	[tilespmem:s1+$0x2828] =	vst v25;
	v28 =	vld.idx.msk [tilespmem:v37+s24+$0x0], $0xffff;
	v21 =	vadd.f32 v32, v21;
	v24 =	vmov s22;
	v25 =	vadd.f32 v34, v33  }
0x2e3: {  	v37 =	vld.idx.msk [tilespmem:v37+s26+$0x0], $0xffff;
	v20 =	vadd.f32 v22, v20;
	[tilespmem:s2+$0x2828] =	vst v18;
	v22 =	vand.u32 $0x1F8, v24;
	v18 =	vand.u32 $0x7, v24  }
0x2e4: {  	v62 =	vld.idx.msk [tilespmem:v13+s23+$0x0], $0xffff;
	v26 =	vmul.f32 v26, v6;
	v24 =	vadd.s32 v11, v22;
	v30 =	vadd.s32 v12, v22  }
0x2e5: {  	v31 =	vadd.f32 v21, v23;
	v20 =	vadd.f32 v20, v25;
	v22 =	vld.idx.msk [tilespmem:v19+s24+$0x0], $0xffff;
	v23 =	vor.u32 v18, v24  }
0x2e6: {  	v35 =	vmul.f32 v59, v10;
	v32 =	vmul.f32 v60, v9;
	v21 =	vld.idx.msk [tilespmem:v13+s24+$0x0], $0xffff;
	v24 =	vor.u32 v18, v30  }
0x2e7: {  	v25 =	vmul.f32 v27, v4;
	v27 =	vmul.f32 v28, v5;
	v18 =	vld.idx.msk [tilespmem:v13+s25+$0x0], $0xffff;
	v63 =	vadd.f32 v20, v31  }
0x2e8: {  	s4 =	simm.s32 $0x14B40;
	v28 =	vmul.f32 v58, v7;
	v30 =	vmul.f32 v37, v8;
	v20 =	vld.idx.msk [tilespmem:v19+s25+$0x0], $0xffff  }
0x2e9: {  	v29 =	vadd.f32 v25, v29;
	v31 =	vadd.f32 v26, v27;
	v19 =	vld.idx.msk [tilespmem:v19+s26+$0x0], $0xffff;
	[tilespmem:s4+$0x28] =	vst v63  }
0x2ea: {  	s6 =	simm.s32 $0x4;
	s7 =	simm.s32 $0xC;
	v28 =	vadd.f32 v35, v28;
	v25 =	vmul.f32 v61, v3;
	v26 =	vmul.f32 v62, v4;
	v27 =	vld.idx.msk [tilespmem:v23+s23+$0x0], $0xffff  }
.LBB2_5:
0x2eb: {  	v33 =	vmov s7;
	s0 =	sadd.s32 $0x1, s7;
	s3 =	sadd.s32 $0x2, s7;
	v30 =	vadd.f32 v32, v30;
	v29 =	vadd.f32 v31, v29;
	v31 =	vld.idx.msk [tilespmem:v24+s23+$0x0], $0xffff  }
0x2ec: {  	v32 =	vand.u32 $0x1F8, v33;
	v33 =	vand.u32 $0x4, v33;
	v34 =	vmov s3;
	v35 =	vld.idx.msk [tilespmem:v23+s24+$0x0], $0xffff  }
0x2ed: {  	v36 =	vadd.s32 v11, v32;
	v32 =	vadd.s32 v12, v32;
	v37 =	vand.u32 $0x1F8, v34;
	v38 =	vld.idx.msk [tilespmem:v24+s24+$0x0], $0xffff  }
0x2ee: {  	v34 =	vand.u32 $0x6, v34;
	v36 =	vor.u32 v33, v36;
	v39 =	vadd.s32 v11, v37;
	v40 =	vld.idx.msk [tilespmem:v23+s25+$0x0], $0xffff  }
0x2ef: {  	v32 =	vor.u32 v33, v32;
	v37 =	vadd.s32 v12, v37;
	v33 =	vor.u32 v34, v39;
	v39 =	vld.idx.msk [tilespmem:v24+s25+$0x0], $0xffff  }
0x2f0: {  	v41 =	vmov s0;
	v28 =	vadd.f32 v30, v28;
	v34 =	vor.u32 v34, v37;
	v23 =	vld.idx.msk [tilespmem:v23+s26+$0x0], $0xffff  }
0x2f1: {  	v22 =	vmul.f32 v22, v5;
	v30 =	vand.u32 $0x1F8, v41;
	v37 =	vand.u32 $0x5, v41;
	v24 =	vld.idx.msk [tilespmem:v24+s26+$0x0], $0xffff  }
0x2f2: {  	v41 =	vadd.s32 v11, v30;
	v30 =	vadd.s32 v12, v30;
	v28 =	vadd.f32 v28, v29;
	v29 =	vld.idx.msk [tilespmem:v13+s26+$0x0], $0xffff  }
0x2f3: {  	v21 =	vmul.f32 v21, v6;
	v41 =	vor.u32 v37, v41;
	v30 =	vor.u32 v37, v30;
	v42 =	vld.idx.msk [tilespmem:v36+s23+$0x0], $0xffff  }
0x2f4: {  	v27 =	vmul.f32 v27, v3;
	v13 =	vmov v16;
	v37 =	vld.idx.msk [tilespmem:v33+s23+$0x0], $0xffff;
	[tilespmem:s4+$0x0] =	vst v28;
	v28 =	vmul.f32 v31, v4  }
0x2f5: {  	v25 =	vadd.f32 v26, v25;
	v16 =	vmul.f32 v35, v5;
	v35 =	vmul.f32 v38, v6;
	v31 =	vld.idx.msk [tilespmem:v34+s23+$0x0], $0xffff  }
0x2f6: {  	v21 =	vadd.f32 v21, v22;
	v38 =	vmul.f32 v40, v7;
	v39 =	vmul.f32 v39, v10;
	v26 =	vld.idx.msk [tilespmem:v33+s24+$0x0], $0xffff  }
0x2f7: {  	v17 =	vadd.f32 v17, v15;
	v23 =	vmul.f32 v23, v8;
	v24 =	vmul.f32 v24, v9;
	v22 =	vld.idx.msk [tilespmem:v34+s24+$0x0], $0xffff  }
0x2f8: {  	v20 =	vmul.f32 v20, v7;
	v16 =	vadd.f32 v35, v16;
	v27 =	vadd.f32 v28, v27;
	v40 =	vld.idx.msk [tilespmem:v33+s25+$0x0], $0xffff  }
0x2f9: {  	s6 =	sadd.s32 $0x2, s6;
	v38 =	vadd.f32 v39, v38;
	v28 =	vmul.f32 v42, v3;
	v23 =	vadd.f32 v24, v23;
	v35 =	vld.idx.msk [tilespmem:v34+s25+$0x0], $0xffff  }
0x2fa: {  	p1 =	slt.u32 s6, $0xFE;
	v18 =	vmul.f32 v18, v10;
	v19 =	vmul.f32 v19, v8;
	v15 =	vadd.f32 v21, v25;
	v24 =	vld.idx.msk [tilespmem:v33+s26+$0x0], $0xffff  }
0x2fb: {  	v25 =	vadd.f32 v16, v27;
	v27 =	vmul.f32 v29, v9;
	v23 =	vadd.f32 v23, v38;
	v21 =	vld.idx.msk [tilespmem:v34+s26+$0x0], $0xffff  }
0x2fc: {  	v18 =	vadd.f32 v18, v20;
	v16 =	vmov v30;
	v29 =	vld.idx.msk [tilespmem:v32+s23+$0x0], $0xffff;
	[tilespmem:s1+$0x2800] =	vst v17;
	s1 =	smov.u32 s2;
	s2 =	smov.u32 s4  }
0x2fd: {  	v19 =	vadd.f32 v27, v19;
	v17 =	vadd.f32 v23, v25;
	v20 =	vld.idx.msk [tilespmem:v36+s24+$0x0], $0xffff  }
0x2fe: {  	v27 =	vmul.f32 v31, v4;
	v23 =	vmul.f32 v37, v3;
	v25 =	vld.idx.msk [tilespmem:v32+s24+$0x0], $0xffff  }
0x2ff: {  	v26 =	vmul.f32 v26, v5;
	v22 =	vmul.f32 v22, v6;
	v30 =	vld.idx.msk [tilespmem:v36+s25+$0x0], $0xffff;
	[tilespmem:s4+$0x2828] =	vst v17  }
0x300: {  	v33 =	vmul.f32 v40, v7;
	v34 =	vmul.f32 v35, v10;
	v17 =	vadd.f32 v19, v18;
	v31 =	vld.idx.msk [tilespmem:v32+s25+$0x0], $0xffff  }
0x301: {  	s0 =	sadd.s32 $0x3, s7;
	v19 =	vmul.f32 v24, v8;
	v21 =	vmul.f32 v21, v9;
	v18 =	vld.idx.msk [tilespmem:v36+s26+$0x0], $0xffff  }
0x302: {  	v23 =	vadd.f32 v27, v23;
	v22 =	vadd.f32 v22, v26;
	v24 =	vmov s0;
	v32 =	vld.idx.msk [tilespmem:v32+s26+$0x0], $0xffff  }
0x303: {  	v26 =	vadd.f32 v34, v33;
	v19 =	vadd.f32 v21, v19;
	v21 =	vand.u32 $0x1F8, v24;
	v33 =	vld.idx.msk [tilespmem:v14+s23+$0x0], $0xffff  }
0x304: {  	v24 =	vand.u32 $0x7, v24;
	v27 =	vadd.s32 v11, v21;
	v21 =	vadd.s32 v12, v21;
	v34 =	vld.idx.msk [tilespmem:v13+s23+$0x0], $0xffff  }
0x305: {  	v35 =	vadd.f32 v22, v23;
	v19 =	vadd.f32 v19, v26;
	v23 =	vor.u32 v24, v27;
	v22 =	vld.idx.msk [tilespmem:v14+s24+$0x0], $0xffff  }
.Ltmp1:
0x306: {  	v26 =	vmul.f32 v29, v4;
	v27 =	vmul.f32 v20, v5;
	v24 =	vor.u32 v24, v21;
	v21 =	vld.idx.msk [tilespmem:v13+s24+$0x0], $0xffff;
	(pc) =	sbr.rel @p1 .LBB2_5-.Ltmp1, $4  }
0x307: {  	v25 =	vmul.f32 v25, v6;
	v36 =	vmul.f32 v30, v7;
	v19 =	vadd.f32 v19, v35;
	v20 =	vld.idx.msk [tilespmem:v14+s25+$0x0], $0xffff  }
0x308: {  	s4 =	sadd.s32 $0x50, s4;
	v35 =	vmul.f32 v31, v10;
	v30 =	vmul.f32 v18, v8;
	v29 =	vadd.f32 v26, v28;
	v18 =	vld.idx.msk [tilespmem:v13+s25+$0x0], $0xffff  }
0x309: {  	v31 =	vadd.f32 v25, v27;
	v32 =	vmul.f32 v32, v9;
	[tilespmem:s4+$0x28] =	vst v19;
	v19 =	vld.idx.msk [tilespmem:v14+s26+$0x0], $0xffff;
	v14 =	vmov v41  }
0x30a: {  	s7 =	sadd.s32 $0x4, s7;
	v28 =	vadd.f32 v35, v36;
	v25 =	vmul.f32 v33, v3;
	v26 =	vmul.f32 v34, v4;
	v27 =	vld.idx.msk [tilespmem:v23+s23+$0x0], $0xffff  }
0x30b: {  	_ =	sdelay $0x3  }
0x30c: {  	v11 =	vld.idx.msk [tilespmem:v24+s23+$0x0], $0xffff  }
0x30d: {  	v12 =	vadd.f32 v32, v30;
	v30 =	vld.idx.msk [tilespmem:v23+s24+$0x0], $0xffff  }
0x30e: {  	v60 =	vld.idx.msk [tilespmem:v24+s24+$0x0], $0xffff  }
0x30f: {  	v29 =	vadd.f32 v31, v29;
	v31 =	vld.idx.msk [tilespmem:v23+s25+$0x0], $0xffff;
	v12 =	vadd.f32 v12, v28  }
0x310: {  	v23 =	vld.idx.msk [tilespmem:v23+s26+$0x0], $0xffff  }
0x311: {  	v13 =	vld.idx.msk [tilespmem:v13+s26+$0x0], $0xffff;
	v12 =	vadd.f32 v12, v29  }
0x312: {  	v28 =	vld.idx.msk [tilespmem:v24+s25+$0x0], $0xffff  }
0x313: {  	v24 =	vld.idx.msk [tilespmem:v24+s26+$0x0], $0xffff;
	[tilespmem:s4+$0x0] =	vst v12  }
0x314: {  	v12 =	vld.idx.msk [tilespmem:v14+s23+$0x0], $0xffff  }
0x315: {  	v22 =	vmul.f32 v22, v5;
	v21 =	vmul.f32 v21, v6;
	v29 =	vld.idx.msk [tilespmem:v16+s23+$0x0], $0xffff  }
0x316: {  	v25 =	vadd.f32 v26, v25;
	v20 =	vmul.f32 v20, v7;
	v33 =	vld.idx.msk [tilespmem:v14+s24+$0x0], $0xffff  }
0x317: {  	v21 =	vadd.f32 v21, v22;
	v18 =	vmul.f32 v18, v10;
	v19 =	vmul.f32 v19, v8;
	v26 =	vld.idx.msk [tilespmem:v16+s24+$0x0], $0xffff  }
0x318: {  	v15 =	vadd.f32 v17, v15;
	v27 =	vmul.f32 v27, v3;
	v11 =	vmul.f32 v11, v4;
	v22 =	vld.idx.msk [tilespmem:v14+s25+$0x0], $0xffff  }
0x319: {  	v21 =	vadd.f32 v21, v25;
	v30 =	vmul.f32 v30, v5;
	v32 =	vmul.f32 v60, v6;
	v17 =	vld.idx.msk [tilespmem:v16+s25+$0x0], $0xffff  }
0x31a: {  	v18 =	vadd.f32 v18, v20;
	v31 =	vmul.f32 v31, v7;
	v13 =	vmul.f32 v13, v9;
	v14 =	vld.idx.msk [tilespmem:v14+s26+$0x0], $0xffff  }
0x31b: {  	v23 =	vmul.f32 v23, v8;
	v28 =	vmul.f32 v28, v10;
	v11 =	vadd.f32 v11, v27;
	v16 =	vld.idx.msk [tilespmem:v16+s26+$0x0], $0xffff  }
0x31c: {  	v24 =	vmul.f32 v24, v9;
	v27 =	vadd.f32 v32, v30;
	v13 =	vadd.f32 v13, v19  }
0x31d: {  	v28 =	vadd.f32 v28, v31;
	v3 =	vmul.f32 v12, v3;
	v4 =	vmul.f32 v29, v4  }
0x31e: {  	v23 =	vadd.f32 v24, v23;
	v5 =	vmul.f32 v33, v5;
	v6 =	vmul.f32 v26, v6  }
0x31f: {  	v11 =	vadd.f32 v27, v11;
	v7 =	vmul.f32 v22, v7;
	v10 =	vmul.f32 v17, v10  }
0x320: {  	v12 =	vadd.f32 v23, v28;
	v8 =	vmul.f32 v14, v8;
	v9 =	vmul.f32 v16, v9  }
0x321: {  	v3 =	vadd.f32 v4, v3;
	v4 =	vadd.f32 v6, v5  }
0x322: {  	v5 =	vadd.f32 v10, v7;
	v6 =	vadd.f32 v9, v8  }
0x323: {  	v7 =	vadd.f32 v12, v11;
	v8 =	vadd.f32 v13, v18  }
0x324: {  	v3 =	vadd.f32 v4, v3;
	v4 =	vadd.f32 v6, v5  }
0x325: {  	[tilespmem:s1+$0x2800] =	vst v15;
	v5 =	vadd.f32 v8, v21  }
0x326: {  	[tilespmem:s4+$0x2828] =	vst v7;
	v3 =	vadd.f32 v4, v3  }
0x327: {  	[tilespmem:s2+$0x2800] =	vst v5  }
0x328: {  	[tilespmem:s4+$0x2800] =	vst v3  }
0x329: {  	v4 =	vld [tilespmem:s13+$0x1BBF0];
	_ =	sdelay $0x2  }
0x32a: {  	v5 =	vld [tilespmem:s13+$0x1BC10]  }
0x32b: {  	s0 =	simm.s32 $0x2  }
0x32c: {  	v6 =	vmov s0;
	v3 =	vld [tilespmem:s11+$0x1BDF0];
	v11 =	vmul.u32 $0x208, v4  }
0x32d: {  	v7 =	vand.u32 $0x1F8, v6;
	v8 =	vand.u32 $0x6, v6;
	v6 =	vld [tilespmem:s11+$0x1BE50]  }
0x32e: {  	v10 =	vld [tilespmem:s11+$0x1BE90];
	v9 =	vadd.s32 v11, v7  }
0x32f: {  	v4 =	vld [tilespmem:s11+$0x1BE10];
	v12 =	vmul.u32 $0x208, v5;
	v13 =	vor.u32 v8, v9  }
0x330: {  	v5 =	vld [tilespmem:s11+$0x1BE30]  }
0x331: {  	v9 =	vadd.s32 v12, v7;
	v7 =	vld [tilespmem:s11+$0x1BE70]  }
0x332: {  	v14 =	vor.u32 v8, v9;
	v8 =	vld [tilespmem:s11+$0x1BEB0]  }
0x333: {  	v9 =	vld [tilespmem:s11+$0x1BED0]  }
0x334: {  	v15 =	vld.idx.msk [tilespmem:v13+s23+$0x0], $0xffff  }
0x335: {  	s8 =	simm.s32 $0x0;
	v17 =	vld.idx.msk [tilespmem:v13+s24+$0x0], $0xffff  }
0x336: {  	v20 =	vmov s8;
	v19 =	vld.idx.msk [tilespmem:v13+s25+$0x0], $0xffff  }
0x337: {  	s12 =	simm.s32 $0x6;
	v22 =	vand.u32 $0x1F8, v20;
	v13 =	vld.idx.msk [tilespmem:v13+s26+$0x0], $0xffff  }
0x338: {  	v27 =	vmov s12;
	v20 =	vand.u32 $0x4, v20;
	v23 =	vadd.s32 v11, v22;
	v16 =	vld.idx.msk [tilespmem:v14+s23+$0x0], $0xffff  }
0x339: {  	v30 =	vand.u32 $0x1F8, v27;
	v22 =	vadd.s32 v12, v22;
	v23 =	vor.u32 v20, v23;
	v18 =	vld.idx.msk [tilespmem:v14+s24+$0x0], $0xffff  }
0x33a: {  	v27 =	vand.u32 $0x6, v27;
	v61 =	vadd.s32 v11, v30;
	v20 =	vor.u32 v20, v22;
	v21 =	vld.idx.msk [tilespmem:v14+s25+$0x0], $0xffff  }
0x33b: {  	v30 =	vadd.s32 v12, v30;
	v32 =	vor.u32 v27, v61;
	v14 =	vld.idx.msk [tilespmem:v14+s26+$0x0], $0xffff  }
0x33c: {  	v27 =	vor.u32 v27, v30  }
0x33d: {  	v15 =	vmul.f32 v15, v3;
	v17 =	vmul.f32 v17, v5  }
0x33e: {  	v22 =	vld.idx.msk [tilespmem:v23+s23+$0x0], $0xffff;
	v19 =	vmul.f32 v19, v7;
	v13 =	vmul.f32 v13, v8  }
0x33f: {  	v25 =	vld.idx.msk [tilespmem:v20+s24+$0x0], $0xffff;
	v16 =	vmul.f32 v16, v4;
	v18 =	vmul.f32 v18, v6  }
0x340: {  	v38 =	vld.idx.msk [tilespmem:v32+s23+$0x0], $0xffff;
	v21 =	vmul.f32 v21, v10;
	v14 =	vmul.f32 v14, v9  }
0x341: {  	v39 =	vld.idx.msk [tilespmem:v27+s23+$0x0], $0xffff;
	v15 =	vadd.f32 v16, v15;
	v16 =	vadd.f32 v18, v17  }
0x342: {  	s9 =	simm.s32 $0x3;
	v18 =	vld.idx.msk [tilespmem:v20+s23+$0x0], $0xffff;
	v19 =	vadd.f32 v21, v19;
	v13 =	vadd.f32 v14, v13  }
0x343: {  	v40 =	vld.idx.msk [tilespmem:v32+s24+$0x0], $0xffff;
	v22 =	vmul.f32 v22, v3;
	v17 =	vmov s9  }
0x344: {  	v21 =	vld.idx.msk [tilespmem:v23+s24+$0x0], $0xffff;
	v14 =	vand.u32 $0x1F8, v17;
	v15 =	vadd.f32 v16, v15;
	v13 =	vadd.f32 v13, v19  }
0x345: {  	s10 =	simm.s32 $0x4;
	v17 =	vand.u32 $0x7, v17;
	v24 =	vadd.s32 v11, v14;
	v14 =	vadd.s32 v12, v14;
	v19 =	vld.idx.msk [tilespmem:v23+s25+$0x0], $0xffff  }
0x346: {  	v16 =	vor.u32 v17, v24;
	v13 =	vadd.f32 v13, v15;
	v15 =	vld.idx.msk [tilespmem:v23+s26+$0x0], $0xffff;
	v23 =	vmov s10  }
0x347: {  	v14 =	vor.u32 v17, v14;
	v17 =	vld.idx.msk [tilespmem:v20+s25+$0x0], $0xffff;
	v26 =	vand.u32 $0x1F8, v23;
	v18 =	vmul.f32 v18, v4  }
0x348: {  	v20 =	vld.idx.msk [tilespmem:v20+s26+$0x0], $0xffff;
	v23 =	vand.u32 $0x4, v23;
	v29 =	vadd.s32 v11, v26;
	v26 =	vadd.s32 v12, v26  }
0x349: {  	v29 =	vor.u32 v23, v29;
	v18 =	vadd.f32 v18, v22;
	v22 =	vor.u32 v23, v26;
	v23 =	vld.idx.msk [tilespmem:v27+s24+$0x0], $0xffff  }
0x34a: {  	s1 =	simm.s32 $0x172B0;
	v26 =	vld.idx.msk [tilespmem:v27+s25+$0x0], $0xffff  }
0x34b: {  	[tilespmem:s1+$0xFFFFD828] =	vst v13;
	v27 =	vld.idx.msk [tilespmem:v27+s26+$0x0], $0xffff  }
0x34c: {  	s20 =	simm.s32 $0xA;
	v13 =	vld.idx.msk [tilespmem:v16+s23+$0x0], $0xffff  }
0x34d: {  	v54 =	vmov s20;
	v24 =	vld.idx.msk [tilespmem:v14+s23+$0x0], $0xffff  }
0x34e: {  	s14 =	simm.s32 $0x1;
	s19 =	simm.s32 $0x8;
	v57 =	vand.u32 $0x1F8, v54;
	v28 =	vld.idx.msk [tilespmem:v16+s24+$0x0], $0xffff  }
0x34f: {  	v52 =	vmov s19;
	v59 =	vadd.s32 v11, v57;
	v30 =	vmov s14;
	v31 =	vld.idx.msk [tilespmem:v14+s24+$0x0], $0xffff  }
0x350: {  	v35 =	vand.u32 $0x1F8, v30;
	v30 =	vand.u32 $0x5, v30;
	v25 =	vmul.f32 v25, v6;
	v62 =	vld.idx.msk [tilespmem:v16+s25+$0x0], $0xffff  }
0x351: {  	v37 =	vadd.s32 v11, v35;
	v38 =	vmul.f32 v38, v3;
	v21 =	vmul.f32 v21, v5;
	v34 =	vld.idx.msk [tilespmem:v14+s25+$0x0], $0xffff  }
0x352: {  	v35 =	vadd.s32 v12, v35;
	v19 =	vmul.f32 v19, v7;
	v16 =	vld.idx.msk [tilespmem:v16+s26+$0x0], $0xffff;
	v17 =	vmul.f32 v17, v10  }
0x353: {  	v39 =	vmul.f32 v39, v4;
	v40 =	vmul.f32 v40, v5;
	v21 =	vadd.f32 v25, v21;
	v14 =	vld.idx.msk [tilespmem:v14+s26+$0x0], $0xffff  }
0x354: {  	s15 =	simm.s32 $0x5;
	v20 =	vmul.f32 v20, v9;
	v15 =	vmul.f32 v15, v8;
	v17 =	vadd.f32 v17, v19;
	v19 =	vld.idx.msk [tilespmem:v32+s25+$0x0], $0xffff  }
0x355: {  	v25 =	vor.u32 v30, v37;
	v18 =	vadd.f32 v21, v18;
	v21 =	vmov s15;
	v36 =	vld.idx.msk [tilespmem:v29+s23+$0x0], $0xffff  }
0x356: {  	v15 =	vadd.f32 v20, v15;
	v20 =	vor.u32 v30, v35;
	v30 =	vand.u32 $0x1F8, v21;
	v46 =	vld.idx.msk [tilespmem:v22+s23+$0x0], $0xffff  }
0x357: {  	v21 =	vand.u32 $0x5, v21;
	v48 =	vld.idx.msk [tilespmem:v29+s24+$0x0], $0xffff;
	v23 =	vmul.f32 v23, v6;
	v27 =	vmul.f32 v27, v9  }
0x358: {  	v41 =	vld.idx.msk [tilespmem:v22+s24+$0x0], $0xffff;
	v15 =	vadd.f32 v15, v17;
	v13 =	vmul.f32 v13, v3;
	v17 =	vmul.f32 v24, v4  }
0x359: {  	v47 =	vadd.s32 v11, v30;
	v24 =	vld.idx.msk [tilespmem:v32+s26+$0x0], $0xffff;
	v28 =	vmul.f32 v28, v5;
	v31 =	vmul.f32 v31, v6  }
0x35a: {  	v30 =	vadd.s32 v12, v30;
	v42 =	vld.idx.msk [tilespmem:v22+s25+$0x0], $0xffff;
	v63 =	vmul.f32 v62, v7;
	v45 =	vmul.f32 v34, v10  }
0x35b: {  	v16 =	vmul.f32 v16, v8;
	v15 =	vadd.f32 v15, v18;
	v18 =	vld.idx.msk [tilespmem:v29+s25+$0x0], $0xffff;
	v17 =	vadd.f32 v17, v13  }
0x35c: {  	v13 =	vmul.f32 v19, v7;
	v19 =	vmul.f32 v26, v10;
	v26 =	vadd.f32 v31, v28;
	v28 =	vld.idx.msk [tilespmem:v29+s26+$0x0], $0xffff  }
0x35d: {  	s18 =	simm.s32 $0x7;
	v35 =	vand.u32 $0x6, v54;
	v14 =	vmul.f32 v14, v9;
	v23 =	vadd.f32 v23, v40;
	[tilespmem:s1+$0xFFFFD800] =	vst v15;
	v15 =	vld.idx.msk [tilespmem:v22+s26+$0x0], $0xffff  }
0x35e: {  	v29 =	vmov s18;
	v22 =	vadd.f32 v39, v38;
	v24 =	vmul.f32 v24, v8;
	v49 =	vld.idx.msk [tilespmem:v20+s23+$0x0], $0xffff  }
0x35f: {  	v13 =	vadd.f32 v19, v13;
	v51 =	vmul.f32 v42, v10;
	v42 =	vor.u32 v35, v59;
	v50 =	vld.idx.msk [tilespmem:v25+s24+$0x0], $0xffff  }
0x360: {  	v17 =	vadd.f32 v26, v17;
	v26 =	vld.idx.msk [tilespmem:v20+s25+$0x0], $0xffff;
	v19 =	vadd.f32 v27, v24;
	v24 =	vand.u32 $0x1F8, v29  }
0x361: {  	v27 =	vld.idx.msk [tilespmem:v25+s23+$0x0], $0xffff;
	v29 =	vand.u32 $0x7, v29;
	v31 =	vadd.s32 v11, v24;
	v24 =	vadd.s32 v12, v24  }
0x362: {  	v40 =	vadd.s32 v12, v57;
	v14 =	vadd.f32 v14, v16;
	v16 =	vor.u32 v29, v24;
	v24 =	vld.idx.msk [tilespmem:v20+s24+$0x0], $0xffff  }
0x363: {  	v32 =	vadd.f32 v45, v63;
	v22 =	vadd.f32 v23, v22;
	v28 =	vmul.f32 v28, v8;
	v20 =	vld.idx.msk [tilespmem:v20+s26+$0x0], $0xffff  }
0x364: {  	v23 =	vadd.f32 v19, v13;
	v31 =	vor.u32 v29, v31;
	v19 =	vor.u32 v21, v47;
	v63 =	vld.idx.msk [tilespmem:v42+s23+$0x0], $0xffff  }
0x365: {  	v13 =	vor.u32 v21, v30;
	v29 =	vmul.f32 v46, v4;
	v30 =	vmul.f32 v48, v5;
	v54 =	vld.idx.msk [tilespmem:v42+s25+$0x0], $0xffff  }
0x366: {  	v15 =	vmul.f32 v15, v9;
	v57 =	vld.idx.msk [tilespmem:v42+s26+$0x0], $0xffff;
	v60 =	vmul.f32 v49, v4;
	v21 =	vadd.f32 v23, v22  }
0x367: {  	s2 =	simm.s32 $0x17300;
	v14 =	vadd.f32 v14, v32;
	v61 =	vmul.f32 v50, v5;
	v26 =	vmul.f32 v26, v10;
	v22 =	vld.idx.msk [tilespmem:v25+s25+$0x0], $0xffff  }
0x368: {  	v33 =	vand.u32 $0x4, v52;
	v23 =	vmul.f32 v36, v3;
	v15 =	vadd.f32 v15, v28;
	[tilespmem:s2+$0xFFFFD828] =	vst v21;
	v21 =	vld.idx.msk [tilespmem:v25+s26+$0x0], $0xffff  }
0x369: {  	v27 =	vmul.f32 v27, v3;
	v25 =	vadd.f32 v14, v17;
	v17 =	vmul.f32 v18, v7;
	v18 =	vld.idx.msk [tilespmem:v31+s23+$0x0], $0xffff  }
0x36a: {  	s21 =	simm.s32 $0x9;
	v14 =	vmul.f32 v41, v6;
	v23 =	vadd.f32 v29, v23;
	v29 =	vand.u32 $0x1F8, v52;
	v53 =	vld.idx.msk [tilespmem:v16+s23+$0x0], $0xffff  }
0x36b: {  	v28 =	vmov s21;
	v55 =	vld.idx.msk [tilespmem:v31+s24+$0x0], $0xffff;
	v56 =	vadd.s32 v11, v29;
	v27 =	vadd.f32 v60, v27  }
0x36c: {  	v58 =	vld.idx.msk [tilespmem:v16+s24+$0x0], $0xffff;
	v20 =	vmul.f32 v20, v9;
	v14 =	vadd.f32 v14, v30;
	v17 =	vadd.f32 v51, v17  }
0x36d: {  	v43 =	vld.idx.msk [tilespmem:v31+s25+$0x0], $0xffff;
	v37 =	vor.u32 v33, v56;
	v30 =	vor.u32 v35, v40;
	v22 =	vmul.f32 v22, v7  }
0x36e: {  	v44 =	vld.idx.msk [tilespmem:v16+s25+$0x0], $0xffff;
	v14 =	vadd.f32 v14, v23;
	v23 =	vadd.s32 v12, v29;
	v15 =	vadd.f32 v15, v17  }
0x36f: {  	v31 =	vld.idx.msk [tilespmem:v31+s26+$0x0], $0xffff;
	v17 =	vand.u32 $0x1F8, v28;
	v28 =	vand.u32 $0x5, v28;
	v23 =	vor.u32 v33, v23  }
0x370: {  	v16 =	vld.idx.msk [tilespmem:v16+s26+$0x0], $0xffff;
	v62 =	vadd.s32 v11, v17;
	v21 =	vmul.f32 v21, v8;
	v33 =	vmul.f32 v54, v7  }
0x371: {  	v49 =	vld.idx.msk [tilespmem:v42+s24+$0x0], $0xffff;
	v48 =	vadd.f32 v15, v14;
	v15 =	vmul.f32 v24, v6;
	v18 =	vmul.f32 v18, v3  }
0x372: {  	v17 =	vadd.s32 v12, v17;
	v34 =	vmul.f32 v53, v4;
	v36 =	vmul.f32 v55, v5;
	v29 =	vld.idx.msk [tilespmem:v37+s23+$0x0], $0xffff  }
0x373: {  	v22 =	vadd.f32 v26, v22;
	v50 =	vmul.f32 v58, v6;
	v52 =	vmul.f32 v43, v7;
	v24 =	vld.idx.msk [tilespmem:v30+s23+$0x0], $0xffff  }
0x374: {  	v14 =	vor.u32 v28, v62;
	v53 =	vmul.f32 v44, v10;
	v31 =	vmul.f32 v31, v8;
	v51 =	vld.idx.msk [tilespmem:v30+s24+$0x0], $0xffff  }
0x375: {  	v55 =	vmul.f32 v16, v9;
	v56 =	vld.idx.msk [tilespmem:v30+s25+$0x0], $0xffff;
	v20 =	vadd.f32 v20, v21;
	v15 =	vadd.f32 v15, v61  }
0x376: {  	v16 =	vor.u32 v28, v17;
	v30 =	vld.idx.msk [tilespmem:v30+s26+$0x0], $0xffff;
	v18 =	vadd.f32 v34, v18;
	v17 =	vadd.f32 v50, v36  }
0x377: {  	v58 =	vld.idx.msk [tilespmem:v37+s25+$0x0], $0xffff;
	v28 =	vadd.f32 v53, v52;
	v31 =	vadd.f32 v55, v31;
	[tilespmem:s2+$0xFFFFD800] =	vst v48  }
0x378: {  	v21 =	vmul.f32 v49, v5;
	v61 =	vld.idx.msk [tilespmem:v19+s23+$0x0], $0xffff;
	v15 =	vadd.f32 v15, v27;
	v17 =	vadd.f32 v17, v18  }
0x379: {  	v27 =	vld.idx.msk [tilespmem:v23+s23+$0x0], $0xffff;
	v18 =	vadd.f32 v31, v28;
	v31 =	vmul.f32 v63, v3;
	v29 =	vmul.f32 v29, v3  }
0x37a: {  	v26 =	vld.idx.msk [tilespmem:v23+s24+$0x0], $0xffff;
	v24 =	vmul.f32 v24, v4;
	v32 =	vmul.f32 v51, v6  }
0x37b: {  	v59 =	vld.idx.msk [tilespmem:v23+s25+$0x0], $0xffff;
	v18 =	vadd.f32 v18, v17;
	v34 =	vmul.f32 v56, v10;
	v17 =	vadd.f32 v20, v22  }
0x37c: {  	s22 =	simm.s32 $0xB;
	v60 =	vld.idx.msk [tilespmem:v23+s26+$0x0], $0xffff;
	v20 =	vmul.f32 v57, v8;
	v22 =	vmul.f32 v30, v9;
	v23 =	vadd.f32 v24, v31  }
0x37d: {  	[tilespmem:s1+$0x28] =	vst v25;
	v28 =	vld.idx.msk [tilespmem:v37+s24+$0x0], $0xffff;
	v21 =	vadd.f32 v32, v21;
	v24 =	vmov s22;
	v25 =	vadd.f32 v34, v33  }
0x37e: {  	v37 =	vld.idx.msk [tilespmem:v37+s26+$0x0], $0xffff;
	v20 =	vadd.f32 v22, v20;
	[tilespmem:s2+$0x28] =	vst v18;
	v22 =	vand.u32 $0x1F8, v24;
	v18 =	vand.u32 $0x7, v24  }
0x37f: {  	v62 =	vld.idx.msk [tilespmem:v13+s23+$0x0], $0xffff;
	v26 =	vmul.f32 v26, v6;
	v24 =	vadd.s32 v11, v22;
	v30 =	vadd.s32 v12, v22  }
0x380: {  	v31 =	vadd.f32 v21, v23;
	v20 =	vadd.f32 v20, v25;
	v22 =	vld.idx.msk [tilespmem:v19+s24+$0x0], $0xffff;
	v23 =	vor.u32 v18, v24  }
0x381: {  	v35 =	vmul.f32 v59, v10;
	v32 =	vmul.f32 v60, v9;
	v21 =	vld.idx.msk [tilespmem:v13+s24+$0x0], $0xffff;
	v24 =	vor.u32 v18, v30  }
0x382: {  	v25 =	vmul.f32 v27, v4;
	v27 =	vmul.f32 v28, v5;
	v18 =	vld.idx.msk [tilespmem:v13+s25+$0x0], $0xffff;
	v63 =	vadd.f32 v20, v31  }
0x383: {  	s4 =	simm.s32 $0x17350;
	v28 =	vmul.f32 v58, v7;
	v30 =	vmul.f32 v37, v8;
	v20 =	vld.idx.msk [tilespmem:v19+s25+$0x0], $0xffff  }
0x384: {  	v29 =	vadd.f32 v25, v29;
	v31 =	vadd.f32 v26, v27;
	v19 =	vld.idx.msk [tilespmem:v19+s26+$0x0], $0xffff;
	[tilespmem:s4+$0xFFFFD828] =	vst v63  }
0x385: {  	s6 =	simm.s32 $0x4;
	s7 =	simm.s32 $0xC;
	v28 =	vadd.f32 v35, v28;
	v25 =	vmul.f32 v61, v3;
	v26 =	vmul.f32 v62, v4;
	v27 =	vld.idx.msk [tilespmem:v23+s23+$0x0], $0xffff  }
.LBB2_7:
0x386: {  	v33 =	vmov s7;
	s0 =	sadd.s32 $0x1, s7;
	s3 =	sadd.s32 $0x2, s7;
	v30 =	vadd.f32 v32, v30;
	v29 =	vadd.f32 v31, v29;
	v31 =	vld.idx.msk [tilespmem:v24+s23+$0x0], $0xffff  }
0x387: {  	v32 =	vand.u32 $0x1F8, v33;
	v33 =	vand.u32 $0x4, v33;
	v34 =	vmov s3;
	v35 =	vld.idx.msk [tilespmem:v23+s24+$0x0], $0xffff  }
0x388: {  	v36 =	vadd.s32 v11, v32;
	v32 =	vadd.s32 v12, v32;
	v37 =	vand.u32 $0x1F8, v34;
	v38 =	vld.idx.msk [tilespmem:v24+s24+$0x0], $0xffff  }
0x389: {  	v34 =	vand.u32 $0x6, v34;
	v36 =	vor.u32 v33, v36;
	v39 =	vadd.s32 v11, v37;
	v40 =	vld.idx.msk [tilespmem:v23+s25+$0x0], $0xffff  }
0x38a: {  	v32 =	vor.u32 v33, v32;
	v37 =	vadd.s32 v12, v37;
	v33 =	vor.u32 v34, v39;
	v39 =	vld.idx.msk [tilespmem:v24+s25+$0x0], $0xffff  }
0x38b: {  	v41 =	vmov s0;
	v28 =	vadd.f32 v30, v28;
	v34 =	vor.u32 v34, v37;
	v23 =	vld.idx.msk [tilespmem:v23+s26+$0x0], $0xffff  }
0x38c: {  	v22 =	vmul.f32 v22, v5;
	v30 =	vand.u32 $0x1F8, v41;
	v37 =	vand.u32 $0x5, v41;
	v24 =	vld.idx.msk [tilespmem:v24+s26+$0x0], $0xffff  }
0x38d: {  	v41 =	vadd.s32 v11, v30;
	v30 =	vadd.s32 v12, v30;
	v28 =	vadd.f32 v28, v29;
	v29 =	vld.idx.msk [tilespmem:v13+s26+$0x0], $0xffff  }
0x38e: {  	v21 =	vmul.f32 v21, v6;
	v41 =	vor.u32 v37, v41;
	v30 =	vor.u32 v37, v30;
	v42 =	vld.idx.msk [tilespmem:v36+s23+$0x0], $0xffff  }
0x38f: {  	v27 =	vmul.f32 v27, v3;
	v13 =	vmov v16;
	v37 =	vld.idx.msk [tilespmem:v33+s23+$0x0], $0xffff;
	[tilespmem:s4+$0xFFFFD800] =	vst v28;
	v28 =	vmul.f32 v31, v4  }
0x390: {  	v25 =	vadd.f32 v26, v25;
	v16 =	vmul.f32 v35, v5;
	v35 =	vmul.f32 v38, v6;
	v31 =	vld.idx.msk [tilespmem:v34+s23+$0x0], $0xffff  }
0x391: {  	v21 =	vadd.f32 v21, v22;
	v38 =	vmul.f32 v40, v7;
	v39 =	vmul.f32 v39, v10;
	v26 =	vld.idx.msk [tilespmem:v33+s24+$0x0], $0xffff  }
0x392: {  	v17 =	vadd.f32 v17, v15;
	v23 =	vmul.f32 v23, v8;
	v24 =	vmul.f32 v24, v9;
	v22 =	vld.idx.msk [tilespmem:v34+s24+$0x0], $0xffff  }
0x393: {  	v20 =	vmul.f32 v20, v7;
	v16 =	vadd.f32 v35, v16;
	v27 =	vadd.f32 v28, v27;
	v40 =	vld.idx.msk [tilespmem:v33+s25+$0x0], $0xffff  }
0x394: {  	s6 =	sadd.s32 $0x2, s6;
	v38 =	vadd.f32 v39, v38;
	v28 =	vmul.f32 v42, v3;
	v23 =	vadd.f32 v24, v23;
	v35 =	vld.idx.msk [tilespmem:v34+s25+$0x0], $0xffff  }
0x395: {  	p1 =	slt.u32 s6, $0xFE;
	v18 =	vmul.f32 v18, v10;
	v19 =	vmul.f32 v19, v8;
	v15 =	vadd.f32 v21, v25;
	v24 =	vld.idx.msk [tilespmem:v33+s26+$0x0], $0xffff  }
0x396: {  	v25 =	vadd.f32 v16, v27;
	v27 =	vmul.f32 v29, v9;
	v23 =	vadd.f32 v23, v38;
	v21 =	vld.idx.msk [tilespmem:v34+s26+$0x0], $0xffff  }
0x397: {  	v18 =	vadd.f32 v18, v20;
	v16 =	vmov v30;
	v29 =	vld.idx.msk [tilespmem:v32+s23+$0x0], $0xffff;
	[tilespmem:s1+$0x0] =	vst v17;
	s1 =	smov.u32 s2;
	s2 =	smov.u32 s4  }
0x398: {  	v19 =	vadd.f32 v27, v19;
	v17 =	vadd.f32 v23, v25;
	v20 =	vld.idx.msk [tilespmem:v36+s24+$0x0], $0xffff  }
0x399: {  	v27 =	vmul.f32 v31, v4;
	v23 =	vmul.f32 v37, v3;
	v25 =	vld.idx.msk [tilespmem:v32+s24+$0x0], $0xffff  }
0x39a: {  	v26 =	vmul.f32 v26, v5;
	v22 =	vmul.f32 v22, v6;
	v30 =	vld.idx.msk [tilespmem:v36+s25+$0x0], $0xffff;
	[tilespmem:s4+$0x28] =	vst v17  }
0x39b: {  	v33 =	vmul.f32 v40, v7;
	v34 =	vmul.f32 v35, v10;
	v17 =	vadd.f32 v19, v18;
	v31 =	vld.idx.msk [tilespmem:v32+s25+$0x0], $0xffff  }
0x39c: {  	s0 =	sadd.s32 $0x3, s7;
	v19 =	vmul.f32 v24, v8;
	v21 =	vmul.f32 v21, v9;
	v18 =	vld.idx.msk [tilespmem:v36+s26+$0x0], $0xffff  }
0x39d: {  	v23 =	vadd.f32 v27, v23;
	v22 =	vadd.f32 v22, v26;
	v24 =	vmov s0;
	v32 =	vld.idx.msk [tilespmem:v32+s26+$0x0], $0xffff  }
0x39e: {  	v26 =	vadd.f32 v34, v33;
	v19 =	vadd.f32 v21, v19;
	v21 =	vand.u32 $0x1F8, v24;
	v33 =	vld.idx.msk [tilespmem:v14+s23+$0x0], $0xffff  }
0x39f: {  	v24 =	vand.u32 $0x7, v24;
	v27 =	vadd.s32 v11, v21;
	v21 =	vadd.s32 v12, v21;
	v34 =	vld.idx.msk [tilespmem:v13+s23+$0x0], $0xffff  }
0x3a0: {  	v35 =	vadd.f32 v22, v23;
	v19 =	vadd.f32 v19, v26;
	v23 =	vor.u32 v24, v27;
	v22 =	vld.idx.msk [tilespmem:v14+s24+$0x0], $0xffff  }
.Ltmp2:
0x3a1: {  	v26 =	vmul.f32 v29, v4;
	v27 =	vmul.f32 v20, v5;
	v24 =	vor.u32 v24, v21;
	v21 =	vld.idx.msk [tilespmem:v13+s24+$0x0], $0xffff;
	(pc) =	sbr.rel @p1 .LBB2_7-.Ltmp2, $4  }
0x3a2: {  	v25 =	vmul.f32 v25, v6;
	v36 =	vmul.f32 v30, v7;
	v19 =	vadd.f32 v19, v35;
	v20 =	vld.idx.msk [tilespmem:v14+s25+$0x0], $0xffff  }
0x3a3: {  	s4 =	sadd.s32 $0x50, s4;
	v35 =	vmul.f32 v31, v10;
	v30 =	vmul.f32 v18, v8;
	v29 =	vadd.f32 v26, v28;
	v18 =	vld.idx.msk [tilespmem:v13+s25+$0x0], $0xffff  }
0x3a4: {  	v31 =	vadd.f32 v25, v27;
	v32 =	vmul.f32 v32, v9;
	[tilespmem:s4+$0xFFFFD828] =	vst v19;
	v19 =	vld.idx.msk [tilespmem:v14+s26+$0x0], $0xffff;
	v14 =	vmov v41  }
0x3a5: {  	s7 =	sadd.s32 $0x4, s7;
	v28 =	vadd.f32 v35, v36;
	v25 =	vmul.f32 v33, v3;
	v26 =	vmul.f32 v34, v4;
	v27 =	vld.idx.msk [tilespmem:v23+s23+$0x0], $0xffff  }
0x3a6: {  	_ =	sdelay $0x3  }
0x3a7: {  	v11 =	vld.idx.msk [tilespmem:v24+s23+$0x0], $0xffff  }
0x3a8: {  	v12 =	vadd.f32 v32, v30;
	v36 =	vld.idx.msk [tilespmem:v23+s24+$0x0], $0xffff  }
0x3a9: {  	v37 =	vld.idx.msk [tilespmem:v24+s24+$0x0], $0xffff  }
0x3aa: {  	v29 =	vadd.f32 v31, v29;
	v38 =	vld.idx.msk [tilespmem:v23+s25+$0x0], $0xffff;
	v12 =	vadd.f32 v12, v28  }
0x3ab: {  	v39 =	vld.idx.msk [tilespmem:v24+s25+$0x0], $0xffff  }
0x3ac: {  	v40 =	vld.idx.msk [tilespmem:v23+s26+$0x0], $0xffff;
	v12 =	vadd.f32 v12, v29  }
0x3ad: {  	v41 =	vld.idx.msk [tilespmem:v24+s26+$0x0], $0xffff  }
0x3ae: {  	v13 =	vld.idx.msk [tilespmem:v13+s26+$0x0], $0xffff;
	[tilespmem:s4+$0xFFFFD800] =	vst v12  }
0x3af: {  	v12 =	vld.idx.msk [tilespmem:v14+s23+$0x0], $0xffff  }
0x3b0: {  	v22 =	vmul.f32 v22, v5;
	v21 =	vmul.f32 v21, v6;
	v42 =	vld.idx.msk [tilespmem:v16+s23+$0x0], $0xffff  }
0x3b1: {  	v25 =	vadd.f32 v26, v25;
	v20 =	vmul.f32 v20, v7;
	v33 =	vld.idx.msk [tilespmem:v14+s24+$0x0], $0xffff  }
0x3b2: {  	v21 =	vadd.f32 v21, v22;
	v18 =	vmul.f32 v18, v10;
	v19 =	vmul.f32 v19, v8;
	v43 =	vld.idx.msk [tilespmem:v16+s24+$0x0], $0xffff  }
0x3b3: {  	v15 =	vadd.f32 v17, v15;
	v27 =	vmul.f32 v27, v3;
	v11 =	vmul.f32 v11, v4;
	v44 =	vld.idx.msk [tilespmem:v14+s25+$0x0], $0xffff  }
0x3b4: {  	v21 =	vadd.f32 v21, v25;
	v30 =	vmul.f32 v36, v5;
	v32 =	vmul.f32 v37, v6;
	v45 =	vld.idx.msk [tilespmem:v16+s25+$0x0], $0xffff  }
0x3b5: {  	v18 =	vadd.f32 v18, v20;
	v31 =	vmul.f32 v38, v7;
	v28 =	vmul.f32 v39, v10;
	v47 =	vld.idx.msk [tilespmem:v14+s26+$0x0], $0xffff  }
0x3b6: {  	v23 =	vmul.f32 v40, v8;
	v24 =	vmul.f32 v41, v9;
	v11 =	vadd.f32 v11, v27;
	v48 =	vld.idx.msk [tilespmem:v16+s26+$0x0], $0xffff  }
0x3b7: {  	v13 =	vmul.f32 v13, v9;
	v46 =	vadd.f32 v32, v30;
	v28 =	vadd.f32 v28, v31  }
0x3b8: {  	v23 =	vadd.f32 v24, v23;
	v3 =	vmul.f32 v12, v3;
	v49 =	vmul.f32 v42, v4  }
0x3b9: {  	v13 =	vadd.f32 v13, v19;
	v51 =	vmul.f32 v33, v5;
	v52 =	vmul.f32 v43, v6  }
0x3ba: {  	v11 =	vadd.f32 v46, v11;
	v53 =	vmul.f32 v44, v7;
	v54 =	vmul.f32 v45, v10  }
0x3bb: {  	v50 =	vadd.f32 v23, v28;
	v55 =	vmul.f32 v47, v8;
	v56 =	vmul.f32 v48, v9  }
0x3bc: {  	v3 =	vadd.f32 v49, v3;
	v57 =	vadd.f32 v52, v51  }
0x3bd: {  	v58 =	vadd.f32 v54, v53;
	v59 =	vadd.f32 v56, v55  }
0x3be: {  	v61 =	vadd.f32 v13, v18;
	v60 =	vadd.f32 v50, v11  }
0x3bf: {  	v3 =	vadd.f32 v57, v3;
	v62 =	vadd.f32 v59, v58  }
0x3c0: {  	[tilespmem:s1+$0x0] =	vst v15;
	v63 =	vadd.f32 v61, v21  }
0x3c1: {  	p1 =	seq.s32 s17, $0x0;
	[tilespmem:s4+$0x28] =	vst v60;
	v3 =	vadd.f32 v62, v3  }
0x3c2: {  	p2 =	seq.s32 s16, $0x0;
	p1 =	por !p0, !p1;
	[tilespmem:s2+$0x0] =	vst v63  }
0x3c3: {  	s0 =	simm.s32 @!p2 $0x2;
	p1 =	por !p1, !p1;
	s1 =	simm.s32 $0x1;
	[tilespmem:s4+$0x0] =	vst v3  }
0x3c4: {  	s22 =	sshrl.u32 s17, $0x3;
	s1 =	simm.s32 @!p1 $0x0;
	_ =	swait.ge @!p2 [sflag:s0], $0x2000  }
0x3c5: {  	s6 =	simm.s32 $0x0;
	s1 =	ssub.s32 s22, s1;
	[sflag:s0] =	ssyncset.done @!p2 $0x0  }
0x3c6: {  	s2 =	simm.s32 $0x0;
	s4 =	simm.s32 $0x19DE0;
	[sflag:s0] =	ssyncadd.s32 @!p2 $0xFFFFE000  }
.LBB2_9:
0x3c7: {  	s0 =	sshll.u32 s6, $0x4  }
0x3c8: {  	v4 =	vld [tilespmem:s0+$0x1C6E0]  }
0x3c9: {  	v5 =	vld [tilespmem:s0+$0x1C5E0];
	_ =	sdelay $0x2  }
0x3ca: {  	s3 =	simm.s32 $0x1  }
0x3cb: {  	s5 =	simm.s32 $0x2;
	v3 =	vld [tilespmem:s0+$0x1C7E0];
	v6 =	vmov s3;
	v12 =	vmul.u32 $0x28, v4  }
0x3cc: {  	v7 =	vld [tilespmem:s0+$0x1C8E0];
	v9 =	vand.u32 $0x18, v6;
	v13 =	vmul.u32 $0x28, v5;
	v5 =	vmov s5  }
0x3cd: {  	v11 =	vld [tilespmem:s0+$0x1CAE0];
	v14 =	vand.u32 $0x5, v6;
	v16 =	vand.u32 $0x18, v5;
	v8 =	vadd.s32 v12, v9  }
0x3ce: {  	v4 =	vld [tilespmem:s0+$0x1C9E0];
	v18 =	vand.u32 $0x6, v5;
	v6 =	vadd.s32 v13, v16;
	v15 =	vor.u32 v14, v8  }
0x3cf: {  	v5 =	vld [tilespmem:s0+$0x1CBE0];
	v10 =	vor.u32 v18, v6  }
0x3d0: {  	v9 =	vadd.s32 v13, v9;
	v8 =	vld [tilespmem:s0+$0x1CCE0]  }
0x3d1: {  	v17 =	vmov s2;
	v6 =	vld [tilespmem:s0+$0x1CDE0];
	v14 =	vor.u32 v14, v9  }
0x3d2: {  	v19 =	vand.u32 $0x18, v17;
	v9 =	vld [tilespmem:s0+$0x1CEE0]  }
0x3d3: {  	s22 =	simm.s32 $0x3;
	v17 =	vand.u32 $0x4, v17;
	v21 =	vadd.s32 v12, v19;
	v22 =	vld.idx.msk [tilespmem:v15+s28+$0x0], $0xffff  }
0x3d4: {  	v20 =	vmov s22;
	v19 =	vadd.s32 v13, v19;
	v28 =	vor.u32 v17, v21;
	v26 =	vld.idx.msk [tilespmem:v10+s31+$0x0], $0xffff  }
0x3d5: {  	v24 =	vand.u32 $0x18, v20;
	v17 =	vor.u32 v17, v19;
	v27 =	vld.idx.msk [tilespmem:v15+s29+$0x0], $0xffff  }
0x3d6: {  	v19 =	vand.u32 $0x7, v20;
	v20 =	vadd.s32 v12, v24;
	v29 =	vld.idx.msk [tilespmem:v14+s30+$0x0], $0xffff  }
0x3d7: {  	v21 =	vor.u32 v19, v20;
	v20 =	vld.idx.msk [tilespmem:v14+s28+$0x0], $0xffff  }
0x3d8: {  	v23 =	vld.idx.msk [tilespmem:v10+s30+$0x0], $0xffff  }
0x3d9: {  	v24 =	vadd.s32 v13, v24;
	v25 =	vld.idx.msk [tilespmem:v28+s31+$0x0], $0xffff  }
0x3da: {  	v19 =	vor.u32 v19, v24;
	v24 =	vld.idx.msk [tilespmem:v17+s29+$0x0], $0xffff  }
0x3db: {  	v36 =	vld.idx.msk [tilespmem:v14+s29+$0x0], $0xffff  }
0x3dc: {  	v39 =	vld.idx.msk [tilespmem:v15+s30+$0x0], $0xffff  }
0x3dd: {  	v16 =	vadd.s32 v12, v16;
	v33 =	vld.idx.msk [tilespmem:v28+s28+$0x0], $0xffff  }
0x3de: {  	v18 =	vor.u32 v18, v16;
	v31 =	vld.idx.msk [tilespmem:v21+s31+$0x0], $0xffff  }
0x3df: {  	v34 =	vld.idx.msk [tilespmem:v21+s29+$0x0], $0xffff  }
0x3e0: {  	v37 =	vld.idx.msk [tilespmem:v19+s29+$0x0], $0xffff;
	v25 =	vmul.f32 v25, v9;
	v24 =	vmul.f32 v24, v4  }
0x3e1: {  	v38 =	vld.idx.msk [tilespmem:v21+s28+$0x0], $0xffff;
	v40 =	vmul.f32 v27, v11;
	v30 =	vmul.f32 v29, v5  }
0x3e2: {  	v32 =	vld.idx.msk [tilespmem:v28+s29+$0x0], $0xffff;
	v29 =	vmul.f32 v20, v3;
	v22 =	vmul.f32 v22, v7  }
0x3e3: {  	v41 =	vmul.f32 v36, v4;
	v27 =	vld.idx.msk [tilespmem:v18+s30+$0x0], $0xffff;
	v20 =	vmul.f32 v26, v6  }
0x3e4: {  	v36 =	vmul.f32 v39, v8;
	v16 =	vmul.f32 v31, v9;
	v31 =	vld.idx.msk [tilespmem:v17+s31+$0x0], $0xffff  }
0x3e5: {  	v35 =	vmul.f32 v34, v11;
	v37 =	vmul.f32 v37, v4;
	v34 =	vld.idx.msk [tilespmem:v28+s30+$0x0], $0xffff  }
0x3e6: {  	s8 =	simm.s32 $0x4;
	s12 =	sadd.s32 $0x400, s4;
	s7 =	smov.u32 s4;
	v26 =	vadd.f32 v22, v29;
	v29 =	vld.idx.msk [tilespmem:v19+s28+$0x0], $0xffff;
	v28 =	vadd.f32 v40, v41;
	v22 =	vmul.f32 v38, v7  }
.LBB2_10:
0x3e7: {  	s0 =	sadd.s32 $0x1, s8;
	s3 =	sadd.s32 $0x2, s8;
	s5 =	sadd.s32 $0x3, s8;
	v33 =	vmul.f32 v33, v7;
	v38 =	vld.idx.msk [tilespmem:v18+s29+$0x0], $0xffff;
	v23 =	vmul.f32 v23, v5;
	v35 =	vadd.f32 v35, v37  }
0x3e8: {  	p1 =	slt.u32 s8, $0x1C;
	v37 =	vmov s0;
	v39 =	vmov s3;
	v30 =	vadd.f32 v36, v30;
	v36 =	vld.idx.msk [tilespmem:v18+s28+$0x0], $0xffff;
	s0 =	smov.u32 s8;
	s8 =	sadd.s32 $0x4, s8  }
0x3e9: {  	v31 =	vmul.f32 v31, v6;
	v40 =	vand.u32 $0x18, v37;
	v41 =	vand.u32 $0x18, v39;
	v42 =	vld.idx.msk [tilespmem:v17+s28+$0x0], $0xffff  }
0x3ea: {  	v32 =	vmul.f32 v32, v11;
	v43 =	vadd.s32 v13, v40;
	v40 =	vadd.s32 v12, v40;
	v44 =	vld.idx.msk [tilespmem:v19+s30+$0x0], $0xffff  }
0x3eb: {  	v46 =	vmov s5;
	v31 =	vadd.f32 v25, v31;
	v45 =	vadd.s32 v12, v41;
	v25 =	vld.idx.msk [tilespmem:v18+s31+$0x0], $0xffff  }
0x3ec: {  	v24 =	vadd.f32 v32, v24;
	v18 =	vand.u32 $0x5, v37;
	v34 =	vmul.f32 v34, v8;
	v21 =	vld.idx.msk [tilespmem:v21+s30+$0x0], $0xffff  }
0x3ed: {  	v32 =	vand.u32 $0x6, v39;
	v37 =	vadd.s32 v13, v41;
	v38 =	vmul.f32 v38, v11;
	v39 =	vld.idx.msk [tilespmem:v19+s31+$0x0], $0xffff  }
0x3ee: {  	v29 =	vmul.f32 v29, v3;
	v19 =	vor.u32 v18, v40;
	v40 =	vld.idx.msk [tilespmem:v14+s31+$0x0], $0xffff;
	v14 =	vor.u32 v18, v43  }
0x3ef: {  	v27 =	vmul.f32 v27, v8;
	v37 =	vor.u32 v32, v37;
	v36 =	vmul.f32 v36, v7;
	v41 =	vld.idx.msk [tilespmem:v15+s31+$0x0], $0xffff  }
0x3f0: {  	v26 =	vadd.f32 v28, v26;
	v18 =	vor.u32 v32, v45;
	v32 =	vmul.f32 v42, v3;
	v42 =	vld.idx.msk [tilespmem:v17+s30+$0x0], $0xffff  }
0x3f1: {  	v28 =	vand.u32 $0x18, v46;
	v44 =	vmul.f32 v44, v5;
	v15 =	vmovc v19;
	v17 =	vmov s0;
	v43 =	vld.idx.msk [tilespmem:v10+s28+$0x0], $0xffff  }
0x3f2: {  	v25 =	vmul.f32 v25, v9;
	v45 =	vand.u32 $0x18, v17;
	v47 =	vand.u32 $0x4, v17;
	v48 =	vld.idx.msk [tilespmem:v10+s29+$0x0], $0xffff;
	v10 =	vmovc v37  }
0x3f3: {  	v27 =	vadd.f32 v27, v23;
	v17 =	vadd.s32 v13, v45;
	v45 =	vadd.s32 v12, v45;
	v49 =	vld.idx.msk [tilespmem:v19+s28+$0x0], $0xffff  }
0x3f4: {  	v17 =	vor.u32 v47, v17;
	v45 =	vor.u32 v47, v45;
	v47 =	vmul.f32 v21, v8;
	v37 =	vld.idx.msk [tilespmem:v37+s31+$0x0], $0xffff  }
0x3f5: {  	v21 =	vadd.s32 v12, v28;
	v40 =	vmul.f32 v40, v6;
	v50 =	vld.idx.msk [tilespmem:v19+s29+$0x0], $0xffff;
	v19 =	vand.u32 $0x7, v46  }
0x3f6: {  	v23 =	vadd.s32 v13, v28;
	v28 =	vmul.f32 v41, v9;
	v46 =	vld.idx.msk [tilespmem:v14+s30+$0x0], $0xffff;
	v21 =	vor.u32 v19, v21  }
0x3f7: {  	v22 =	vadd.f32 v22, v29;
	v32 =	vadd.f32 v33, v32;
	v19 =	vor.u32 v19, v23;
	v41 =	vld.idx.msk [tilespmem:v14+s28+$0x0], $0xffff  }
0x3f8: {  	v29 =	vmul.f32 v42, v5;
	v28 =	vadd.f32 v28, v40;
	v33 =	vmul.f32 v48, v4;
	v23 =	vld.idx.msk [tilespmem:v10+s30+$0x0], $0xffff  }
0x3f9: {  	v22 =	vadd.f32 v35, v22;
	v42 =	vmul.f32 v43, v3;
	v43 =	vadd.f32 v47, v44;
	v40 =	vld.idx.msk [tilespmem:v45+s31+$0x0], $0xffff  }
0x3fa: {  	v32 =	vadd.f32 v24, v32;
	v20 =	vadd.f32 v25, v20;
	v35 =	vld.idx.msk [tilespmem:v17+s29+$0x0], $0xffff  }
0x3fb: {  	v24 =	vadd.f32 v36, v42;
	v25 =	vadd.f32 v38, v33;
	v33 =	vmul.f32 v39, v6;
	v44 =	vld.idx.msk [tilespmem:v21+s31+$0x0], $0xffff  }
0x3fc: {  	v20 =	vadd.f32 v20, v27;
	v28 =	vadd.f32 v28, v30;
	v36 =	vld.idx.msk [tilespmem:v21+s29+$0x0], $0xffff  }
0x3fd: {  	v27 =	vadd.f32 v34, v29;
	v24 =	vadd.f32 v25, v24;
	v38 =	vld.idx.msk [tilespmem:v21+s28+$0x0], $0xffff  }
0x3fe: {  	v26 =	vadd.f32 v28, v26;
	v28 =	vadd.f32 v16, v33;
	v29 =	vld.idx.msk [tilespmem:v14+s29+$0x0], $0xffff  }
0x3ff: {  	v27 =	vadd.f32 v31, v27;
	v20 =	vadd.f32 v20, v24;
	v25 =	vmul.f32 v40, v9;
	v34 =	vld.idx.msk [tilespmem:v19+s29+$0x0], $0xffff  }
0x400: {  	v39 =	vmul.f32 v50, v11;
	v24 =	vmul.f32 v35, v4;
	v40 =	vld.idx.msk [tilespmem:v15+s30+$0x0], $0xffff;
	[tilespmem:s7+$0xFFFFFF00] =	vst v26  }
0x401: {  	v30 =	vmul.f32 v46, v5;
	v16 =	vmul.f32 v44, v9;
	v26 =	vadd.f32 v28, v43;
	v33 =	vld.idx.msk [tilespmem:v45+s28+$0x0], $0xffff  }
.Ltmp3:
0x402: {  	v28 =	vmul.f32 v41, v3;
	v35 =	vmul.f32 v36, v11;
	v36 =	vadd.f32 v27, v32;
	v31 =	vld.idx.msk [tilespmem:v17+s31+$0x0], $0xffff;
	(pc) =	sbr.rel @p1 .LBB2_10-.Ltmp3, $4  }
0x403: {  	v41 =	vmul.f32 v49, v7;
	v22 =	vadd.f32 v26, v22;
	v32 =	vld.idx.msk [tilespmem:v45+s29+$0x0], $0xffff;
	[tilespmem:s7+$0x0] =	vst v20  }
0x404: {  	v42 =	vmul.f32 v29, v4;
	v20 =	vmul.f32 v37, v6;
	v27 =	vld.idx.msk [tilespmem:v18+s30+$0x0], $0xffff;
	[tilespmem:s7+$0xFFFFFE00] =	vst v36  }
0x405: {  	v26 =	vadd.f32 v41, v28;
	v37 =	vmul.f32 v34, v4;
	v29 =	vld.idx.msk [tilespmem:v19+s28+$0x0], $0xffff;
	[tilespmem:s7+$0x100] =	vst v22;
	s7 =	smov.u32 s12  }
0x406: {  	v36 =	vmul.f32 v40, v8;
	v28 =	vadd.f32 v39, v42;
	v22 =	vmul.f32 v38, v7;
	s12 =	sadd.s32 $0x400, s12;
	v34 =	vld.idx.msk [tilespmem:v45+s30+$0x0], $0xffff  }
0x407: {  	_ =	sdelay $0x3  }
0x408: {  	v12 =	vld.idx.msk [tilespmem:v18+s29+$0x0], $0xffff  }
0x409: {  	v13 =	vld.idx.msk [tilespmem:v18+s28+$0x0], $0xffff  }
0x40a: {  	v38 =	vld.idx.msk [tilespmem:v17+s28+$0x0], $0xffff  }
0x40b: {  	v39 =	vld.idx.msk [tilespmem:v19+s30+$0x0], $0xffff  }
0x40c: {  	v21 =	vld.idx.msk [tilespmem:v21+s30+$0x0], $0xffff  }
0x40d: {  	v14 =	vld.idx.msk [tilespmem:v14+s31+$0x0], $0xffff  }
0x40e: {  	v33 =	vmul.f32 v33, v7;
	v15 =	vld.idx.msk [tilespmem:v15+s31+$0x0], $0xffff  }
0x40f: {  	v23 =	vmul.f32 v23, v5;
	v35 =	vadd.f32 v35, v37;
	v31 =	vmul.f32 v31, v6;
	v42 =	vld.idx.msk [tilespmem:v18+s31+$0x0], $0xffff  }
0x410: {  	v47 =	vld.idx.msk [tilespmem:v10+s28+$0x0], $0xffff;
	v32 =	vmul.f32 v32, v11;
	v30 =	vadd.f32 v36, v30;
	v27 =	vmul.f32 v27, v8  }
0x411: {  	v49 =	vld.idx.msk [tilespmem:v10+s29+$0x0], $0xffff;
	v26 =	vadd.f32 v28, v26;
	v45 =	vmul.f32 v29, v3;
	v34 =	vmul.f32 v34, v8  }
0x412: {  	v50 =	vld.idx.msk [tilespmem:v17+s30+$0x0], $0xffff;
	v44 =	vadd.f32 v25, v31;
	v43 =	vmul.f32 v12, v11;
	v46 =	vmul.f32 v13, v7  }
0x413: {  	v53 =	vld.idx.msk [tilespmem:v19+s31+$0x0], $0xffff;
	v24 =	vadd.f32 v32, v24;
	v48 =	vmul.f32 v38, v3;
	v51 =	vmul.f32 v39, v5  }
0x414: {  	v54 =	vadd.f32 v27, v23;
	v52 =	vmul.f32 v21, v8;
	v14 =	vmul.f32 v14, v6  }
0x415: {  	v15 =	vmul.f32 v15, v9;
	v55 =	vmul.f32 v42, v9;
	v22 =	vadd.f32 v22, v45  }
0x416: {  	v3 =	vmul.f32 v47, v3;
	v4 =	vmul.f32 v49, v4;
	v56 =	vadd.f32 v33, v48  }
0x417: {  	v59 =	vmul.f32 v50, v5;
	v14 =	vadd.f32 v15, v14;
	v8 =	vadd.f32 v52, v51  }
0x418: {  	v60 =	vmul.f32 v53, v6;
	v57 =	vadd.f32 v35, v22;
	v9 =	vadd.f32 v55, v20  }
0x419: {  	v3 =	vadd.f32 v46, v3;
	v4 =	vadd.f32 v43, v4  }
0x41a: {  	v5 =	vadd.f32 v34, v59;
	v62 =	vadd.f32 v16, v60  }
0x41b: {  	v58 =	vadd.f32 v24, v56;
	v61 =	vadd.f32 v14, v30  }
0x41c: {  	s6 =	sadd.s32 $0x1, s6;
	v9 =	vadd.f32 v9, v54;
	v3 =	vadd.f32 v4, v3  }
0x41d: {  	p1 =	sne.s32 s6, $0x10;
	v5 =	vadd.f32 v44, v5;
	v63 =	vadd.f32 v61, v26  }
.Ltmp4:
0x41e: {  	v4 =	vadd.f32 v62, v8;
	v3 =	vadd.f32 v9, v3;
	(pc) =	sbr.rel @p1 .LBB2_9-.Ltmp4, $4  }
0x41f: {  	v5 =	vadd.f32 v5, v58;
	[tilespmem:s7+$0xFFFFFF00] =	vst v63  }
0x420: {  	[tilespmem:s7+$0x0] =	vst v3;
	v3 =	vadd.f32 v4, v57  }
0x421: {  	[tilespmem:s7+$0xFFFFFE00] =	vst v5  }
0x422: {  	s4 =	sadd.s32 $0x10, s4;
	[tilespmem:s7+$0x100] =	vst v3  }
0x423: {  	s19 =	rddreg [dreg:$0xa]  }
0x424: {  	s0 =	sshll.u32 s1, $0x10;
	s20 =	rddreg [dreg:$0x8]  }
0x425: {  	s21 =	simm.s32 $0x0;
	s16 =	sadd.s32 $0x1, s16;
	s0 =	sor.u32 s19, s0  }
0x426: {  	s2 =	simm.s32 $0x19BE0;
	p1 =	sne.s32 s16, $0x6;
	s0 =	sshrl.u32 s0, $0x3  }
.Ltmp5:
0x427: {  	s22 =	simm.s32 $0x1;
	s0 =	sadd.s32 s20, s0;
	(pc) =	sbr.rel @p1 .LBB2_2-.Ltmp5, $4  }
0x428: {  	[hbm4b:s0+s21] =	stream.linear.scatter [tilespmem:s2], [sflag:$0x2], $0x2000, $0x38;
	[tilespmem:$0x1CFF0] =	vst v63  }
0x429: {  	_ =	swait.ge [sflag:s22], $0xA000  }
0x42a: {  	[sflag:s22] =	ssyncset.done $0x0  }
0x42b: {  	[sflag:s22] =	ssyncadd.s32 $0xFFFF6000  }
0x42c: {  	s1 =	simm.s32 $0x2  }
0x42d: {  	_ =	swait.ge [sflag:s1], $0x2000  }
0x42e: {  	s2 =	rddreg [dreg:$0xc]  }
0x42f: {  	s0 =	rddreg [dreg:$0xb];
	s2 =	sadd.s32 $0x1, s2  }
0x430: {  	p1 =	sne.s32 s2, s0  }
.Ltmp6:
0x431: {  	_ = 	snop;
	(pc) =	sbr.rel @p1 .LBB2_1-.Ltmp6, $3  }
0x432: {  	_ =	sdelay $0x1  }
0x433: {  	[sflag:s1] =	ssyncset.done $0x0  }
0x434: {  	[sflag:s1] =	ssyncadd.s32 $0xFFFFE000  }
0x435: {  	_ =	sfence.sel $0x180000  }
0x436: {  	[bflag:$0x0] =	sbarrier.arrive $0xFFFF  }
0x437: {  	_ =	strace $0x90000047  }
0x438: {  	s0 =	stileid.u32;
	[bflag:$0x2] =	sbarrier.arrive $0xFFFF  }
0x439: {  	p0 =	sne.s32 s0, $0x0;
	s0 =	rddreg [dreg:$0x2]  }
0x43a: {  	s0 =	sadd.s32 @!p0 $0x100000, s0  }
0x43b: {  	[sflag:s0] =	ssyncadd.tile.s32 @!p0 $0x1;
	_ =	shalt  }
.Lfunc_end2:
_tile_overlayer_lowered:
.L_overlay_start_2:
0x43c: {  	(tag) =	ssettag $0x2  }
0x43d: {  	s0 =	rddreg [dreg:$0x0];
	s2 =	stileid.u32  }
0x43e: {  	s1 =	rddreg [dreg:$0x1];
	p0 =	sne.s32 s2, $0x0  }
0x43f: {  	s3 =	rddreg [dreg:$0x2];
	[bflag:$0x3] =	sbarrier.arrive $0xFFFF;
	s2 =	simm.s32 @!p0 $0x1C03  }
0x440: {  	[timem:s3], [sflag:s2] =	dma.local @!p0 [hbm:s0], s1  }
0x441: {  	s0 =	simm.s32 @!p0 $0x3  }
0x442: {  	_ =	swait.ge @!p0 [sflag:s0], s1  }
0x443: {  	s1 =	ssub.s32 @!p0 $0x0, s1;
	[sflag:s0] =	ssyncset.done @!p0 $0x0  }
0x444: {  	[sflag:s0] =	ssyncadd.s32 @!p0 s1  }
0x445: {  	[bflag:$0x3] =	sbarrier.arrive $0xFFFF  }
0x446: {  	_ =	shalt  }

</sc_bundles>
